<compile_context>
chip_gen: v7x
topology: tpu7x:2x2x1
jax: 0.10.2.dev20260603
libtpu: 0.0.44.dev20260713+nightly
codegen_flags: <defaults>
</compile_context>

<pallas_src>
import functools

import jax
import jax.numpy as jnp
from jax import lax
from jax.experimental import pallas as pl
from jax.experimental.pallas import tpu as pltpu
from jax.experimental.pallas import tpu_sc as plsc

N = 10000
E = 160000
B = 16
NPG = N // B
ALPHA = 0.1
K = 16

NCORE = 2
NSUB = 16
NP = 10240
STRIPE = NP // NSUB
NCHUNK = STRIPE // 128
DUMMY = 10100
EPT = 10240
EC = EPT // 128
FQ = 64
NV = FQ // 16


def _appnp_body(feat_hbm, srcT, dstT, p_hbm,
                src_v0, src_v1, dst_v, bA, bB, bC, bD, bF, bZ, nmat, cmat,
                acc, gs0, gs1, gs2, gs3):
    cid = lax.axis_index("c")
    sid = lax.axis_index("s")
    rowbase = sid * STRIPE

    pltpu.sync_copy(srcT.at[sid], src_v0)
    pltpu.sync_copy(srcT.at[sid], src_v1)
    pltpu.sync_copy(dstT.at[sid], dst_v)
    off0 = ((2 * cid) * NP).astype(jnp.int32)
    off1 = ((2 * cid + 1) * NP).astype(jnp.int32)

    def _offrow(i, _):
        for u in range(8):
            sl = pl.ds(u * 16, 16)
            src_v0[i, sl] = src_v0[i, sl] + off0
            src_v1[i, sl] = src_v1[i, sl] + off1
        return 0
    lax.fori_loop(0, EC, _offrow, 0)

    zv = jnp.zeros((16,), jnp.float32)
    ov = jnp.ones((16,), jnp.float32)

    def _fill(i, _):
        for u in range(NV):
            sl = pl.ds(u * 16, 16)
            bZ[i, sl] = zv
            bA[i, sl] = ov
        return 0
    lax.fori_loop(0, 128, _fill, 0)

    def _zchunk(cki, _):
        pltpu.sync_copy(bZ, acc.at[pl.ds(rowbase + cki * 128, 128)])
        return 0
    lax.fori_loop(0, NCHUNK, _zchunk, 0)
    plsc.subcore_barrier()

    def _degchunk(j, _):
        pltpu.sync_copy(bA, acc.at[dst_v.at[j]], add=True)
        return 0
    lax.fori_loop(0, EC, _degchunk, 0)
    plsc.subcore_barrier()

    def _extchunk(cki, _):
        base = rowbase + cki * 128
        pltpu.sync_copy(acc.at[pl.ds(base, 128)], bF)

        def _extrow(r, _):
            deg = bF[r, pl.ds(0, 16)] + 1.0
            ib = lax.bitcast_convert_type(deg, jnp.int32)
            ib = 0x5F3759DF - (ib >> 1)
            y = lax.bitcast_convert_type(ib, jnp.float32)
            for _r in range(4):
                y = y * (1.5 - 0.5 * deg * y * y)
            row = cki * 128 + r
            nmat[row, pl.ds(0, 16)] = y
            cmat[row, pl.ds(0, 16)] = 0.9 / deg
            return 0
        lax.fori_loop(0, 128, _extrow, 0)
        pltpu.sync_copy(bZ, acc.at[pl.ds(base, 128)])
        return 0
    lax.fori_loop(0, NCHUNK, _extchunk, 0)

    def _pinit(cki, _):
        for q in range(2):
            gbase = (2 * cid + q) * NP + rowbase + cki * 128

            pltpu.sync_copy(feat_hbm.at[pl.ds(gbase, 128)], bF)

            def _prow(r, _):
                ns = nmat[cki * 128 + r, pl.ds(0, 16)]
                for u in range(NV):
                    sl = pl.ds(u * 16, 16)
                    bF[r, sl] = bF[r, sl] * ns
                return 0
            lax.fori_loop(0, 128, _prow, 0)
            pltpu.sync_copy(bF, p_hbm.at[pl.ds(gbase, 128)])
        return 0
    lax.fori_loop(0, NCHUNK, _pinit, 0)
    plsc.subcore_barrier()

    bufs = (bA, bB, bC, bD)
    gsems = (gs0, gs1, gs2, gs3)

    def _iter(k, _):
        for q in range(2):
            src_q = src_v0 if q == 0 else src_v1
            qoff = (2 * cid + q) * NP

            pltpu.async_copy(p_hbm.at[src_q.at[0]], bufs[0], gsems[0])

            def _block(jj, _):
                for u in range(2):
                    j = jj * 2 + u

                    @pl.when(j + 1 < EC)
                    def _():
                        pltpu.async_copy(p_hbm.at[src_q.at[j + 1]],
                                         bufs[1 - u], gsems[1 - u])
                    pltpu.make_async_copy(p_hbm.at[src_q.at[j]], bufs[u],
                                          gsems[u]).wait()
                    pltpu.sync_copy(bufs[u], acc.at[dst_v.at[j]], add=True)
                return 0
            lax.fori_loop(0, EC // 2, _block, 0)
            plsc.subcore_barrier()

            def _upd(cki, _):
                base = rowbase + cki * 128
                gbase = qoff + base

                cb = pltpu.async_copy(p_hbm.at[pl.ds(gbase, 128)], bB, gs1)
                cc = pltpu.async_copy(feat_hbm.at[pl.ds(gbase, 128)], bF, gs2)
                pltpu.sync_copy(acc.at[pl.ds(base, 128)], bA)
                cb.wait()
                cc.wait()

                def _urow(r, _):
                    row = cki * 128 + r
                    cs = cmat[row, pl.ds(0, 16)]
                    ns = nmat[row, pl.ds(0, 16)]
                    nb = 0.1 * ns
                    inv = jnp.where(k == K - 1, 1.0 / ns,
                                    jnp.ones((16,), jnp.float32))
                    for u in range(NV):
                        sl = pl.ds(u * 16, 16)
                        t = (bA[r, sl] + bB[r, sl]) * cs + bF[r, sl] * nb
                        bA[r, sl] = t * inv
                    return 0
                lax.fori_loop(0, 128, _urow, 0)
                pltpu.sync_copy(bA, p_hbm.at[pl.ds(gbase, 128)])
                pltpu.sync_copy(bZ, acc.at[pl.ds(base, 128)])
                return 0
            lax.fori_loop(0, NCHUNK, _upd, 0)
            plsc.subcore_barrier()
        return 0
    lax.fori_loop(0, K, _iter, 0)


def _appnp_sc(feat4, srcT, dstT):
    mesh = plsc.VectorSubcoreMesh(core_axis_name="c", subcore_axis_name="s",
                                  num_cores=NCORE, num_subcores=NSUB)
    return pl.kernel(
        _appnp_body,
        out_type=jax.ShapeDtypeStruct((4 * NP, FQ), jnp.float32),
        mesh=mesh,
        compiler_params=pltpu.CompilerParams(use_tc_tiling_on_sc=False),
        scratch_types=[
            pltpu.VMEM((EC, 128), jnp.int32),
            pltpu.VMEM((EC, 128), jnp.int32),
            pltpu.VMEM((EC, 128), jnp.int32),
            pltpu.VMEM((128, FQ), jnp.float32),
            pltpu.VMEM((128, FQ), jnp.float32),
            pltpu.VMEM((128, FQ), jnp.float32),
            pltpu.VMEM((128, FQ), jnp.float32),
            pltpu.VMEM((128, FQ), jnp.float32),
            pltpu.VMEM((128, FQ), jnp.float32),
            pltpu.VMEM((STRIPE, 16), jnp.float32),
            pltpu.VMEM((STRIPE, 16), jnp.float32),
            pltpu.VMEM_SHARED((NP, FQ), jnp.float32),
        ] + [pltpu.SemaphoreType.DMA] * 4,
    )(feat4, srcT, dstT)


def _gru_gates(gx, gh, h, H):
    r = jax.nn.sigmoid(gx[:, :H] + gh[:, :H])
    z = jax.nn.sigmoid(gx[:, H:2 * H] + gh[:, H:2 * H])
    n = jnp.tanh(gx[:, 2 * H:] + r * gh[:, 2 * H:])
    return (1.0 - z) * n + z * h


def _seq_body(L, H, xf_ref, xb_ref, wif_ref, whf_ref, bif_ref, bhf_ref,
              wib_ref, whb_ref, bib_ref, bhb_ref,
              of_ref, ob_ref, hf, hb, sf, sb, mf, mb):
    t = pl.program_id(0)

    @pl.when(t == 0)
    def _():
        hf[...] = jnp.zeros_like(hf)
        hb[...] = jnp.zeros_like(hb)

    xf = xf_ref[0]
    xb = xb_ref[0]
    gxf = xf @ wif_ref[...] + bif_ref[...]
    ghf = hf[...] @ whf_ref[...] + bhf_ref[...]
    hf_new = _gru_gates(gxf, ghf, hf[...], H)
    hf[...] = hf_new
    gxb = xb @ wib_ref[...] + bib_ref[...]
    ghb = hb[...] @ whb_ref[...] + bhb_ref[...]
    hb_new = _gru_gates(gxb, ghb, hb[...], H)
    hb[...] = hb_new

    @pl.when(t == 0)
    def _():
        sf[...] = hf_new
        sb[...] = hb_new
        mf[...] = hf_new
        mb[...] = hb_new

    @pl.when(t > 0)
    def _():
        sf[...] = sf[...] + hf_new
        sb[...] = sb[...] + hb_new
        mf[...] = jnp.maximum(mf[...], hf_new)
        mb[...] = jnp.maximum(mb[...], hb_new)

    @pl.when(t == L - 1)
    def _():
        of_ref[...] = sf[...] * (1.0 / L) + mf[...]
        ob_ref[...] = sb[...] * (1.0 / L) + mb[...]


def _seq_bigru_pooled(xs, Wf, Uf, bif, bhf, Wb, Ub, bib, bhb):
    Bb, L, D = xs.shape
    H = Uf.shape[1]
    xt = xs.transpose(1, 0, 2)
    body = functools.partial(_seq_body, L, H)
    return pl.pallas_call(
        body,
        grid=(L,),
        in_specs=[
            pl.BlockSpec((1, Bb, D), lambda t: (t, 0, 0)),
            pl.BlockSpec((1, Bb, D), lambda t: (L - 1 - t, 0, 0)),
            pl.BlockSpec((D, 3 * H), lambda t: (0, 0)),
            pl.BlockSpec((H, 3 * H), lambda t: (0, 0)),
            pl.BlockSpec((1, 3 * H), lambda t: (0, 0)),
            pl.BlockSpec((1, 3 * H), lambda t: (0, 0)),
            pl.BlockSpec((D, 3 * H), lambda t: (0, 0)),
            pl.BlockSpec((H, 3 * H), lambda t: (0, 0)),
            pl.BlockSpec((1, 3 * H), lambda t: (0, 0)),
            pl.BlockSpec((1, 3 * H), lambda t: (0, 0)),
        ],
        out_specs=[
            pl.BlockSpec((Bb, H), lambda t: (0, 0)),
            pl.BlockSpec((Bb, H), lambda t: (0, 0)),
        ],
        out_shape=[
            jax.ShapeDtypeStruct((Bb, H), jnp.float32),
            jax.ShapeDtypeStruct((Bb, H), jnp.float32),
        ],
        scratch_shapes=[pltpu.VMEM((Bb, H), jnp.float32) for _ in range(6)],
    )(xt, xt, Wf.T, Uf.T, bif.reshape(1, -1), bhf.reshape(1, -1),
      Wb.T, Ub.T, bib.reshape(1, -1), bhb.reshape(1, -1))


def _graph_body(L, H, xf_ref, xb_ref, wif_ref, whf_ref, bif_ref, bhf_ref,
                wib_ref, whb_ref, bib_ref, bhb_ref,
                yf_ref, yb_ref, hf, hb):
    t = pl.program_id(0)

    @pl.when(t == 0)
    def _():
        hf[...] = jnp.zeros_like(hf)
        hb[...] = jnp.zeros_like(hb)

    xf = xf_ref[0]
    xb = xb_ref[0]
    gxf = xf @ wif_ref[...] + bif_ref[...]
    ghf = hf[...] @ whf_ref[...] + bhf_ref[...]
    hf_new = _gru_gates(gxf, ghf, hf[...], H)
    hf[...] = hf_new
    gxb = xb @ wib_ref[...] + bib_ref[...]
    ghb = hb[...] @ whb_ref[...] + bhb_ref[...]
    hb_new = _gru_gates(gxb, ghb, hb[...], H)
    hb[...] = hb_new
    yf_ref[0] = hf_new
    yb_ref[0] = hb_new


def _graph_bigru(xs, Wf, Uf, bif, bhf, Wb, Ub, bib, bhb):
    Bb, L, D = xs.shape
    H = Uf.shape[1]
    xt = xs.transpose(1, 0, 2)
    body = functools.partial(_graph_body, L, H)
    return pl.pallas_call(
        body,
        grid=(L,),
        in_specs=[
            pl.BlockSpec((1, Bb, D), lambda t: (t, 0, 0)),
            pl.BlockSpec((1, Bb, D), lambda t: (L - 1 - t, 0, 0)),
            pl.BlockSpec((D, 3 * H), lambda t: (0, 0)),
            pl.BlockSpec((H, 3 * H), lambda t: (0, 0)),
            pl.BlockSpec((1, 3 * H), lambda t: (0, 0)),
            pl.BlockSpec((1, 3 * H), lambda t: (0, 0)),
            pl.BlockSpec((D, 3 * H), lambda t: (0, 0)),
            pl.BlockSpec((H, 3 * H), lambda t: (0, 0)),
            pl.BlockSpec((1, 3 * H), lambda t: (0, 0)),
            pl.BlockSpec((1, 3 * H), lambda t: (0, 0)),
        ],
        out_specs=[
            pl.BlockSpec((1, Bb, H), lambda t: (t, 0, 0)),
            pl.BlockSpec((1, Bb, H), lambda t: (L - 1 - t, 0, 0)),
        ],
        out_shape=[
            jax.ShapeDtypeStruct((L, Bb, H), jnp.float32),
            jax.ShapeDtypeStruct((L, Bb, H), jnp.float32),
        ],
        scratch_shapes=[pltpu.VMEM((Bb, H), jnp.float32) for _ in range(2)],
    )(xt, xt, Wf.T, Uf.T, bif.reshape(1, -1), bhf.reshape(1, -1),
      Wb.T, Ub.T, bib.reshape(1, -1), bhb.reshape(1, -1))


def _pool_body(npg, h_ref, o_ref):
    hb = h_ref[...]
    o_ref[...] = jnp.max(hb, axis=1) + jnp.sum(hb, axis=1) * (1.0 / npg)


def _graph_pool(h):
    Bb, npg, D = h.shape
    return pl.pallas_call(
        functools.partial(_pool_body, npg),
        out_shape=jax.ShapeDtypeStruct((Bb, D), jnp.float32),
    )(h)


def _mlp2_body(gv_ref, sv_ref,
               gW0, gb0, gW1, gb1, gW2, gb2,
               sW0, sb0, sW1, sb1, sW2, sb2, o_ref):
    g = jnp.maximum(gv_ref[...] @ gW0[...] + gb0[...], 0.0)
    g = jnp.maximum(g @ gW1[...] + gb1[...], 0.0)
    g = g @ gW2[...] + gb2[...]
    s = jnp.maximum(sv_ref[...] @ sW0[...] + sb0[...], 0.0)
    s = jnp.maximum(s @ sW1[...] + sb1[...], 0.0)
    s = s @ sW2[...] + sb2[...]
    o_ref[...] = g + s


def _readout(gv, sv, mg_W0, mg_b0, mg_W1, mg_b1, mg_W2, mg_b2,
             ms_W0, ms_b0, ms_W1, ms_b1, ms_W2, ms_b2):
    Bb = gv.shape[0]
    nc = mg_W2.shape[0]
    return pl.pallas_call(
        _mlp2_body,
        out_shape=jax.ShapeDtypeStruct((Bb, nc), jnp.float32),
    )(gv, sv, mg_W0.T, mg_b0.reshape(1, -1), mg_W1.T, mg_b1.reshape(1, -1),
      mg_W2.T, mg_b2.reshape(1, -1), ms_W0.T, ms_b0.reshape(1, -1),
      ms_W1.T, ms_b1.reshape(1, -1), ms_W2.T, ms_b2.reshape(1, -1))


def kernel(x, edge_index, sequences, g_Wih_f, g_Whh_f, g_bih_f, g_bhh_f, g_Wih_b, g_Whh_b, g_bih_b, g_bhh_b, s_Wih_f, s_Whh_f, s_bih_f, s_bhh_f, s_Wih_b, s_Whh_b, s_bih_b, s_bhh_b, mg_W0, mg_b0, mg_W1, mg_b1, mg_W2, mg_b2, ms_W0, ms_b0, ms_W1, ms_b1, ms_W2, ms_b2):
    ovf, ovb = _seq_bigru_pooled(sequences, s_Wih_f, s_Whh_f, s_bih_f, s_bhh_f,
                                 s_Wih_b, s_Whh_b, s_bih_b, s_bhh_b)
    seqv = jnp.concatenate([ovf, ovb], axis=1)
    yf, yb = _graph_bigru(x.reshape(B, NPG, -1), g_Wih_f, g_Whh_f, g_bih_f,
                          g_bhh_f, g_Wih_b, g_Whh_b, g_bih_b, g_bhh_b)
    feat = jnp.concatenate([yf, yb], axis=2).transpose(1, 0, 2).reshape(N, -1)

    feat4 = jnp.zeros((4, NP, FQ), jnp.float32)
    featq = feat.reshape(N, 4, FQ).transpose(1, 0, 2)
    feat4 = feat4.at[:, :N, :].set(featq).reshape(4 * NP, FQ)
    src = edge_index[0]
    dst = edge_index[1]
    pad = jnp.full((EPT * NSUB - E,), DUMMY, jnp.int32)
    srcT = jnp.concatenate([src, pad]).reshape(NSUB, EC, 128)
    dstT = jnp.concatenate([dst, pad]).reshape(NSUB, EC, 128)
    p = _appnp_sc(feat4, srcT, dstT)
    h = p.reshape(4, NP, FQ)[:, :N, :].transpose(1, 0, 2).reshape(N, 4 * FQ)

    gv = _graph_pool(h.reshape(B, NPG, -1))
    return _readout(gv, seqv, mg_W0, mg_b0, mg_W1, mg_b1, mg_W2, mg_b2,
                    ms_W0, ms_b0, ms_W1, ms_b1, ms_W2, ms_b2)

# --- scband reference (transcript-rebuilt; emitter-appended) ---
"""Pipeline reference for scband-full-livablemodel-40338332844346 (READ-ONLY COPY).

The authoritative reference and input builder live on the scoring server;
editing this copy changes nothing except your own understanding.
"""

import jax, jax.numpy as jnp
import numpy as np

N = 10000
E = 160000
B = 16
NPG = N // B
L = 256
D_IN = 128
GH = 128
SH = 512
NC = 14
ALPHA = 0.1
K = 16

def _w(key, out_d, in_d):
    return jax.random.normal(key, (out_d, in_d), jnp.float32) * (1.0 / np.sqrt(in_d))

def setup_inputs(seed: int = 0):
    key = jax.random.key(seed)
    ks = jax.random.split(key, 24)
    inp = {}
    inp["x"] = jax.random.normal(ks[0], (N, D_IN), jnp.float32)
    inp["edge_index"] = jax.random.randint(ks[1], (2, E), 0, N, dtype=jnp.int32)
    inp["sequences"] = jax.random.normal(ks[2], (B, L, D_IN), jnp.float32)
    inp["g_Wih_f"] = _w(ks[3], 3 * GH, D_IN)
    inp["g_Whh_f"] = _w(ks[4], 3 * GH, GH)
    inp["g_bih_f"] = jnp.zeros((3 * GH,), jnp.float32)
    inp["g_bhh_f"] = jnp.zeros((3 * GH,), jnp.float32)
    inp["g_Wih_b"] = _w(ks[5], 3 * GH, D_IN)
    inp["g_Whh_b"] = _w(ks[6], 3 * GH, GH)
    inp["g_bih_b"] = jnp.zeros((3 * GH,), jnp.float32)
    inp["g_bhh_b"] = jnp.zeros((3 * GH,), jnp.float32)
    inp["s_Wih_f"] = _w(ks[7], 3 * SH, D_IN)
    inp["s_Whh_f"] = _w(ks[8], 3 * SH, SH)
    inp["s_bih_f"] = jnp.zeros((3 * SH,), jnp.float32)
    inp["s_bhh_f"] = jnp.zeros((3 * SH,), jnp.float32)
    inp["s_Wih_b"] = _w(ks[9], 3 * SH, D_IN)
    inp["s_Whh_b"] = _w(ks[10], 3 * SH, SH)
    inp["s_bih_b"] = jnp.zeros((3 * SH,), jnp.float32)
    inp["s_bhh_b"] = jnp.zeros((3 * SH,), jnp.float32)
    inp["mg_W0"] = _w(ks[11], 128, 256)
    inp["mg_b0"] = jnp.zeros((128,), jnp.float32)
    inp["mg_W1"] = _w(ks[12], 64, 128)
    inp["mg_b1"] = jnp.zeros((64,), jnp.float32)
    inp["mg_W2"] = _w(ks[13], NC, 64)
    inp["mg_b2"] = jnp.zeros((NC,), jnp.float32)
    inp["ms_W0"] = _w(ks[14], 512, 1024)
    inp["ms_b0"] = jnp.zeros((512,), jnp.float32)
    inp["ms_W1"] = _w(ks[15], 256, 512)
    inp["ms_b1"] = jnp.zeros((256,), jnp.float32)
    inp["ms_W2"] = _w(ks[16], NC, 256)
    inp["ms_b2"] = jnp.zeros((NC,), jnp.float32)
    return inp

def _gru_dir(xs, Wih, Whh, bih, bhh):
    H = Whh.shape[1]
    gx = jnp.einsum('btd,gd->btg', xs, Wih) + bih
    def step(h, g):
        gh = h @ Whh.T + bhh
        rx, zx, nx = jnp.split(g, 3, axis=-1)
        rh, zh, nh = jnp.split(gh, 3, axis=-1)
        r = jax.nn.sigmoid(rx + rh)
        z = jax.nn.sigmoid(zx + zh)
        n = jnp.tanh(nx + r * nh)
        h_new = (1.0 - z) * n + z * h
        return h_new, h_new
    h0 = jnp.zeros((xs.shape[0], H), xs.dtype)
    _, ys = jax.lax.scan(step, h0, jnp.swapaxes(gx, 0, 1))
    return jnp.swapaxes(ys, 0, 1)

def _bigru(xs, Wf, Uf, bif, bhf, Wb, Ub, bib, bhb):
    yf = _gru_dir(xs, Wf, Uf, bif, bhf)
    yb = _gru_dir(xs[:, ::-1, :], Wb, Ub, bib, bhb)[:, ::-1, :]
    return jnp.concatenate([yf, yb], axis=-1)

def _mlp(v, W0, b0, W1, b1, W2, b2):
    v = jax.nn.relu(v @ W0.T + b0)
    v = jax.nn.relu(v @ W1.T + b1)
    return v @ W2.T + b2

def _appnp(feat, src, dst):
    deg = jax.ops.segment_sum(jnp.ones(src.shape[0], jnp.float32), dst, num_segments=N)
    norm = jnp.where(deg > 0, deg, 1.0) ** -0.5
    h0 = feat
    h = feat
    for _ in range(K):
        h = h * norm[:, None]
        h = jax.ops.segment_sum(h[src], dst, num_segments=N)
        h = h * norm[:, None]
        h = (1.0 - ALPHA) * h + ALPHA * h0
    return h

def reference(x, edge_index, sequences, g_Wih_f, g_Whh_f, g_bih_f, g_bhh_f, g_Wih_b, g_Whh_b, g_bih_b, g_bhh_b, s_Wih_f, s_Whh_f, s_bih_f, s_bhh_f, s_Wih_b, s_Whh_b, s_bih_b, s_bhh_b, mg_W0, mg_b0, mg_W1, mg_b1, mg_W2, mg_b2, ms_W0, ms_b0, ms_W1, ms_b1, ms_W2, ms_b2):
    seq = _bigru(sequences, s_Wih_f, s_Whh_f, s_bih_f, s_bhh_f, s_Wih_b, s_Whh_b, s_bih_b, s_bhh_b)
    seq1 = jnp.mean(seq, axis=1)
    seq2 = jnp.max(seq, axis=1)
    st = x.reshape(B, NPG, D_IN)
    st = _bigru(st, g_Wih_f, g_Whh_f, g_bih_f, g_bhh_f, g_Wih_b, g_Whh_b, g_bih_b, g_bhh_b)
    feat = st.reshape(N, 2 * GH)
    loops = jnp.arange(N, dtype=edge_index.dtype)
    src = jnp.concatenate([edge_index[0], loops])
    dst = jnp.concatenate([edge_index[1], loops])
    h = _appnp(feat, src, dst)
    st = h.reshape(B, NPG, 2 * GH)
    st1 = jnp.max(st, axis=1)
    st2 = jnp.mean(st, axis=1)
    graph_outputs = _mlp(st1 + st2, mg_W0, mg_b0, mg_W1, mg_b1, mg_W2, mg_b2)
    seq_outputs = _mlp(seq1 + seq2, ms_W0, ms_b0, ms_W1, ms_b1, ms_W2, ms_b2)
    return graph_outputs + seq_outputs

if __name__ == "__main__":
    import jax
    _d = setup_inputs()
    print(jax.jit(kernel)(*tuple(_d.values())))

</pallas_src>

<mosaic_0001>
#map = affine_map<(d0, d1) -> (0, 0)>
#map1 = affine_map<(d0, d1) -> (0, 0, 0)>
module attributes {stable_mosaic.version = 14 : i64} {
  func.func @_appnp_body(%arg0: i32, %arg1: i32, %arg2: memref<40960x64xf32, #tpu.memory_space<hbm>>, %arg3: memref<16x80x128xi32, #tpu.memory_space<hbm>>, %arg4: memref<16x80x128xi32, #tpu.memory_space<hbm>>, %arg5: memref<40960x64xf32, #tpu.memory_space<hbm>>, %arg6: memref<80x128xi32, #tpu.memory_space<vmem>>, %arg7: memref<80x128xi32, #tpu.memory_space<vmem>>, %arg8: memref<80x128xi32, #tpu.memory_space<vmem>>, %arg9: memref<128x64xf32, #tpu.memory_space<vmem>>, %arg10: memref<128x64xf32, #tpu.memory_space<vmem>>, %arg11: memref<128x64xf32, #tpu.memory_space<vmem>>, %arg12: memref<128x64xf32, #tpu.memory_space<vmem>>, %arg13: memref<128x64xf32, #tpu.memory_space<vmem>>, %arg14: memref<128x64xf32, #tpu.memory_space<vmem>>, %arg15: memref<640x16xf32, #tpu.memory_space<vmem>>, %arg16: memref<640x16xf32, #tpu.memory_space<vmem>>, %arg17: memref<10240x64xf32, #tpu.memory_space<vmem_shared>>, %arg18: memref<!tpu.dma_semaphore, #tpu.memory_space<semaphore_mem>>, %arg19: memref<!tpu.dma_semaphore, #tpu.memory_space<semaphore_mem>>, %arg20: memref<!tpu.dma_semaphore, #tpu.memory_space<semaphore_mem>>, %arg21: memref<!tpu.dma_semaphore, #tpu.memory_space<semaphore_mem>>) attributes {dimension_semantics = [#tpu.dimension_semantics<core_parallel>, #tpu.dimension_semantics<subcore_parallel>], iteration_bounds = array<i64: 2, 16>, scalar_prefetch = 0 : i64, scratch_operands = 16 : i64, tpu.core_type = #tpu.core_type<sc_vector_subcore>, window_params = [{transform_indices = #map}, {transform_indices = #map1}, {transform_indices = #map1}, {transform_indices = #map}]} {
    %mul3A = arith.constant 640 : i32
    %mul3A_0 = arith.muli %arg1, %mul3A : i32
    "tpu.region"() ({
      %run_scoped3A = tpu.sem_alloc : memref<!tpu.dma_semaphore, #tpu.memory_space<semaphore_mem>>
      %dma_start3A = arith.constant 0 : i32
      %dma_start3A_63 = arith.constant 0 : i32
      %dma_start3A_64 = tpu.memref_slice %arg3[%arg1, %dma_start3A, %dma_start3A_63] : memref<16x80x128xi32, #tpu.memory_space<hbm>> -> memref<1x80x128xi32, #tpu.memory_space<hbm>>
      %dma_start3A_65 = tpu.memref_squeeze %dma_start3A_64 : memref<1x80x128xi32, #tpu.memory_space<hbm>> -> memref<80x128xi32, #tpu.memory_space<hbm>>
      %dma_start3A_66 = arith.constant 0 : i32
      %dma_start3A_67 = arith.constant 0 : i32
      %dma_start3A_68 = tpu.memref_slice %arg3[%arg1, %dma_start3A_66, %dma_start3A_67] : memref<16x80x128xi32, #tpu.memory_space<hbm>> -> memref<1x80x128xi32, #tpu.memory_space<hbm>>
      %dma_start3A_69 = tpu.memref_squeeze %dma_start3A_68 : memref<1x80x128xi32, #tpu.memory_space<hbm>> -> memref<80x128xi32, #tpu.memory_space<hbm>>
      tpu.enqueue_dma source(%dma_start3A_69 : memref<80x128xi32, #tpu.memory_space<hbm>>) target(%arg6 : memref<80x128xi32, #tpu.memory_space<vmem>>) target_semaphore(%run_scoped3A : memref<!tpu.dma_semaphore, #tpu.memory_space<semaphore_mem>>)
      %dma_wait3A = arith.constant 0 : i32
      %dma_wait3A_70 = arith.constant 0 : i32
      %dma_wait3A_71 = tpu.memref_slice %arg3[%arg1, %dma_wait3A, %dma_wait3A_70] : memref<16x80x128xi32, #tpu.memory_space<hbm>> -> memref<1x80x128xi32, #tpu.memory_space<hbm>>
      %dma_wait3A_72 = tpu.memref_squeeze %dma_wait3A_71 : memref<1x80x128xi32, #tpu.memory_space<hbm>> -> memref<80x128xi32, #tpu.memory_space<hbm>>
      %dma_wait3A_73 = arith.constant 0 : i32
      %dma_wait3A_74 = arith.constant 0 : i32
      %dma_wait3A_75 = tpu.memref_slice %arg3[%arg1, %dma_wait3A_73, %dma_wait3A_74] : memref<16x80x128xi32, #tpu.memory_space<hbm>> -> memref<1x80x128xi32, #tpu.memory_space<hbm>>
      %dma_wait3A_76 = tpu.memref_squeeze %dma_wait3A_75 : memref<1x80x128xi32, #tpu.memory_space<hbm>> -> memref<80x128xi32, #tpu.memory_space<hbm>>
      tpu.wait_dma2 semaphore(%run_scoped3A : memref<!tpu.dma_semaphore, #tpu.memory_space<semaphore_mem>>) src(%dma_wait3A_76 : memref<80x128xi32, #tpu.memory_space<hbm>>) dst(%arg6 : memref<80x128xi32, #tpu.memory_space<vmem>>)
      tpu.yield
    }) : () -> ()
    "tpu.region"() ({
      %run_scoped3A = tpu.sem_alloc : memref<!tpu.dma_semaphore, #tpu.memory_space<semaphore_mem>>
      %dma_start3A = arith.constant 0 : i32
      %dma_start3A_63 = arith.constant 0 : i32
      %dma_start3A_64 = tpu.memref_slice %arg3[%arg1, %dma_start3A, %dma_start3A_63] : memref<16x80x128xi32, #tpu.memory_space<hbm>> -> memref<1x80x128xi32, #tpu.memory_space<hbm>>
      %dma_start3A_65 = tpu.memref_squeeze %dma_start3A_64 : memref<1x80x128xi32, #tpu.memory_space<hbm>> -> memref<80x128xi32, #tpu.memory_space<hbm>>
      %dma_start3A_66 = arith.constant 0 : i32
      %dma_start3A_67 = arith.constant 0 : i32
      %dma_start3A_68 = tpu.memref_slice %arg3[%arg1, %dma_start3A_66, %dma_start3A_67] : memref<16x80x128xi32, #tpu.memory_space<hbm>> -> memref<1x80x128xi32, #tpu.memory_space<hbm>>
      %dma_start3A_69 = tpu.memref_squeeze %dma_start3A_68 : memref<1x80x128xi32, #tpu.memory_space<hbm>> -> memref<80x128xi32, #tpu.memory_space<hbm>>
      tpu.enqueue_dma source(%dma_start3A_69 : memref<80x128xi32, #tpu.memory_space<hbm>>) target(%arg7 : memref<80x128xi32, #tpu.memory_space<vmem>>) target_semaphore(%run_scoped3A : memref<!tpu.dma_semaphore, #tpu.memory_space<semaphore_mem>>)
      %dma_wait3A = arith.constant 0 : i32
      %dma_wait3A_70 = arith.constant 0 : i32
      %dma_wait3A_71 = tpu.memref_slice %arg3[%arg1, %dma_wait3A, %dma_wait3A_70] : memref<16x80x128xi32, #tpu.memory_space<hbm>> -> memref<1x80x128xi32, #tpu.memory_space<hbm>>
      %dma_wait3A_72 = tpu.memref_squeeze %dma_wait3A_71 : memref<1x80x128xi32, #tpu.memory_space<hbm>> -> memref<80x128xi32, #tpu.memory_space<hbm>>
      %dma_wait3A_73 = arith.constant 0 : i32
      %dma_wait3A_74 = arith.constant 0 : i32
      %dma_wait3A_75 = tpu.memref_slice %arg3[%arg1, %dma_wait3A_73, %dma_wait3A_74] : memref<16x80x128xi32, #tpu.memory_space<hbm>> -> memref<1x80x128xi32, #tpu.memory_space<hbm>>
      %dma_wait3A_76 = tpu.memref_squeeze %dma_wait3A_75 : memref<1x80x128xi32, #tpu.memory_space<hbm>> -> memref<80x128xi32, #tpu.memory_space<hbm>>
      tpu.wait_dma2 semaphore(%run_scoped3A : memref<!tpu.dma_semaphore, #tpu.memory_space<semaphore_mem>>) src(%dma_wait3A_76 : memref<80x128xi32, #tpu.memory_space<hbm>>) dst(%arg7 : memref<80x128xi32, #tpu.memory_space<vmem>>)
      tpu.yield
    }) : () -> ()
    "tpu.region"() ({
      %run_scoped3A = tpu.sem_alloc : memref<!tpu.dma_semaphore, #tpu.memory_space<semaphore_mem>>
      %dma_start3A = arith.constant 0 : i32
      %dma_start3A_63 = arith.constant 0 : i32
      %dma_start3A_64 = tpu.memref_slice %arg4[%arg1, %dma_start3A, %dma_start3A_63] : memref<16x80x128xi32, #tpu.memory_space<hbm>> -> memref<1x80x128xi32, #tpu.memory_space<hbm>>
      %dma_start3A_65 = tpu.memref_squeeze %dma_start3A_64 : memref<1x80x128xi32, #tpu.memory_space<hbm>> -> memref<80x128xi32, #tpu.memory_space<hbm>>
      %dma_start3A_66 = arith.constant 0 : i32
      %dma_start3A_67 = arith.constant 0 : i32
      %dma_start3A_68 = tpu.memref_slice %arg4[%arg1, %dma_start3A_66, %dma_start3A_67] : memref<16x80x128xi32, #tpu.memory_space<hbm>> -> memref<1x80x128xi32, #tpu.memory_space<hbm>>
      %dma_start3A_69 = tpu.memref_squeeze %dma_start3A_68 : memref<1x80x128xi32, #tpu.memory_space<hbm>> -> memref<80x128xi32, #tpu.memory_space<hbm>>
      tpu.enqueue_dma source(%dma_start3A_69 : memref<80x128xi32, #tpu.memory_space<hbm>>) target(%arg8 : memref<80x128xi32, #tpu.memory_space<vmem>>) target_semaphore(%run_scoped3A : memref<!tpu.dma_semaphore, #tpu.memory_space<semaphore_mem>>)
      %dma_wait3A = arith.constant 0 : i32
      %dma_wait3A_70 = arith.constant 0 : i32
      %dma_wait3A_71 = tpu.memref_slice %arg4[%arg1, %dma_wait3A, %dma_wait3A_70] : memref<16x80x128xi32, #tpu.memory_space<hbm>> -> memref<1x80x128xi32, #tpu.memory_space<hbm>>
      %dma_wait3A_72 = tpu.memref_squeeze %dma_wait3A_71 : memref<1x80x128xi32, #tpu.memory_space<hbm>> -> memref<80x128xi32, #tpu.memory_space<hbm>>
      %dma_wait3A_73 = arith.constant 0 : i32
      %dma_wait3A_74 = arith.constant 0 : i32
      %dma_wait3A_75 = tpu.memref_slice %arg4[%arg1, %dma_wait3A_73, %dma_wait3A_74] : memref<16x80x128xi32, #tpu.memory_space<hbm>> -> memref<1x80x128xi32, #tpu.memory_space<hbm>>
      %dma_wait3A_76 = tpu.memref_squeeze %dma_wait3A_75 : memref<1x80x128xi32, #tpu.memory_space<hbm>> -> memref<80x128xi32, #tpu.memory_space<hbm>>
      tpu.wait_dma2 semaphore(%run_scoped3A : memref<!tpu.dma_semaphore, #tpu.memory_space<semaphore_mem>>) src(%dma_wait3A_76 : memref<80x128xi32, #tpu.memory_space<hbm>>) dst(%arg8 : memref<80x128xi32, #tpu.memory_space<vmem>>)
      tpu.yield
    }) : () -> ()
    %mul3A_1 = arith.constant 2 : i32
    %mul3A_2 = arith.muli %mul3A_1, %arg0 : i32
    %mul3A_3 = arith.constant 10240 : i32
    %mul3A_4 = arith.muli %mul3A_2, %mul3A_3 : i32
    %mul3A_5 = arith.constant 2 : i32
    %mul3A_6 = arith.muli %mul3A_5, %arg0 : i32
    %add3A = arith.constant 1 : i32
    %add3A_7 = arith.addi %mul3A_6, %add3A : i32
    %mul3A_8 = arith.constant 10240 : i32
    %mul3A_9 = arith.muli %add3A_7, %mul3A_8 : i32
    %scan3A = arith.constant 0 : i32
    %scan3A_10 = arith.constant 0 : i32
    %scan3A_11 = arith.constant 80 : i32
    %scan3A_12 = arith.addi %scan3A_10, %scan3A_11 : i32
    %scan3A_13 = arith.constant 1 : i32
    %scan3A_14 = scf.for %scan3A_63 = %scan3A_10 to %scan3A_12 step %scan3A_13 iter_args(%scan3A_64 = %scan3A) -> (i32)  : i32 {
      %get3A = arith.index_cast %scan3A_63 : i32 to index
      %get3A_65 = arith.constant 0 : index
      %get3A_66 = tpu.vector_load %arg6[%get3A, %get3A_65] {strides = array<i32>} : memref<80x128xi32, #tpu.memory_space<vmem>>, vector<1x16xi32>,
      %get3A_67 = vector.shape_cast %get3A_66 : vector<1x16xi32> to vector<16xi32>
      %add3A_68 = vector.broadcast %mul3A_4 : i32 to vector<16xi32>
      %add3A_69 = arith.addi %get3A_67, %add3A_68 : vector<16xi32>
      %swap3A = arith.index_cast %scan3A_63 : i32 to index
      %swap3A_70 = arith.constant 0 : index
      %swap3A_71 = tpu.vector_load %arg6[%swap3A, %swap3A_70] {strides = array<i32>} : memref<80x128xi32, #tpu.memory_space<vmem>>, vector<1x16xi32>,
      %swap3A_72 = vector.shape_cast %swap3A_71 : vector<1x16xi32> to vector<16xi32>
      %swap3A_73 = vector.shape_cast %add3A_69 : vector<16xi32> to vector<1x16xi32>
      tpu.vector_store %arg6[%swap3A, %swap3A_70], %swap3A_73 {strides = array<i32>} : memref<80x128xi32, #tpu.memory_space<vmem>>, vector<1x16xi32>,
      %get3A_74 = arith.index_cast %scan3A_63 : i32 to index
      %get3A_75 = arith.constant 0 : index
      %get3A_76 = tpu.vector_load %arg7[%get3A_74, %get3A_75] {strides = array<i32>} : memref<80x128xi32, #tpu.memory_space<vmem>>, vector<1x16xi32>,
      %get3A_77 = vector.shape_cast %get3A_76 : vector<1x16xi32> to vector<16xi32>
      %add3A_78 = vector.broadcast %mul3A_9 : i32 to vector<16xi32>
      %add3A_79 = arith.addi %get3A_77, %add3A_78 : vector<16xi32>
      %swap3A_80 = arith.index_cast %scan3A_63 : i32 to index
      %swap3A_81 = arith.constant 0 : index
      %swap3A_82 = tpu.vector_load %arg7[%swap3A_80, %swap3A_81] {strides = array<i32>} : memref<80x128xi32, #tpu.memory_space<vmem>>, vector<1x16xi32>,
      %swap3A_83 = vector.shape_cast %swap3A_82 : vector<1x16xi32> to vector<16xi32>
      %swap3A_84 = vector.shape_cast %add3A_79 : vector<16xi32> to vector<1x16xi32>
      tpu.vector_store %arg7[%swap3A_80, %swap3A_81], %swap3A_84 {strides = array<i32>} : memref<80x128xi32, #tpu.memory_space<vmem>>, vector<1x16xi32>,
      %get3A_85 = arith.index_cast %scan3A_63 : i32 to index
      %get3A_86 = arith.constant 16 : index
      %get3A_87 = tpu.vector_load %arg6[%get3A_85, %get3A_86] {strides = array<i32>} : memref<80x128xi32, #tpu.memory_space<vmem>>, vector<1x16xi32>,
      %get3A_88 = vector.shape_cast %get3A_87 : vector<1x16xi32> to vector<16xi32>
      %add3A_89 = vector.broadcast %mul3A_4 : i32 to vector<16xi32>
      %add3A_90 = arith.addi %get3A_88, %add3A_89 : vector<16xi32>
      %swap3A_91 = arith.index_cast %scan3A_63 : i32 to index
      %swap3A_92 = arith.constant 16 : index
      %swap3A_93 = tpu.vector_load %arg6[%swap3A_91, %swap3A_92] {strides = array<i32>} : memref<80x128xi32, #tpu.memory_space<vmem>>, vector<1x16xi32>,
      %swap3A_94 = vector.shape_cast %swap3A_93 : vector<1x16xi32> to vector<16xi32>
      %swap3A_95 = vector.shape_cast %add3A_90 : vector<16xi32> to vector<1x16xi32>
      tpu.vector_store %arg6[%swap3A_91, %swap3A_92], %swap3A_95 {strides = array<i32>} : memref<80x128xi32, #tpu.memory_space<vmem>>, vector<1x16xi32>,
      %get3A_96 = arith.index_cast %scan3A_63 : i32 to index
      %get3A_97 = arith.constant 16 : index
      %get3A_98 = tpu.vector_load %arg7[%get3A_96, %get3A_97] {strides = array<i32>} : memref<80x128xi32, #tpu.memory_space<vmem>>, vector<1x16xi32>,
      %get3A_99 = vector.shape_cast %get3A_98 : vector<1x16xi32> to vector<16xi32>
      %add3A_100 = vector.broadcast %mul3A_9 : i32 to vector<16xi32>
      %add3A_101 = arith.addi %get3A_99, %add3A_100 : vector<16xi32>
      %swap3A_102 = arith.index_cast %scan3A_63 : i32 to index
      %swap3A_103 = arith.constant 16 : index
      %swap3A_104 = tpu.vector_load %arg7[%swap3A_102, %swap3A_103] {strides = array<i32>} : memref<80x128xi32, #tpu.memory_space<vmem>>, vector<1x16xi32>,
      %swap3A_105 = vector.shape_cast %swap3A_104 : vector<1x16xi32> to vector<16xi32>
      %swap3A_106 = vector.shape_cast %add3A_101 : vector<16xi32> to vector<1x16xi32>
      tpu.vector_store %arg7[%swap3A_102, %swap3A_103], %swap3A_106 {strides = array<i32>} : memref<80x128xi32, #tpu.memory_space<vmem>>, vector<1x16xi32>,
      %get3A_107 = arith.index_cast %scan3A_63 : i32 to index
      %get3A_108 = arith.constant 32 : index
      %get3A_109 = tpu.vector_load %arg6[%get3A_107, %get3A_108] {strides = array<i32>} : memref<80x128xi32, #tpu.memory_space<vmem>>, vector<1x16xi32>,
      %get3A_110 = vector.shape_cast %get3A_109 : vector<1x16xi32> to vector<16xi32>
      %add3A_111 = vector.broadcast %mul3A_4 : i32 to vector<16xi32>
      %add3A_112 = arith.addi %get3A_110, %add3A_111 : vector<16xi32>
      %swap3A_113 = arith.index_cast %scan3A_63 : i32 to index
      %swap3A_114 = arith.constant 32 : index
      %swap3A_115 = tpu.vector_load %arg6[%swap3A_113, %swap3A_114] {strides = array<i32>} : memref<80x128xi32, #tpu.memory_space<vmem>>, vector<1x16xi32>,
      %swap3A_116 = vector.shape_cast %swap3A_115 : vector<1x16xi32> to vector<16xi32>
      %swap3A_117 = vector.shape_cast %add3A_112 : vector<16xi32> to vector<1x16xi32>
      tpu.vector_store %arg6[%swap3A_113, %swap3A_114], %swap3A_117 {strides = array<i32>} : memref<80x128xi32, #tpu.memory_space<vmem>>, vector<1x16xi32>,
      %get3A_118 = arith.index_cast %scan3A_63 : i32 to index
      %get3A_119 = arith.constant 32 : index
      %get3A_120 = tpu.vector_load %arg7[%get3A_118, %get3A_119] {strides = array<i32>} : memref<80x128xi32, #tpu.memory_space<vmem>>, vector<1x16xi32>,
      %get3A_121 = vector.shape_cast %get3A_120 : vector<1x16xi32> to vector<16xi32>
      %add3A_122 = vector.broadcast %mul3A_9 : i32 to vector<16xi32>
      %add3A_123 = arith.addi %get3A_121, %add3A_122 : vector<16xi32>
      %swap3A_124 = arith.index_cast %scan3A_63 : i32 to index
      %swap3A_125 = arith.constant 32 : index
      %swap3A_126 = tpu.vector_load %arg7[%swap3A_124, %swap3A_125] {strides = array<i32>} : memref<80x128xi32, #tpu.memory_space<vmem>>, vector<1x16xi32>,
      %swap3A_127 = vector.shape_cast %swap3A_126 : vector<1x16xi32> to vector<16xi32>
      %swap3A_128 = vector.shape_cast %add3A_123 : vector<16xi32> to vector<1x16xi32>
      tpu.vector_store %arg7[%swap3A_124, %swap3A_125], %swap3A_128 {strides = array<i32>} : memref<80x128xi32, #tpu.memory_space<vmem>>, vector<1x16xi32>,
      %get3A_129 = arith.index_cast %scan3A_63 : i32 to index
      %get3A_130 = arith.constant 48 : index
      %get3A_131 = tpu.vector_load %arg6[%get3A_129, %get3A_130] {strides = array<i32>} : memref<80x128xi32, #tpu.memory_space<vmem>>, vector<1x16xi32>,
      %get3A_132 = vector.shape_cast %get3A_131 : vector<1x16xi32> to vector<16xi32>
      %add3A_133 = vector.broadcast %mul3A_4 : i32 to vector<16xi32>
      %add3A_134 = arith.addi %get3A_132, %add3A_133 : vector<16xi32>
      %swap3A_135 = arith.index_cast %scan3A_63 : i32 to index
      %swap3A_136 = arith.constant 48 : index
      %swap3A_137 = tpu.vector_load %arg6[%swap3A_135, %swap3A_136] {strides = array<i32>} : memref<80x128xi32, #tpu.memory_space<vmem>>, vector<1x16xi32>,
      %swap3A_138 = vector.shape_cast %swap3A_137 : vector<1x16xi32> to vector<16xi32>
      %swap3A_139 = vector.shape_cast %add3A_134 : vector<16xi32> to vector<1x16xi32>
      tpu.vector_store %arg6[%swap3A_135, %swap3A_136], %swap3A_139 {strides = array<i32>} : memref<80x128xi32, #tpu.memory_space<vmem>>, vector<1x16xi32>,
      %get3A_140 = arith.index_cast %scan3A_63 : i32 to index
      %get3A_141 = arith.constant 48 : index
      %get3A_142 = tpu.vector_load %arg7[%get3A_140, %get3A_141] {strides = array<i32>} : memref<80x128xi32, #tpu.memory_space<vmem>>, vector<1x16xi32>,
      %get3A_143 = vector.shape_cast %get3A_142 : vector<1x16xi32> to vector<16xi32>
      %add3A_144 = vector.broadcast %mul3A_9 : i32 to vector<16xi32>
      %add3A_145 = arith.addi %get3A_143, %add3A_144 : vector<16xi32>
      %swap3A_146 = arith.index_cast %scan3A_63 : i32 to index
      %swap3A_147 = arith.constant 48 : index
      %swap3A_148 = tpu.vector_load %arg7[%swap3A_146, %swap3A_147] {strides = array<i32>} : memref<80x128xi32, #tpu.memory_space<vmem>>, vector<1x16xi32>,
      %swap3A_149 = vector.shape_cast %swap3A_148 : vector<1x16xi32> to vector<16xi32>
      %swap3A_150 = vector.shape_cast %add3A_145 : vector<16xi32> to vector<1x16xi32>
      tpu.vector_store %arg7[%swap3A_146, %swap3A_147], %swap3A_150 {strides = array<i32>} : memref<80x128xi32, #tpu.memory_space<vmem>>, vector<1x16xi32>,
      %get3A_151 = arith.index_cast %scan3A_63 : i32 to index
      %get3A_152 = arith.constant 64 : index
      %get3A_153 = tpu.vector_load %arg6[%get3A_151, %get3A_152] {strides = array<i32>} : memref<80x128xi32, #tpu.memory_space<vmem>>, vector<1x16xi32>,
      %get3A_154 = vector.shape_cast %get3A_153 : vector<1x16xi32> to vector<16xi32>
      %add3A_155 = vector.broadcast %mul3A_4 : i32 to vector<16xi32>
      %add3A_156 = arith.addi %get3A_154, %add3A_155 : vector<16xi32>
      %swap3A_157 = arith.index_cast %scan3A_63 : i32 to index
      %swap3A_158 = arith.constant 64 : index
      %swap3A_159 = tpu.vector_load %arg6[%swap3A_157, %swap3A_158] {strides = array<i32>} : memref<80x128xi32, #tpu.memory_space<vmem>>, vector<1x16xi32>,
      %swap3A_160 = vector.shape_cast %swap3A_159 : vector<1x16xi32> to vector<16xi32>
      %swap3A_161 = vector.shape_cast %add3A_156 : vector<16xi32> to vector<1x16xi32>
      tpu.vector_store %arg6[%swap3A_157, %swap3A_158], %swap3A_161 {strides = array<i32>} : memref<80x128xi32, #tpu.memory_space<vmem>>, vector<1x16xi32>,
      %get3A_162 = arith.index_cast %scan3A_63 : i32 to index
      %get3A_163 = arith.constant 64 : index
      %get3A_164 = tpu.vector_load %arg7[%get3A_162, %get3A_163] {strides = array<i32>} : memref<80x128xi32, #tpu.memory_space<vmem>>, vector<1x16xi32>,
      %get3A_165 = vector.shape_cast %get3A_164 : vector<1x16xi32> to vector<16xi32>
      %add3A_166 = vector.broadcast %mul3A_9 : i32 to vector<16xi32>
      %add3A_167 = arith.addi %get3A_165, %add3A_166 : vector<16xi32>
      %swap3A_168 = arith.index_cast %scan3A_63 : i32 to index
      %swap3A_169 = arith.constant 64 : index
      %swap3A_170 = tpu.vector_load %arg7[%swap3A_168, %swap3A_169] {strides = array<i32>} : memref<80x128xi32, #tpu.memory_space<vmem>>, vector<1x16xi32>,
      %swap3A_171 = vector.shape_cast %swap3A_170 : vector<1x16xi32> to vector<16xi32>
      %swap3A_172 = vector.shape_cast %add3A_167 : vector<16xi32> to vector<1x16xi32>
      tpu.vector_store %arg7[%swap3A_168, %swap3A_169], %swap3A_172 {strides = array<i32>} : memref<80x128xi32, #tpu.memory_space<vmem>>, vector<1x16xi32>,
      %get3A_173 = arith.index_cast %scan3A_63 : i32 to index
      %get3A_174 = arith.constant 80 : index
      %get3A_175 = tpu.vector_load %arg6[%get3A_173, %get3A_174] {strides = array<i32>} : memref<80x128xi32, #tpu.memory_space<vmem>>, vector<1x16xi32>,
      %get3A_176 = vector.shape_cast %get3A_175 : vector<1x16xi32> to vector<16xi32>
      %add3A_177 = vector.broadcast %mul3A_4 : i32 to vector<16xi32>
      %add3A_178 = arith.addi %get3A_176, %add3A_177 : vector<16xi32>
      %swap3A_179 = arith.index_cast %scan3A_63 : i32 to index
      %swap3A_180 = arith.constant 80 : index
      %swap3A_181 = tpu.vector_load %arg6[%swap3A_179, %swap3A_180] {strides = array<i32>} : memref<80x128xi32, #tpu.memory_space<vmem>>, vector<1x16xi32>,
      %swap3A_182 = vector.shape_cast %swap3A_181 : vector<1x16xi32> to vector<16xi32>
      %swap3A_183 = vector.shape_cast %add3A_178 : vector<16xi32> to vector<1x16xi32>
      tpu.vector_store %arg6[%swap3A_179, %swap3A_180], %swap3A_183 {strides = array<i32>} : memref<80x128xi32, #tpu.memory_space<vmem>>, vector<1x16xi32>,
      %get3A_184 = arith.index_cast %scan3A_63 : i32 to index
      %get3A_185 = arith.constant 80 : index
      %get3A_186 = tpu.vector_load %arg7[%get3A_184, %get3A_185] {strides = array<i32>} : memref<80x128xi32, #tpu.memory_space<vmem>>, vector<1x16xi32>,
      %get3A_187 = vector.shape_cast %get3A_186 : vector<1x16xi32> to vector<16xi32>
      %add3A_188 = vector.broadcast %mul3A_9 : i32 to vector<16xi32>
      %add3A_189 = arith.addi %get3A_187, %add3A_188 : vector<16xi32>
      %swap3A_190 = arith.index_cast %scan3A_63 : i32 to index
      %swap3A_191 = arith.constant 80 : index
      %swap3A_192 = tpu.vector_load %arg7[%swap3A_190, %swap3A_191] {strides = array<i32>} : memref<80x128xi32, #tpu.memory_space<vmem>>, vector<1x16xi32>,
      %swap3A_193 = vector.shape_cast %swap3A_192 : vector<1x16xi32> to vector<16xi32>
      %swap3A_194 = vector.shape_cast %add3A_189 : vector<16xi32> to vector<1x16xi32>
      tpu.vector_store %arg7[%swap3A_190, %swap3A_191], %swap3A_194 {strides = array<i32>} : memref<80x128xi32, #tpu.memory_space<vmem>>, vector<1x16xi32>,
      %get3A_195 = arith.index_cast %scan3A_63 : i32 to index
      %get3A_196 = arith.constant 96 : index
      %get3A_197 = tpu.vector_load %arg6[%get3A_195, %get3A_196] {strides = array<i32>} : memref<80x128xi32, #tpu.memory_space<vmem>>, vector<1x16xi32>,
      %get3A_198 = vector.shape_cast %get3A_197 : vector<1x16xi32> to vector<16xi32>
      %add3A_199 = vector.broadcast %mul3A_4 : i32 to vector<16xi32>
      %add3A_200 = arith.addi %get3A_198, %add3A_199 : vector<16xi32>
      %swap3A_201 = arith.index_cast %scan3A_63 : i32 to index
      %swap3A_202 = arith.constant 96 : index
      %swap3A_203 = tpu.vector_load %arg6[%swap3A_201, %swap3A_202] {strides = array<i32>} : memref<80x128xi32, #tpu.memory_space<vmem>>, vector<1x16xi32>,
      %swap3A_204 = vector.shape_cast %swap3A_203 : vector<1x16xi32> to vector<16xi32>
      %swap3A_205 = vector.shape_cast %add3A_200 : vector<16xi32> to vector<1x16xi32>
      tpu.vector_store %arg6[%swap3A_201, %swap3A_202], %swap3A_205 {strides = array<i32>} : memref<80x128xi32, #tpu.memory_space<vmem>>, vector<1x16xi32>,
      %get3A_206 = arith.index_cast %scan3A_63 : i32 to index
      %get3A_207 = arith.constant 96 : index
      %get3A_208 = tpu.vector_load %arg7[%get3A_206, %get3A_207] {strides = array<i32>} : memref<80x128xi32, #tpu.memory_space<vmem>>, vector<1x16xi32>,
      %get3A_209 = vector.shape_cast %get3A_208 : vector<1x16xi32> to vector<16xi32>
      %add3A_210 = vector.broadcast %mul3A_9 : i32 to vector<16xi32>
      %add3A_211 = arith.addi %get3A_209, %add3A_210 : vector<16xi32>
      %swap3A_212 = arith.index_cast %scan3A_63 : i32 to index
      %swap3A_213 = arith.constant 96 : index
      %swap3A_214 = tpu.vector_load %arg7[%swap3A_212, %swap3A_213] {strides = array<i32>} : memref<80x128xi32, #tpu.memory_space<vmem>>, vector<1x16xi32>,
      %swap3A_215 = vector.shape_cast %swap3A_214 : vector<1x16xi32> to vector<16xi32>
      %swap3A_216 = vector.shape_cast %add3A_211 : vector<16xi32> to vector<1x16xi32>
      tpu.vector_store %arg7[%swap3A_212, %swap3A_213], %swap3A_216 {strides = array<i32>} : memref<80x128xi32, #tpu.memory_space<vmem>>, vector<1x16xi32>,
      %get3A_217 = arith.index_cast %scan3A_63 : i32 to index
      %get3A_218 = arith.constant 112 : index
      %get3A_219 = tpu.vector_load %arg6[%get3A_217, %get3A_218] {strides = array<i32>} : memref<80x128xi32, #tpu.memory_space<vmem>>, vector<1x16xi32>,
      %get3A_220 = vector.shape_cast %get3A_219 : vector<1x16xi32> to vector<16xi32>
      %add3A_221 = vector.broadcast %mul3A_4 : i32 to vector<16xi32>
      %add3A_222 = arith.addi %get3A_220, %add3A_221 : vector<16xi32>
      %swap3A_223 = arith.index_cast %scan3A_63 : i32 to index
      %swap3A_224 = arith.constant 112 : index
      %swap3A_225 = tpu.vector_load %arg6[%swap3A_223, %swap3A_224] {strides = array<i32>} : memref<80x128xi32, #tpu.memory_space<vmem>>, vector<1x16xi32>,
      %swap3A_226 = vector.shape_cast %swap3A_225 : vector<1x16xi32> to vector<16xi32>
      %swap3A_227 = vector.shape_cast %add3A_222 : vector<16xi32> to vector<1x16xi32>
      tpu.vector_store %arg6[%swap3A_223, %swap3A_224], %swap3A_227 {strides = array<i32>} : memref<80x128xi32, #tpu.memory_space<vmem>>, vector<1x16xi32>,
      %get3A_228 = arith.index_cast %scan3A_63 : i32 to index
      %get3A_229 = arith.constant 112 : index
      %get3A_230 = tpu.vector_load %arg7[%get3A_228, %get3A_229] {strides = array<i32>} : memref<80x128xi32, #tpu.memory_space<vmem>>, vector<1x16xi32>,
      %get3A_231 = vector.shape_cast %get3A_230 : vector<1x16xi32> to vector<16xi32>
      %add3A_232 = vector.broadcast %mul3A_9 : i32 to vector<16xi32>
      %add3A_233 = arith.addi %get3A_231, %add3A_232 : vector<16xi32>
      %swap3A_234 = arith.index_cast %scan3A_63 : i32 to index
      %swap3A_235 = arith.constant 112 : index
      %swap3A_236 = tpu.vector_load %arg7[%swap3A_234, %swap3A_235] {strides = array<i32>} : memref<80x128xi32, #tpu.memory_space<vmem>>, vector<1x16xi32>,
      %swap3A_237 = vector.shape_cast %swap3A_236 : vector<1x16xi32> to vector<16xi32>
      %swap3A_238 = vector.shape_cast %add3A_233 : vector<16xi32> to vector<1x16xi32>
      tpu.vector_store %arg7[%swap3A_234, %swap3A_235], %swap3A_238 {strides = array<i32>} : memref<80x128xi32, #tpu.memory_space<vmem>>, vector<1x16xi32>,
      %scan3A_239 = arith.constant 0 : i32
      scf.yield %scan3A_239 : i32
    }
    %scan3A_15 = arith.constant 80 : i32
    %broadcast_in_dim3A = arith.constant 0.000000e+00 : f32
    %broadcast_in_dim3A_16 = vector.broadcast %broadcast_in_dim3A : f32 to vector<16xf32>
    %broadcast_in_dim3A_17 = arith.constant 1.000000e+00 : f32
    %broadcast_in_dim3A_18 = vector.broadcast %broadcast_in_dim3A_17 : f32 to vector<16xf32>
    %scan3A_19 = arith.constant 0 : i32
    %scan3A_20 = arith.constant 0 : i32
    %scan3A_21 = arith.constant 128 : i32
    %scan3A_22 = arith.addi %scan3A_20, %scan3A_21 : i32
    %scan3A_23 = arith.constant 1 : i32
    %scan3A_24 = scf.for %scan3A_63 = %scan3A_20 to %scan3A_22 step %scan3A_23 iter_args(%scan3A_64 = %scan3A_19) -> (i32)  : i32 {
      %swap3A = arith.index_cast %scan3A_63 : i32 to index
      %swap3A_65 = arith.constant 0 : index
      %swap3A_66 = tpu.vector_load %arg14[%swap3A, %swap3A_65] {strides = array<i32>} : memref<128x64xf32, #tpu.memory_space<vmem>>, vector<1x16xf32>,
      %swap3A_67 = vector.shape_cast %swap3A_66 : vector<1x16xf32> to vector<16xf32>
      %swap3A_68 = vector.shape_cast %broadcast_in_dim3A_16 : vector<16xf32> to vector<1x16xf32>
      tpu.vector_store %arg14[%swap3A, %swap3A_65], %swap3A_68 {strides = array<i32>} : memref<128x64xf32, #tpu.memory_space<vmem>>, vector<1x16xf32>,
      %swap3A_69 = arith.index_cast %scan3A_63 : i32 to index
      %swap3A_70 = arith.constant 0 : index
      %swap3A_71 = tpu.vector_load %arg9[%swap3A_69, %swap3A_70] {strides = array<i32>} : memref<128x64xf32, #tpu.memory_space<vmem>>, vector<1x16xf32>,
      %swap3A_72 = vector.shape_cast %swap3A_71 : vector<1x16xf32> to vector<16xf32>
      %swap3A_73 = vector.shape_cast %broadcast_in_dim3A_18 : vector<16xf32> to vector<1x16xf32>
      tpu.vector_store %arg9[%swap3A_69, %swap3A_70], %swap3A_73 {strides = array<i32>} : memref<128x64xf32, #tpu.memory_space<vmem>>, vector<1x16xf32>,
      %swap3A_74 = arith.index_cast %scan3A_63 : i32 to index
      %swap3A_75 = arith.constant 16 : index
      %swap3A_76 = tpu.vector_load %arg14[%swap3A_74, %swap3A_75] {strides = array<i32>} : memref<128x64xf32, #tpu.memory_space<vmem>>, vector<1x16xf32>,
      %swap3A_77 = vector.shape_cast %swap3A_76 : vector<1x16xf32> to vector<16xf32>
      %swap3A_78 = vector.shape_cast %broadcast_in_dim3A_16 : vector<16xf32> to vector<1x16xf32>
      tpu.vector_store %arg14[%swap3A_74, %swap3A_75], %swap3A_78 {strides = array<i32>} : memref<128x64xf32, #tpu.memory_space<vmem>>, vector<1x16xf32>,
      %swap3A_79 = arith.index_cast %scan3A_63 : i32 to index
      %swap3A_80 = arith.constant 16 : index
      %swap3A_81 = tpu.vector_load %arg9[%swap3A_79, %swap3A_80] {strides = array<i32>} : memref<128x64xf32, #tpu.memory_space<vmem>>, vector<1x16xf32>,
      %swap3A_82 = vector.shape_cast %swap3A_81 : vector<1x16xf32> to vector<16xf32>
      %swap3A_83 = vector.shape_cast %broadcast_in_dim3A_18 : vector<16xf32> to vector<1x16xf32>
      tpu.vector_store %arg9[%swap3A_79, %swap3A_80], %swap3A_83 {strides = array<i32>} : memref<128x64xf32, #tpu.memory_space<vmem>>, vector<1x16xf32>,
      %swap3A_84 = arith.index_cast %scan3A_63 : i32 to index
      %swap3A_85 = arith.constant 32 : index
      %swap3A_86 = tpu.vector_load %arg14[%swap3A_84, %swap3A_85] {strides = array<i32>} : memref<128x64xf32, #tpu.memory_space<vmem>>, vector<1x16xf32>,
      %swap3A_87 = vector.shape_cast %swap3A_86 : vector<1x16xf32> to vector<16xf32>
      %swap3A_88 = vector.shape_cast %broadcast_in_dim3A_16 : vector<16xf32> to vector<1x16xf32>
      tpu.vector_store %arg14[%swap3A_84, %swap3A_85], %swap3A_88 {strides = array<i32>} : memref<128x64xf32, #tpu.memory_space<vmem>>, vector<1x16xf32>,
      %swap3A_89 = arith.index_cast %scan3A_63 : i32 to index
      %swap3A_90 = arith.constant 32 : index
      %swap3A_91 = tpu.vector_load %arg9[%swap3A_89, %swap3A_90] {strides = array<i32>} : memref<128x64xf32, #tpu.memory_space<vmem>>, vector<1x16xf32>,
      %swap3A_92 = vector.shape_cast %swap3A_91 : vector<1x16xf32> to vector<16xf32>
      %swap3A_93 = vector.shape_cast %broadcast_in_dim3A_18 : vector<16xf32> to vector<1x16xf32>
      tpu.vector_store %arg9[%swap3A_89, %swap3A_90], %swap3A_93 {strides = array<i32>} : memref<128x64xf32, #tpu.memory_space<vmem>>, vector<1x16xf32>,
      %swap3A_94 = arith.index_cast %scan3A_63 : i32 to index
      %swap3A_95 = arith.constant 48 : index
      %swap3A_96 = tpu.vector_load %arg14[%swap3A_94, %swap3A_95] {strides = array<i32>} : memref<128x64xf32, #tpu.memory_space<vmem>>, vector<1x16xf32>,
      %swap3A_97 = vector.shape_cast %swap3A_96 : vector<1x16xf32> to vector<16xf32>
      %swap3A_98 = vector.shape_cast %broadcast_in_dim3A_16 : vector<16xf32> to vector<1x16xf32>
      tpu.vector_store %arg14[%swap3A_94, %swap3A_95], %swap3A_98 {strides = array<i32>} : memref<128x64xf32, #tpu.memory_space<vmem>>, vector<1x16xf32>,
      %swap3A_99 = arith.index_cast %scan3A_63 : i32 to index
      %swap3A_100 = arith.constant 48 : index
      %swap3A_101 = tpu.vector_load %arg9[%swap3A_99, %swap3A_100] {strides = array<i32>} : memref<128x64xf32, #tpu.memory_space<vmem>>, vector<1x16xf32>,
      %swap3A_102 = vector.shape_cast %swap3A_101 : vector<1x16xf32> to vector<16xf32>
      %swap3A_103 = vector.shape_cast %broadcast_in_dim3A_18 : vector<16xf32> to vector<1x16xf32>
      tpu.vector_store %arg9[%swap3A_99, %swap3A_100], %swap3A_103 {strides = array<i32>} : memref<128x64xf32, #tpu.memory_space<vmem>>, vector<1x16xf32>,
      %scan3A_104 = arith.constant 0 : i32
      scf.yield %scan3A_104 : i32
    }
    %scan3A_25 = arith.constant 128 : i32
    %scan3A_26 = arith.constant 0 : i32
    %scan3A_27 = arith.constant 0 : i32
    %scan3A_28 = arith.constant 5 : i32
    %scan3A_29 = arith.addi %scan3A_27, %scan3A_28 : i32
    %scan3A_30 = arith.constant 1 : i32
    %scan3A_31 = scf.for %scan3A_63 = %scan3A_27 to %scan3A_29 step %scan3A_30 iter_args(%scan3A_64 = %scan3A_26) -> (i32)  : i32 {
      %mul3A_65 = arith.constant 128 : i32
      %mul3A_66 = arith.muli %scan3A_63, %mul3A_65 : i32
      %add3A_67 = arith.addi %mul3A_0, %mul3A_66 : i32
      "tpu.region"() ({
        %run_scoped3A = tpu.sem_alloc : memref<!tpu.dma_semaphore, #tpu.memory_space<semaphore_mem>>
        %dma_start3A = arith.constant 0 : i32
        %dma_start3A_69 = tpu.memref_slice %arg17[%add3A_67, %dma_start3A] : memref<10240x64xf32, #tpu.memory_space<vmem_shared>> -> memref<128x64xf32, #tpu.memory_space<vmem_shared>>
        %dma_start3A_70 = arith.constant 0 : i32
        %dma_start3A_71 = tpu.memref_slice %arg17[%add3A_67, %dma_start3A_70] : memref<10240x64xf32, #tpu.memory_space<vmem_shared>> -> memref<128x64xf32, #tpu.memory_space<vmem_shared>>
        tpu.enqueue_dma source(%arg14 : memref<128x64xf32, #tpu.memory_space<vmem>>) target(%dma_start3A_71 : memref<128x64xf32, #tpu.memory_space<vmem_shared>>) target_semaphore(%run_scoped3A : memref<!tpu.dma_semaphore, #tpu.memory_space<semaphore_mem>>)
        %dma_wait3A = arith.constant 0 : i32
        %dma_wait3A_72 = tpu.memref_slice %arg17[%add3A_67, %dma_wait3A] : memref<10240x64xf32, #tpu.memory_space<vmem_shared>> -> memref<128x64xf32, #tpu.memory_space<vmem_shared>>
        %dma_wait3A_73 = arith.constant 0 : i32
        %dma_wait3A_74 = tpu.memref_slice %arg17[%add3A_67, %dma_wait3A_73] : memref<10240x64xf32, #tpu.memory_space<vmem_shared>> -> memref<128x64xf32, #tpu.memory_space<vmem_shared>>
        tpu.wait_dma2 semaphore(%run_scoped3A : memref<!tpu.dma_semaphore, #tpu.memory_space<semaphore_mem>>) src(%arg14 : memref<128x64xf32, #tpu.memory_space<vmem>>) dst(%dma_wait3A_74 : memref<128x64xf32, #tpu.memory_space<vmem_shared>>)
        tpu.yield
      }) : () -> ()
      %scan3A_68 = arith.constant 0 : i32
      scf.yield %scan3A_68 : i32
    }
    %scan3A_32 = arith.constant 5 : i32
    %barrier3A = arith.constant 0 : index
    tpu.barrier barrier_id(%barrier3A)
    %scan3A_33 = arith.constant 0 : i32
    %scan3A_34 = arith.constant 0 : i32
    %scan3A_35 = arith.constant 80 : i32
    %scan3A_36 = arith.addi %scan3A_34, %scan3A_35 : i32
    %scan3A_37 = arith.constant 1 : i32
    %scan3A_38 = scf.for %scan3A_63 = %scan3A_34 to %scan3A_36 step %scan3A_37 iter_args(%scan3A_64 = %scan3A_33) -> (i32)  : i32 {
      "tpu.region"() ({
        %run_scoped3A = tpu.sem_alloc : memref<!tpu.dma_semaphore, #tpu.memory_space<semaphore_mem>>
        %dma_start3A = arith.constant 0 : i32
        %dma_start3A_66 = tpu.memref_slice %arg8[%scan3A_63, %dma_start3A] : memref<80x128xi32, #tpu.memory_space<vmem>> -> memref<1x128xi32, #tpu.memory_space<vmem>>
        %dma_start3A_67 = tpu.memref_squeeze %dma_start3A_66 : memref<1x128xi32, #tpu.memory_space<vmem>> -> memref<128xi32, #tpu.memory_space<vmem>>
        %dma_start3A_68 = arith.constant 0 : i32
        %dma_start3A_69 = arith.constant 0 : i32
        %dma_start3A_70 = tpu.memref_slice %arg17[%dma_start3A_68, %dma_start3A_69] : memref<10240x64xf32, #tpu.memory_space<vmem_shared>> -> memref<10240x64xf32, #tpu.memory_space<vmem_shared>>
        tpu.enqueue_indirect_dma source(%arg9 : memref<128x64xf32, #tpu.memory_space<vmem>>) target(%dma_start3A_70 : memref<10240x64xf32, #tpu.memory_space<vmem_shared>>) offsets(%dma_start3A_67 : memref<128xi32, #tpu.memory_space<vmem>>) semaphore(%run_scoped3A : memref<!tpu.dma_semaphore, #tpu.memory_space<semaphore_mem>>) {add = true}
        %dma_wait3A = arith.constant 0 : i32
        %dma_wait3A_71 = tpu.memref_slice %arg8[%scan3A_63, %dma_wait3A] : memref<80x128xi32, #tpu.memory_space<vmem>> -> memref<1x128xi32, #tpu.memory_space<vmem>>
        %dma_wait3A_72 = tpu.memref_squeeze %dma_wait3A_71 : memref<1x128xi32, #tpu.memory_space<vmem>> -> memref<128xi32, #tpu.memory_space<vmem>>
        %dma_wait3A_73 = arith.constant 0 : i32
        %dma_wait3A_74 = arith.constant 0 : i32
        %dma_wait3A_75 = tpu.memref_slice %arg17[%dma_wait3A_73, %dma_wait3A_74] : memref<10240x64xf32, #tpu.memory_space<vmem_shared>> -> memref<10240x64xf32, #tpu.memory_space<vmem_shared>>
        tpu.wait_indirect_dma semaphore(%run_scoped3A : memref<!tpu.dma_semaphore, #tpu.memory_space<semaphore_mem>>) src(%arg9 : memref<128x64xf32, #tpu.memory_space<vmem>>) dst(%dma_wait3A_75 : memref<10240x64xf32, #tpu.memory_space<vmem_shared>>)
        tpu.yield
      }) : () -> ()
      %scan3A_65 = arith.constant 0 : i32
      scf.yield %scan3A_65 : i32
    }
    %scan3A_39 = arith.constant 80 : i32
    %barrier3A_40 = arith.constant 0 : index
    tpu.barrier barrier_id(%barrier3A_40)
    %scan3A_41 = arith.constant 0 : i32
    %scan3A_42 = arith.constant 0 : i32
    %scan3A_43 = arith.constant 5 : i32
    %scan3A_44 = arith.addi %scan3A_42, %scan3A_43 : i32
    %scan3A_45 = arith.constant 1 : i32
    %scan3A_46 = scf.for %scan3A_63 = %scan3A_42 to %scan3A_44 step %scan3A_45 iter_args(%scan3A_64 = %scan3A_41) -> (i32)  : i32 {
      %mul3A_65 = arith.constant 128 : i32
      %mul3A_66 = arith.muli %scan3A_63, %mul3A_65 : i32
      %add3A_67 = arith.addi %mul3A_0, %mul3A_66 : i32
      "tpu.region"() ({
        %run_scoped3A = tpu.sem_alloc : memref<!tpu.dma_semaphore, #tpu.memory_space<semaphore_mem>>
        %dma_start3A = arith.constant 0 : i32
        %dma_start3A_76 = tpu.memref_slice %arg17[%add3A_67, %dma_start3A] : memref<10240x64xf32, #tpu.memory_space<vmem_shared>> -> memref<128x64xf32, #tpu.memory_space<vmem_shared>>
        %dma_start3A_77 = arith.constant 0 : i32
        %dma_start3A_78 = tpu.memref_slice %arg17[%add3A_67, %dma_start3A_77] : memref<10240x64xf32, #tpu.memory_space<vmem_shared>> -> memref<128x64xf32, #tpu.memory_space<vmem_shared>>
        tpu.enqueue_dma source(%dma_start3A_78 : memref<128x64xf32, #tpu.memory_space<vmem_shared>>) target(%arg13 : memref<128x64xf32, #tpu.memory_space<vmem>>) target_semaphore(%run_scoped3A : memref<!tpu.dma_semaphore, #tpu.memory_space<semaphore_mem>>)
        %dma_wait3A = arith.constant 0 : i32
        %dma_wait3A_79 = tpu.memref_slice %arg17[%add3A_67, %dma_wait3A] : memref<10240x64xf32, #tpu.memory_space<vmem_shared>> -> memref<128x64xf32, #tpu.memory_space<vmem_shared>>
        %dma_wait3A_80 = arith.constant 0 : i32
        %dma_wait3A_81 = tpu.memref_slice %arg17[%add3A_67, %dma_wait3A_80] : memref<10240x64xf32, #tpu.memory_space<vmem_shared>> -> memref<128x64xf32, #tpu.memory_space<vmem_shared>>
        tpu.wait_dma2 semaphore(%run_scoped3A : memref<!tpu.dma_semaphore, #tpu.memory_space<semaphore_mem>>) src(%dma_wait3A_81 : memref<128x64xf32, #tpu.memory_space<vmem_shared>>) dst(%arg13 : memref<128x64xf32, #tpu.memory_space<vmem>>)
        tpu.yield
      }) : () -> ()
      %scan3A_68 = arith.constant 0 : i32
      %scan3A_69 = arith.constant 0 : i32
      %scan3A_70 = arith.constant 128 : i32
      %scan3A_71 = arith.addi %scan3A_69, %scan3A_70 : i32
      %scan3A_72 = arith.constant 1 : i32
      %scan3A_73 = scf.for %scan3A_76 = %scan3A_69 to %scan3A_71 step %scan3A_72 iter_args(%scan3A_77 = %scan3A_68) -> (i32)  : i32 {
        %get3A = arith.index_cast %scan3A_76 : i32 to index
        %get3A_78 = arith.constant 0 : index
        %get3A_79 = tpu.vector_load %arg13[%get3A, %get3A_78] {strides = array<i32>} : memref<128x64xf32, #tpu.memory_space<vmem>>, vector<1x16xf32>,
        %get3A_80 = vector.shape_cast %get3A_79 : vector<1x16xf32> to vector<16xf32>
        %add3A_81 = arith.constant 1.000000e+00 : f32
        %add3A_82 = vector.broadcast %add3A_81 : f32 to vector<16xf32>
        %add3A_83 = arith.addf %get3A_80, %add3A_82 : vector<16xf32>
        %bitcast_convert_type3A = tpu.bitcast %add3A_83 : vector<16xf32> -> vector<16xi32>
        %shift_right_arithmetic3A = arith.constant 1 : i32
        %shift_right_arithmetic3A_84 = vector.broadcast %shift_right_arithmetic3A : i32 to vector<16xi32>
        %shift_right_arithmetic3A_85 = arith.shrsi %bitcast_convert_type3A, %shift_right_arithmetic3A_84 : vector<16xi32>
        %sub3A = arith.constant 1597463007 : i32
        %sub3A_86 = vector.broadcast %sub3A : i32 to vector<16xi32>
        %sub3A_87 = arith.subi %sub3A_86, %shift_right_arithmetic3A_85 : vector<16xi32>
        %bitcast_convert_type3A_88 = tpu.bitcast %sub3A_87 : vector<16xi32> -> vector<16xf32>
        %mul3A_89 = arith.constant 5.000000e-01 : f32
        %mul3A_90 = vector.broadcast %mul3A_89 : f32 to vector<16xf32>
        %mul3A_91 = arith.mulf %mul3A_90, %add3A_83 : vector<16xf32>
        %mul3A_92 = arith.mulf %mul3A_91, %bitcast_convert_type3A_88 : vector<16xf32>
        %mul3A_93 = arith.mulf %mul3A_92, %bitcast_convert_type3A_88 : vector<16xf32>
        %sub3A_94 = arith.constant 1.500000e+00 : f32
        %sub3A_95 = vector.broadcast %sub3A_94 : f32 to vector<16xf32>
        %sub3A_96 = arith.subf %sub3A_95, %mul3A_93 : vector<16xf32>
        %mul3A_97 = arith.mulf %bitcast_convert_type3A_88, %sub3A_96 : vector<16xf32>
        %mul3A_98 = arith.constant 5.000000e-01 : f32
        %mul3A_99 = vector.broadcast %mul3A_98 : f32 to vector<16xf32>
        %mul3A_100 = arith.mulf %mul3A_99, %add3A_83 : vector<16xf32>
        %mul3A_101 = arith.mulf %mul3A_100, %mul3A_97 : vector<16xf32>
        %mul3A_102 = arith.mulf %mul3A_101, %mul3A_97 : vector<16xf32>
        %sub3A_103 = arith.constant 1.500000e+00 : f32
        %sub3A_104 = vector.broadcast %sub3A_103 : f32 to vector<16xf32>
        %sub3A_105 = arith.subf %sub3A_104, %mul3A_102 : vector<16xf32>
        %mul3A_106 = arith.mulf %mul3A_97, %sub3A_105 : vector<16xf32>
        %mul3A_107 = arith.constant 5.000000e-01 : f32
        %mul3A_108 = vector.broadcast %mul3A_107 : f32 to vector<16xf32>
        %mul3A_109 = arith.mulf %mul3A_108, %add3A_83 : vector<16xf32>
        %mul3A_110 = arith.mulf %mul3A_109, %mul3A_106 : vector<16xf32>
        %mul3A_111 = arith.mulf %mul3A_110, %mul3A_106 : vector<16xf32>
        %sub3A_112 = arith.constant 1.500000e+00 : f32
        %sub3A_113 = vector.broadcast %sub3A_112 : f32 to vector<16xf32>
        %sub3A_114 = arith.subf %sub3A_113, %mul3A_111 : vector<16xf32>
        %mul3A_115 = arith.mulf %mul3A_106, %sub3A_114 : vector<16xf32>
        %mul3A_116 = arith.constant 5.000000e-01 : f32
        %mul3A_117 = vector.broadcast %mul3A_116 : f32 to vector<16xf32>
        %mul3A_118 = arith.mulf %mul3A_117, %add3A_83 : vector<16xf32>
        %mul3A_119 = arith.mulf %mul3A_118, %mul3A_115 : vector<16xf32>
        %mul3A_120 = arith.mulf %mul3A_119, %mul3A_115 : vector<16xf32>
        %sub3A_121 = arith.constant 1.500000e+00 : f32
        %sub3A_122 = vector.broadcast %sub3A_121 : f32 to vector<16xf32>
        %sub3A_123 = arith.subf %sub3A_122, %mul3A_120 : vector<16xf32>
        %mul3A_124 = arith.mulf %mul3A_115, %sub3A_123 : vector<16xf32>
        %mul3A_125 = arith.constant 128 : i32
        %mul3A_126 = arith.muli %scan3A_63, %mul3A_125 : i32
        %add3A_127 = arith.addi %mul3A_126, %scan3A_76 : i32
        %swap3A = arith.index_cast %add3A_127 : i32 to index
        %swap3A_128 = arith.constant 0 : index
        %swap3A_129 = tpu.vector_load %arg15[%swap3A, %swap3A_128] {strides = array<i32>} : memref<640x16xf32, #tpu.memory_space<vmem>>, vector<1x16xf32>,
        %swap3A_130 = vector.shape_cast %swap3A_129 : vector<1x16xf32> to vector<16xf32>
        %swap3A_131 = vector.shape_cast %mul3A_124 : vector<16xf32> to vector<1x16xf32>
        tpu.vector_store %arg15[%swap3A, %swap3A_128], %swap3A_131 {strides = array<i32>} : memref<640x16xf32, #tpu.memory_space<vmem>>, vector<1x16xf32>,
        %div3A = arith.constant 0.899999976 : f32
        %div3A_132 = vector.broadcast %div3A : f32 to vector<16xf32>
        %div3A_133 = arith.divf %div3A_132, %add3A_83 : vector<16xf32>
        %swap3A_134 = arith.index_cast %add3A_127 : i32 to index
        %swap3A_135 = arith.constant 0 : index
        %swap3A_136 = tpu.vector_load %arg16[%swap3A_134, %swap3A_135] {strides = array<i32>} : memref<640x16xf32, #tpu.memory_space<vmem>>, vector<1x16xf32>,
        %swap3A_137 = vector.shape_cast %swap3A_136 : vector<1x16xf32> to vector<16xf32>
        %swap3A_138 = vector.shape_cast %div3A_133 : vector<16xf32> to vector<1x16xf32>
        tpu.vector_store %arg16[%swap3A_134, %swap3A_135], %swap3A_138 {strides = array<i32>} : memref<640x16xf32, #tpu.memory_space<vmem>>, vector<1x16xf32>,
        %scan3A_139 = arith.constant 0 : i32
        scf.yield %scan3A_139 : i32
      }
      %scan3A_74 = arith.constant 128 : i32
      "tpu.region"() ({
        %run_scoped3A = tpu.sem_alloc : memref<!tpu.dma_semaphore, #tpu.memory_space<semaphore_mem>>
        %dma_start3A = arith.constant 0 : i32
        %dma_start3A_76 = tpu.memref_slice %arg17[%add3A_67, %dma_start3A] : memref<10240x64xf32, #tpu.memory_space<vmem_shared>> -> memref<128x64xf32, #tpu.memory_space<vmem_shared>>
        %dma_start3A_77 = arith.constant 0 : i32
        %dma_start3A_78 = tpu.memref_slice %arg17[%add3A_67, %dma_start3A_77] : memref<10240x64xf32, #tpu.memory_space<vmem_shared>> -> memref<128x64xf32, #tpu.memory_space<vmem_shared>>
        tpu.enqueue_dma source(%arg14 : memref<128x64xf32, #tpu.memory_space<vmem>>) target(%dma_start3A_78 : memref<128x64xf32, #tpu.memory_space<vmem_shared>>) target_semaphore(%run_scoped3A : memref<!tpu.dma_semaphore, #tpu.memory_space<semaphore_mem>>)
        %dma_wait3A = arith.constant 0 : i32
        %dma_wait3A_79 = tpu.memref_slice %arg17[%add3A_67, %dma_wait3A] : memref<10240x64xf32, #tpu.memory_space<vmem_shared>> -> memref<128x64xf32, #tpu.memory_space<vmem_shared>>
        %dma_wait3A_80 = arith.constant 0 : i32
        %dma_wait3A_81 = tpu.memref_slice %arg17[%add3A_67, %dma_wait3A_80] : memref<10240x64xf32, #tpu.memory_space<vmem_shared>> -> memref<128x64xf32, #tpu.memory_space<vmem_shared>>
        tpu.wait_dma2 semaphore(%run_scoped3A : memref<!tpu.dma_semaphore, #tpu.memory_space<semaphore_mem>>) src(%arg14 : memref<128x64xf32, #tpu.memory_space<vmem>>) dst(%dma_wait3A_81 : memref<128x64xf32, #tpu.memory_space<vmem_shared>>)
        tpu.yield
      }) : () -> ()
      %scan3A_75 = arith.constant 0 : i32
      scf.yield %scan3A_75 : i32
    }
    %scan3A_47 = arith.constant 5 : i32
    %scan3A_48 = arith.constant 0 : i32
    %scan3A_49 = arith.constant 0 : i32
    %scan3A_50 = arith.constant 5 : i32
    %scan3A_51 = arith.addi %scan3A_49, %scan3A_50 : i32
    %scan3A_52 = arith.constant 1 : i32
    %scan3A_53 = scf.for %scan3A_63 = %scan3A_49 to %scan3A_51 step %scan3A_52 iter_args(%scan3A_64 = %scan3A_48) -> (i32)  : i32 {
      %mul3A_65 = arith.constant 2 : i32
      %mul3A_66 = arith.muli %mul3A_65, %arg0 : i32
      %add3A_67 = arith.constant 0 : i32
      %add3A_68 = arith.addi %mul3A_66, %add3A_67 : i32
      %mul3A_69 = arith.constant 10240 : i32
      %mul3A_70 = arith.muli %add3A_68, %mul3A_69 : i32
      %add3A_71 = arith.addi %mul3A_70, %mul3A_0 : i32
      %mul3A_72 = arith.constant 128 : i32
      %mul3A_73 = arith.muli %scan3A_63, %mul3A_72 : i32
      %add3A_74 = arith.addi %add3A_71, %mul3A_73 : i32
      "tpu.region"() ({
        %run_scoped3A = tpu.sem_alloc : memref<!tpu.dma_semaphore, #tpu.memory_space<semaphore_mem>>
        %dma_start3A = arith.constant 0 : i32
        %dma_start3A_100 = tpu.memref_slice %arg2[%add3A_74, %dma_start3A] : memref<40960x64xf32, #tpu.memory_space<hbm>> -> memref<128x64xf32, #tpu.memory_space<hbm>>
        %dma_start3A_101 = arith.constant 0 : i32
        %dma_start3A_102 = tpu.memref_slice %arg2[%add3A_74, %dma_start3A_101] : memref<40960x64xf32, #tpu.memory_space<hbm>> -> memref<128x64xf32, #tpu.memory_space<hbm>>
        tpu.enqueue_dma source(%dma_start3A_102 : memref<128x64xf32, #tpu.memory_space<hbm>>) target(%arg13 : memref<128x64xf32, #tpu.memory_space<vmem>>) target_semaphore(%run_scoped3A : memref<!tpu.dma_semaphore, #tpu.memory_space<semaphore_mem>>)
        %dma_wait3A = arith.constant 0 : i32
        %dma_wait3A_103 = tpu.memref_slice %arg2[%add3A_74, %dma_wait3A] : memref<40960x64xf32, #tpu.memory_space<hbm>> -> memref<128x64xf32, #tpu.memory_space<hbm>>
        %dma_wait3A_104 = arith.constant 0 : i32
        %dma_wait3A_105 = tpu.memref_slice %arg2[%add3A_74, %dma_wait3A_104] : memref<40960x64xf32, #tpu.memory_space<hbm>> -> memref<128x64xf32, #tpu.memory_space<hbm>>
        tpu.wait_dma2 semaphore(%run_scoped3A : memref<!tpu.dma_semaphore, #tpu.memory_space<semaphore_mem>>) src(%dma_wait3A_105 : memref<128x64xf32, #tpu.memory_space<hbm>>) dst(%arg13 : memref<128x64xf32, #tpu.memory_space<vmem>>)
        tpu.yield
      }) : () -> ()
      %scan3A_75 = arith.constant 0 : i32
      %scan3A_76 = arith.constant 0 : i32
      %scan3A_77 = arith.constant 128 : i32
      %scan3A_78 = arith.addi %scan3A_76, %scan3A_77 : i32
      %scan3A_79 = arith.constant 1 : i32
      %scan3A_80 = scf.for %scan3A_100 = %scan3A_76 to %scan3A_78 step %scan3A_79 iter_args(%scan3A_101 = %scan3A_75) -> (i32)  : i32 {
        %mul3A_102 = arith.constant 128 : i32
        %mul3A_103 = arith.muli %scan3A_63, %mul3A_102 : i32
        %add3A_104 = arith.addi %mul3A_103, %scan3A_100 : i32
        %get3A = arith.index_cast %add3A_104 : i32 to index
        %get3A_105 = arith.constant 0 : index
        %get3A_106 = tpu.vector_load %arg15[%get3A, %get3A_105] {strides = array<i32>} : memref<640x16xf32, #tpu.memory_space<vmem>>, vector<1x16xf32>,
        %get3A_107 = vector.shape_cast %get3A_106 : vector<1x16xf32> to vector<16xf32>
        %get3A_108 = arith.index_cast %scan3A_100 : i32 to index
        %get3A_109 = arith.constant 0 : index
        %get3A_110 = tpu.vector_load %arg13[%get3A_108, %get3A_109] {strides = array<i32>} : memref<128x64xf32, #tpu.memory_space<vmem>>, vector<1x16xf32>,
        %get3A_111 = vector.shape_cast %get3A_110 : vector<1x16xf32> to vector<16xf32>
        %mul3A_112 = arith.mulf %get3A_111, %get3A_107 : vector<16xf32>
        %swap3A = arith.index_cast %scan3A_100 : i32 to index
        %swap3A_113 = arith.constant 0 : index
        %swap3A_114 = tpu.vector_load %arg13[%swap3A, %swap3A_113] {strides = array<i32>} : memref<128x64xf32, #tpu.memory_space<vmem>>, vector<1x16xf32>,
        %swap3A_115 = vector.shape_cast %swap3A_114 : vector<1x16xf32> to vector<16xf32>
        %swap3A_116 = vector.shape_cast %mul3A_112 : vector<16xf32> to vector<1x16xf32>
        tpu.vector_store %arg13[%swap3A, %swap3A_113], %swap3A_116 {strides = array<i32>} : memref<128x64xf32, #tpu.memory_space<vmem>>, vector<1x16xf32>,
        %get3A_117 = arith.index_cast %scan3A_100 : i32 to index
        %get3A_118 = arith.constant 16 : index
        %get3A_119 = tpu.vector_load %arg13[%get3A_117, %get3A_118] {strides = array<i32>} : memref<128x64xf32, #tpu.memory_space<vmem>>, vector<1x16xf32>,
        %get3A_120 = vector.shape_cast %get3A_119 : vector<1x16xf32> to vector<16xf32>
        %mul3A_121 = arith.mulf %get3A_120, %get3A_107 : vector<16xf32>
        %swap3A_122 = arith.index_cast %scan3A_100 : i32 to index
        %swap3A_123 = arith.constant 16 : index
        %swap3A_124 = tpu.vector_load %arg13[%swap3A_122, %swap3A_123] {strides = array<i32>} : memref<128x64xf32, #tpu.memory_space<vmem>>, vector<1x16xf32>,
        %swap3A_125 = vector.shape_cast %swap3A_124 : vector<1x16xf32> to vector<16xf32>
        %swap3A_126 = vector.shape_cast %mul3A_121 : vector<16xf32> to vector<1x16xf32>
        tpu.vector_store %arg13[%swap3A_122, %swap3A_123], %swap3A_126 {strides = array<i32>} : memref<128x64xf32, #tpu.memory_space<vmem>>, vector<1x16xf32>,
        %get3A_127 = arith.index_cast %scan3A_100 : i32 to index
        %get3A_128 = arith.constant 32 : index
        %get3A_129 = tpu.vector_load %arg13[%get3A_127, %get3A_128] {strides = array<i32>} : memref<128x64xf32, #tpu.memory_space<vmem>>, vector<1x16xf32>,
        %get3A_130 = vector.shape_cast %get3A_129 : vector<1x16xf32> to vector<16xf32>
        %mul3A_131 = arith.mulf %get3A_130, %get3A_107 : vector<16xf32>
        %swap3A_132 = arith.index_cast %scan3A_100 : i32 to index
        %swap3A_133 = arith.constant 32 : index
        %swap3A_134 = tpu.vector_load %arg13[%swap3A_132, %swap3A_133] {strides = array<i32>} : memref<128x64xf32, #tpu.memory_space<vmem>>, vector<1x16xf32>,
        %swap3A_135 = vector.shape_cast %swap3A_134 : vector<1x16xf32> to vector<16xf32>
        %swap3A_136 = vector.shape_cast %mul3A_131 : vector<16xf32> to vector<1x16xf32>
        tpu.vector_store %arg13[%swap3A_132, %swap3A_133], %swap3A_136 {strides = array<i32>} : memref<128x64xf32, #tpu.memory_space<vmem>>, vector<1x16xf32>,
        %get3A_137 = arith.index_cast %scan3A_100 : i32 to index
        %get3A_138 = arith.constant 48 : index
        %get3A_139 = tpu.vector_load %arg13[%get3A_137, %get3A_138] {strides = array<i32>} : memref<128x64xf32, #tpu.memory_space<vmem>>, vector<1x16xf32>,
        %get3A_140 = vector.shape_cast %get3A_139 : vector<1x16xf32> to vector<16xf32>
        %mul3A_141 = arith.mulf %get3A_140, %get3A_107 : vector<16xf32>
        %swap3A_142 = arith.index_cast %scan3A_100 : i32 to index
        %swap3A_143 = arith.constant 48 : index
        %swap3A_144 = tpu.vector_load %arg13[%swap3A_142, %swap3A_143] {strides = array<i32>} : memref<128x64xf32, #tpu.memory_space<vmem>>, vector<1x16xf32>,
        %swap3A_145 = vector.shape_cast %swap3A_144 : vector<1x16xf32> to vector<16xf32>
        %swap3A_146 = vector.shape_cast %mul3A_141 : vector<16xf32> to vector<1x16xf32>
        tpu.vector_store %arg13[%swap3A_142, %swap3A_143], %swap3A_146 {strides = array<i32>} : memref<128x64xf32, #tpu.memory_space<vmem>>, vector<1x16xf32>,
        %scan3A_147 = arith.constant 0 : i32
        scf.yield %scan3A_147 : i32
      }
      %scan3A_81 = arith.constant 128 : i32
      "tpu.region"() ({
        %run_scoped3A = tpu.sem_alloc : memref<!tpu.dma_semaphore, #tpu.memory_space<semaphore_mem>>
        %dma_start3A = arith.constant 0 : i32
        %dma_start3A_100 = tpu.memref_slice %arg5[%add3A_74, %dma_start3A] : memref<40960x64xf32, #tpu.memory_space<hbm>> -> memref<128x64xf32, #tpu.memory_space<hbm>>
        %dma_start3A_101 = arith.constant 0 : i32
        %dma_start3A_102 = tpu.memref_slice %arg5[%add3A_74, %dma_start3A_101] : memref<40960x64xf32, #tpu.memory_space<hbm>> -> memref<128x64xf32, #tpu.memory_space<hbm>>
        tpu.enqueue_dma source(%arg13 : memref<128x64xf32, #tpu.memory_space<vmem>>) target(%dma_start3A_102 : memref<128x64xf32, #tpu.memory_space<hbm>>) target_semaphore(%run_scoped3A : memref<!tpu.dma_semaphore, #tpu.memory_space<semaphore_mem>>)
        %dma_wait3A = arith.constant 0 : i32
        %dma_wait3A_103 = tpu.memref_slice %arg5[%add3A_74, %dma_wait3A] : memref<40960x64xf32, #tpu.memory_space<hbm>> -> memref<128x64xf32, #tpu.memory_space<hbm>>
        %dma_wait3A_104 = arith.constant 0 : i32
        %dma_wait3A_105 = tpu.memref_slice %arg5[%add3A_74, %dma_wait3A_104] : memref<40960x64xf32, #tpu.memory_space<hbm>> -> memref<128x64xf32, #tpu.memory_space<hbm>>
        tpu.wait_dma2 semaphore(%run_scoped3A : memref<!tpu.dma_semaphore, #tpu.memory_space<semaphore_mem>>) src(%arg13 : memref<128x64xf32, #tpu.memory_space<vmem>>) dst(%dma_wait3A_105 : memref<128x64xf32, #tpu.memory_space<hbm>>)
        tpu.yield
      }) : () -> ()
      %mul3A_82 = arith.constant 2 : i32
      %mul3A_83 = arith.muli %mul3A_82, %arg0 : i32
      %add3A_84 = arith.constant 1 : i32
      %add3A_85 = arith.addi %mul3A_83, %add3A_84 : i32
      %mul3A_86 = arith.constant 10240 : i32
      %mul3A_87 = arith.muli %add3A_85, %mul3A_86 : i32
      %add3A_88 = arith.addi %mul3A_87, %mul3A_0 : i32
      %mul3A_89 = arith.constant 128 : i32
      %mul3A_90 = arith.muli %scan3A_63, %mul3A_89 : i32
      %add3A_91 = arith.addi %add3A_88, %mul3A_90 : i32
      "tpu.region"() ({
        %run_scoped3A = tpu.sem_alloc : memref<!tpu.dma_semaphore, #tpu.memory_space<semaphore_mem>>
        %dma_start3A = arith.constant 0 : i32
        %dma_start3A_100 = tpu.memref_slice %arg2[%add3A_91, %dma_start3A] : memref<40960x64xf32, #tpu.memory_space<hbm>> -> memref<128x64xf32, #tpu.memory_space<hbm>>
        %dma_start3A_101 = arith.constant 0 : i32
        %dma_start3A_102 = tpu.memref_slice %arg2[%add3A_91, %dma_start3A_101] : memref<40960x64xf32, #tpu.memory_space<hbm>> -> memref<128x64xf32, #tpu.memory_space<hbm>>
        tpu.enqueue_dma source(%dma_start3A_102 : memref<128x64xf32, #tpu.memory_space<hbm>>) target(%arg13 : memref<128x64xf32, #tpu.memory_space<vmem>>) target_semaphore(%run_scoped3A : memref<!tpu.dma_semaphore, #tpu.memory_space<semaphore_mem>>)
        %dma_wait3A = arith.constant 0 : i32
        %dma_wait3A_103 = tpu.memref_slice %arg2[%add3A_91, %dma_wait3A] : memref<40960x64xf32, #tpu.memory_space<hbm>> -> memref<128x64xf32, #tpu.memory_space<hbm>>
        %dma_wait3A_104 = arith.constant 0 : i32
        %dma_wait3A_105 = tpu.memref_slice %arg2[%add3A_91, %dma_wait3A_104] : memref<40960x64xf32, #tpu.memory_space<hbm>> -> memref<128x64xf32, #tpu.memory_space<hbm>>
        tpu.wait_dma2 semaphore(%run_scoped3A : memref<!tpu.dma_semaphore, #tpu.memory_space<semaphore_mem>>) src(%dma_wait3A_105 : memref<128x64xf32, #tpu.memory_space<hbm>>) dst(%arg13 : memref<128x64xf32, #tpu.memory_space<vmem>>)
        tpu.yield
      }) : () -> ()
      %scan3A_92 = arith.constant 0 : i32
      %scan3A_93 = arith.constant 0 : i32
      %scan3A_94 = arith.constant 128 : i32
      %scan3A_95 = arith.addi %scan3A_93, %scan3A_94 : i32
      %scan3A_96 = arith.constant 1 : i32
      %scan3A_97 = scf.for %scan3A_100 = %scan3A_93 to %scan3A_95 step %scan3A_96 iter_args(%scan3A_101 = %scan3A_92) -> (i32)  : i32 {
        %mul3A_102 = arith.constant 128 : i32
        %mul3A_103 = arith.muli %scan3A_63, %mul3A_102 : i32
        %add3A_104 = arith.addi %mul3A_103, %scan3A_100 : i32
        %get3A = arith.index_cast %add3A_104 : i32 to index
        %get3A_105 = arith.constant 0 : index
        %get3A_106 = tpu.vector_load %arg15[%get3A, %get3A_105] {strides = array<i32>} : memref<640x16xf32, #tpu.memory_space<vmem>>, vector<1x16xf32>,
        %get3A_107 = vector.shape_cast %get3A_106 : vector<1x16xf32> to vector<16xf32>
        %get3A_108 = arith.index_cast %scan3A_100 : i32 to index
        %get3A_109 = arith.constant 0 : index
        %get3A_110 = tpu.vector_load %arg13[%get3A_108, %get3A_109] {strides = array<i32>} : memref<128x64xf32, #tpu.memory_space<vmem>>, vector<1x16xf32>,
        %get3A_111 = vector.shape_cast %get3A_110 : vector<1x16xf32> to vector<16xf32>
        %mul3A_112 = arith.mulf %get3A_111, %get3A_107 : vector<16xf32>
        %swap3A = arith.index_cast %scan3A_100 : i32 to index
        %swap3A_113 = arith.constant 0 : index
        %swap3A_114 = tpu.vector_load %arg13[%swap3A, %swap3A_113] {strides = array<i32>} : memref<128x64xf32, #tpu.memory_space<vmem>>, vector<1x16xf32>,
        %swap3A_115 = vector.shape_cast %swap3A_114 : vector<1x16xf32> to vector<16xf32>
        %swap3A_116 = vector.shape_cast %mul3A_112 : vector<16xf32> to vector<1x16xf32>
        tpu.vector_store %arg13[%swap3A, %swap3A_113], %swap3A_116 {strides = array<i32>} : memref<128x64xf32, #tpu.memory_space<vmem>>, vector<1x16xf32>,
        %get3A_117 = arith.index_cast %scan3A_100 : i32 to index
        %get3A_118 = arith.constant 16 : index
        %get3A_119 = tpu.vector_load %arg13[%get3A_117, %get3A_118] {strides = array<i32>} : memref<128x64xf32, #tpu.memory_space<vmem>>, vector<1x16xf32>,
        %get3A_120 = vector.shape_cast %get3A_119 : vector<1x16xf32> to vector<16xf32>
        %mul3A_121 = arith.mulf %get3A_120, %get3A_107 : vector<16xf32>
        %swap3A_122 = arith.index_cast %scan3A_100 : i32 to index
        %swap3A_123 = arith.constant 16 : index
        %swap3A_124 = tpu.vector_load %arg13[%swap3A_122, %swap3A_123] {strides = array<i32>} : memref<128x64xf32, #tpu.memory_space<vmem>>, vector<1x16xf32>,
        %swap3A_125 = vector.shape_cast %swap3A_124 : vector<1x16xf32> to vector<16xf32>
        %swap3A_126 = vector.shape_cast %mul3A_121 : vector<16xf32> to vector<1x16xf32>
        tpu.vector_store %arg13[%swap3A_122, %swap3A_123], %swap3A_126 {strides = array<i32>} : memref<128x64xf32, #tpu.memory_space<vmem>>, vector<1x16xf32>,
        %get3A_127 = arith.index_cast %scan3A_100 : i32 to index
        %get3A_128 = arith.constant 32 : index
        %get3A_129 = tpu.vector_load %arg13[%get3A_127, %get3A_128] {strides = array<i32>} : memref<128x64xf32, #tpu.memory_space<vmem>>, vector<1x16xf32>,
        %get3A_130 = vector.shape_cast %get3A_129 : vector<1x16xf32> to vector<16xf32>
        %mul3A_131 = arith.mulf %get3A_130, %get3A_107 : vector<16xf32>
        %swap3A_132 = arith.index_cast %scan3A_100 : i32 to index
        %swap3A_133 = arith.constant 32 : index
        %swap3A_134 = tpu.vector_load %arg13[%swap3A_132, %swap3A_133] {strides = array<i32>} : memref<128x64xf32, #tpu.memory_space<vmem>>, vector<1x16xf32>,
        %swap3A_135 = vector.shape_cast %swap3A_134 : vector<1x16xf32> to vector<16xf32>
        %swap3A_136 = vector.shape_cast %mul3A_131 : vector<16xf32> to vector<1x16xf32>
        tpu.vector_store %arg13[%swap3A_132, %swap3A_133], %swap3A_136 {strides = array<i32>} : memref<128x64xf32, #tpu.memory_space<vmem>>, vector<1x16xf32>,
        %get3A_137 = arith.index_cast %scan3A_100 : i32 to index
        %get3A_138 = arith.constant 48 : index
        %get3A_139 = tpu.vector_load %arg13[%get3A_137, %get3A_138] {strides = array<i32>} : memref<128x64xf32, #tpu.memory_space<vmem>>, vector<1x16xf32>,
        %get3A_140 = vector.shape_cast %get3A_139 : vector<1x16xf32> to vector<16xf32>
        %mul3A_141 = arith.mulf %get3A_140, %get3A_107 : vector<16xf32>
        %swap3A_142 = arith.index_cast %scan3A_100 : i32 to index
        %swap3A_143 = arith.constant 48 : index
        %swap3A_144 = tpu.vector_load %arg13[%swap3A_142, %swap3A_143] {strides = array<i32>} : memref<128x64xf32, #tpu.memory_space<vmem>>, vector<1x16xf32>,
        %swap3A_145 = vector.shape_cast %swap3A_144 : vector<1x16xf32> to vector<16xf32>
        %swap3A_146 = vector.shape_cast %mul3A_141 : vector<16xf32> to vector<1x16xf32>
        tpu.vector_store %arg13[%swap3A_142, %swap3A_143], %swap3A_146 {strides = array<i32>} : memref<128x64xf32, #tpu.memory_space<vmem>>, vector<1x16xf32>,
        %scan3A_147 = arith.constant 0 : i32
        scf.yield %scan3A_147 : i32
      }
      %scan3A_98 = arith.constant 128 : i32
      "tpu.region"() ({
        %run_scoped3A = tpu.sem_alloc : memref<!tpu.dma_semaphore, #tpu.memory_space<semaphore_mem>>
        %dma_start3A = arith.constant 0 : i32
        %dma_start3A_100 = tpu.memref_slice %arg5[%add3A_91, %dma_start3A] : memref<40960x64xf32, #tpu.memory_space<hbm>> -> memref<128x64xf32, #tpu.memory_space<hbm>>
        %dma_start3A_101 = arith.constant 0 : i32
        %dma_start3A_102 = tpu.memref_slice %arg5[%add3A_91, %dma_start3A_101] : memref<40960x64xf32, #tpu.memory_space<hbm>> -> memref<128x64xf32, #tpu.memory_space<hbm>>
        tpu.enqueue_dma source(%arg13 : memref<128x64xf32, #tpu.memory_space<vmem>>) target(%dma_start3A_102 : memref<128x64xf32, #tpu.memory_space<hbm>>) target_semaphore(%run_scoped3A : memref<!tpu.dma_semaphore, #tpu.memory_space<semaphore_mem>>)
        %dma_wait3A = arith.constant 0 : i32
        %dma_wait3A_103 = tpu.memref_slice %arg5[%add3A_91, %dma_wait3A] : memref<40960x64xf32, #tpu.memory_space<hbm>> -> memref<128x64xf32, #tpu.memory_space<hbm>>
        %dma_wait3A_104 = arith.constant 0 : i32
        %dma_wait3A_105 = tpu.memref_slice %arg5[%add3A_91, %dma_wait3A_104] : memref<40960x64xf32, #tpu.memory_space<hbm>> -> memref<128x64xf32, #tpu.memory_space<hbm>>
        tpu.wait_dma2 semaphore(%run_scoped3A : memref<!tpu.dma_semaphore, #tpu.memory_space<semaphore_mem>>) src(%arg13 : memref<128x64xf32, #tpu.memory_space<vmem>>) dst(%dma_wait3A_105 : memref<128x64xf32, #tpu.memory_space<hbm>>)
        tpu.yield
      }) : () -> ()
      %scan3A_99 = arith.constant 0 : i32
      scf.yield %scan3A_99 : i32
    }
    %scan3A_54 = arith.constant 5 : i32
    %barrier3A_55 = arith.constant 0 : index
    tpu.barrier barrier_id(%barrier3A_55)
    %scan3A_56 = arith.constant 0 : i32
    %scan3A_57 = arith.constant 0 : i32
    %scan3A_58 = arith.constant 16 : i32
    %scan3A_59 = arith.addi %scan3A_57, %scan3A_58 : i32
    %scan3A_60 = arith.constant 1 : i32
    %scan3A_61 = scf.for %scan3A_63 = %scan3A_57 to %scan3A_59 step %scan3A_60 iter_args(%scan3A_64 = %scan3A_56) -> (i32)  : i32 {
      %mul3A_65 = arith.constant 2 : i32
      %mul3A_66 = arith.muli %mul3A_65, %arg0 : i32
      %add3A_67 = arith.constant 0 : i32
      %add3A_68 = arith.addi %mul3A_66, %add3A_67 : i32
      %mul3A_69 = arith.constant 10240 : i32
      %mul3A_70 = arith.muli %add3A_68, %mul3A_69 : i32
      %dma_start3A = arith.constant 0 : i32
      %dma_start3A_71 = arith.constant 0 : i32
      %dma_start3A_72 = tpu.memref_slice %arg6[%dma_start3A, %dma_start3A_71] : memref<80x128xi32, #tpu.memory_space<vmem>> -> memref<1x128xi32, #tpu.memory_space<vmem>>
      %dma_start3A_73 = tpu.memref_squeeze %dma_start3A_72 : memref<1x128xi32, #tpu.memory_space<vmem>> -> memref<128xi32, #tpu.memory_space<vmem>>
      %dma_start3A_74 = arith.constant 0 : i32
      %dma_start3A_75 = arith.constant 0 : i32
      %dma_start3A_76 = tpu.memref_slice %arg5[%dma_start3A_74, %dma_start3A_75] : memref<40960x64xf32, #tpu.memory_space<hbm>> -> memref<40960x64xf32, #tpu.memory_space<hbm>>
      tpu.enqueue_indirect_dma source(%dma_start3A_76 : memref<40960x64xf32, #tpu.memory_space<hbm>>) target(%arg9 : memref<128x64xf32, #tpu.memory_space<vmem>>) offsets(%dma_start3A_73 : memref<128xi32, #tpu.memory_space<vmem>>) semaphore(%arg18 : memref<!tpu.dma_semaphore, #tpu.memory_space<semaphore_mem>>)
      %scan3A_77 = arith.constant 0 : i32
      %scan3A_78 = arith.constant 0 : i32
      %scan3A_79 = arith.constant 40 : i32
      %scan3A_80 = arith.addi %scan3A_78, %scan3A_79 : i32
      %scan3A_81 = arith.constant 1 : i32
      %scan3A_82 = scf.for %scan3A_123 = %scan3A_78 to %scan3A_80 step %scan3A_81 iter_args(%scan3A_124 = %scan3A_77) -> (i32)  : i32 {
        %mul3A_125 = arith.constant 2 : i32
        %mul3A_126 = arith.muli %scan3A_123, %mul3A_125 : i32
        %add3A_127 = arith.constant 0 : i32
        %add3A_128 = arith.addi %mul3A_126, %add3A_127 : i32
        %add3A_129 = arith.constant 1 : i32
        %add3A_130 = arith.addi %add3A_128, %add3A_129 : i32
        %lt3A = arith.constant 80 : i32
        %lt3A_131 = arith.cmpi slt, %add3A_130, %lt3A : i32
        %convert_element_type3A = arith.extui %lt3A_131 : i1 to i32
        %cond3A = arith.constant 0 : i32
        %cond3A_132 = arith.cmpi ne, %convert_element_type3A, %cond3A : i32
        scf.if %cond3A_132 {
          %add3A_156 = arith.constant 1 : i32
          %add3A_157 = arith.addi %add3A_128, %add3A_156 : i32
          %dma_start3A_158 = arith.constant 0 : i32
          %dma_start3A_159 = tpu.memref_slice %arg6[%add3A_157, %dma_start3A_158] : memref<80x128xi32, #tpu.memory_space<vmem>> -> memref<1x128xi32, #tpu.memory_space<vmem>>
          %dma_start3A_160 = tpu.memref_squeeze %dma_start3A_159 : memref<1x128xi32, #tpu.memory_space<vmem>> -> memref<128xi32, #tpu.memory_space<vmem>>
          %dma_start3A_161 = arith.constant 0 : i32
          %dma_start3A_162 = arith.constant 0 : i32
          %dma_start3A_163 = tpu.memref_slice %arg5[%dma_start3A_161, %dma_start3A_162] : memref<40960x64xf32, #tpu.memory_space<hbm>> -> memref<40960x64xf32, #tpu.memory_space<hbm>>
          tpu.enqueue_indirect_dma source(%dma_start3A_163 : memref<40960x64xf32, #tpu.memory_space<hbm>>) target(%arg10 : memref<128x64xf32, #tpu.memory_space<vmem>>) offsets(%dma_start3A_160 : memref<128xi32, #tpu.memory_space<vmem>>) semaphore(%arg19 : memref<!tpu.dma_semaphore, #tpu.memory_space<semaphore_mem>>)
        } else {
        }
        %dma_wait3A = arith.constant 0 : i32
        %dma_wait3A_133 = tpu.memref_slice %arg6[%add3A_128, %dma_wait3A] : memref<80x128xi32, #tpu.memory_space<vmem>> -> memref<1x128xi32, #tpu.memory_space<vmem>>
        %dma_wait3A_134 = tpu.memref_squeeze %dma_wait3A_133 : memref<1x128xi32, #tpu.memory_space<vmem>> -> memref<128xi32, #tpu.memory_space<vmem>>
        %dma_wait3A_135 = arith.constant 0 : i32
        %dma_wait3A_136 = arith.constant 0 : i32
        %dma_wait3A_137 = tpu.memref_slice %arg5[%dma_wait3A_135, %dma_wait3A_136] : memref<40960x64xf32, #tpu.memory_space<hbm>> -> memref<40960x64xf32, #tpu.memory_space<hbm>>
        tpu.wait_indirect_dma semaphore(%arg18 : memref<!tpu.dma_semaphore, #tpu.memory_space<semaphore_mem>>) src(%dma_wait3A_137 : memref<40960x64xf32, #tpu.memory_space<hbm>>) dst(%arg9 : memref<128x64xf32, #tpu.memory_space<vmem>>)
        "tpu.region"() ({
          %run_scoped3A = tpu.sem_alloc : memref<!tpu.dma_semaphore, #tpu.memory_space<semaphore_mem>>
          %dma_start3A_156 = arith.constant 0 : i32
          %dma_start3A_157 = tpu.memref_slice %arg8[%add3A_128, %dma_start3A_156] : memref<80x128xi32, #tpu.memory_space<vmem>> -> memref<1x128xi32, #tpu.memory_space<vmem>>
          %dma_start3A_158 = tpu.memref_squeeze %dma_start3A_157 : memref<1x128xi32, #tpu.memory_space<vmem>> -> memref<128xi32, #tpu.memory_space<vmem>>
          %dma_start3A_159 = arith.constant 0 : i32
          %dma_start3A_160 = arith.constant 0 : i32
          %dma_start3A_161 = tpu.memref_slice %arg17[%dma_start3A_159, %dma_start3A_160] : memref<10240x64xf32, #tpu.memory_space<vmem_shared>> -> memref<10240x64xf32, #tpu.memory_space<vmem_shared>>
          tpu.enqueue_indirect_dma source(%arg9 : memref<128x64xf32, #tpu.memory_space<vmem>>) target(%dma_start3A_161 : memref<10240x64xf32, #tpu.memory_space<vmem_shared>>) offsets(%dma_start3A_158 : memref<128xi32, #tpu.memory_space<vmem>>) semaphore(%run_scoped3A : memref<!tpu.dma_semaphore, #tpu.memory_space<semaphore_mem>>) {add = true}
          %dma_wait3A_162 = arith.constant 0 : i32
          %dma_wait3A_163 = tpu.memref_slice %arg8[%add3A_128, %dma_wait3A_162] : memref<80x128xi32, #tpu.memory_space<vmem>> -> memref<1x128xi32, #tpu.memory_space<vmem>>
          %dma_wait3A_164 = tpu.memref_squeeze %dma_wait3A_163 : memref<1x128xi32, #tpu.memory_space<vmem>> -> memref<128xi32, #tpu.memory_space<vmem>>
          %dma_wait3A_165 = arith.constant 0 : i32
          %dma_wait3A_166 = arith.constant 0 : i32
          %dma_wait3A_167 = tpu.memref_slice %arg17[%dma_wait3A_165, %dma_wait3A_166] : memref<10240x64xf32, #tpu.memory_space<vmem_shared>> -> memref<10240x64xf32, #tpu.memory_space<vmem_shared>>
          tpu.wait_indirect_dma semaphore(%run_scoped3A : memref<!tpu.dma_semaphore, #tpu.memory_space<semaphore_mem>>) src(%arg9 : memref<128x64xf32, #tpu.memory_space<vmem>>) dst(%dma_wait3A_167 : memref<10240x64xf32, #tpu.memory_space<vmem_shared>>)
          tpu.yield
        }) : () -> ()
        %mul3A_138 = arith.constant 2 : i32
        %mul3A_139 = arith.muli %scan3A_123, %mul3A_138 : i32
        %add3A_140 = arith.constant 1 : i32
        %add3A_141 = arith.addi %mul3A_139, %add3A_140 : i32
        %add3A_142 = arith.constant 1 : i32
        %add3A_143 = arith.addi %add3A_141, %add3A_142 : i32
        %lt3A_144 = arith.constant 80 : i32
        %lt3A_145 = arith.cmpi slt, %add3A_143, %lt3A_144 : i32
        %convert_element_type3A_146 = arith.extui %lt3A_145 : i1 to i32
        %cond3A_147 = arith.constant 0 : i32
        %cond3A_148 = arith.cmpi ne, %convert_element_type3A_146, %cond3A_147 : i32
        scf.if %cond3A_148 {
          %add3A_156 = arith.constant 1 : i32
          %add3A_157 = arith.addi %add3A_141, %add3A_156 : i32
          %dma_start3A_158 = arith.constant 0 : i32
          %dma_start3A_159 = tpu.memref_slice %arg6[%add3A_157, %dma_start3A_158] : memref<80x128xi32, #tpu.memory_space<vmem>> -> memref<1x128xi32, #tpu.memory_space<vmem>>
          %dma_start3A_160 = tpu.memref_squeeze %dma_start3A_159 : memref<1x128xi32, #tpu.memory_space<vmem>> -> memref<128xi32, #tpu.memory_space<vmem>>
          %dma_start3A_161 = arith.constant 0 : i32
          %dma_start3A_162 = arith.constant 0 : i32
          %dma_start3A_163 = tpu.memref_slice %arg5[%dma_start3A_161, %dma_start3A_162] : memref<40960x64xf32, #tpu.memory_space<hbm>> -> memref<40960x64xf32, #tpu.memory_space<hbm>>
          tpu.enqueue_indirect_dma source(%dma_start3A_163 : memref<40960x64xf32, #tpu.memory_space<hbm>>) target(%arg9 : memref<128x64xf32, #tpu.memory_space<vmem>>) offsets(%dma_start3A_160 : memref<128xi32, #tpu.memory_space<vmem>>) semaphore(%arg18 : memref<!tpu.dma_semaphore, #tpu.memory_space<semaphore_mem>>)
        } else {
        }
        %dma_wait3A_149 = arith.constant 0 : i32
        %dma_wait3A_150 = tpu.memref_slice %arg6[%add3A_141, %dma_wait3A_149] : memref<80x128xi32, #tpu.memory_space<vmem>> -> memref<1x128xi32, #tpu.memory_space<vmem>>
        %dma_wait3A_151 = tpu.memref_squeeze %dma_wait3A_150 : memref<1x128xi32, #tpu.memory_space<vmem>> -> memref<128xi32, #tpu.memory_space<vmem>>
        %dma_wait3A_152 = arith.constant 0 : i32
        %dma_wait3A_153 = arith.constant 0 : i32
        %dma_wait3A_154 = tpu.memref_slice %arg5[%dma_wait3A_152, %dma_wait3A_153] : memref<40960x64xf32, #tpu.memory_space<hbm>> -> memref<40960x64xf32, #tpu.memory_space<hbm>>
        tpu.wait_indirect_dma semaphore(%arg19 : memref<!tpu.dma_semaphore, #tpu.memory_space<semaphore_mem>>) src(%dma_wait3A_154 : memref<40960x64xf32, #tpu.memory_space<hbm>>) dst(%arg10 : memref<128x64xf32, #tpu.memory_space<vmem>>)
        "tpu.region"() ({
          %run_scoped3A = tpu.sem_alloc : memref<!tpu.dma_semaphore, #tpu.memory_space<semaphore_mem>>
          %dma_start3A_156 = arith.constant 0 : i32
          %dma_start3A_157 = tpu.memref_slice %arg8[%add3A_141, %dma_start3A_156] : memref<80x128xi32, #tpu.memory_space<vmem>> -> memref<1x128xi32, #tpu.memory_space<vmem>>
          %dma_start3A_158 = tpu.memref_squeeze %dma_start3A_157 : memref<1x128xi32, #tpu.memory_space<vmem>> -> memref<128xi32, #tpu.memory_space<vmem>>
          %dma_start3A_159 = arith.constant 0 : i32
          %dma_start3A_160 = arith.constant 0 : i32
          %dma_start3A_161 = tpu.memref_slice %arg17[%dma_start3A_159, %dma_start3A_160] : memref<10240x64xf32, #tpu.memory_space<vmem_shared>> -> memref<10240x64xf32, #tpu.memory_space<vmem_shared>>
          tpu.enqueue_indirect_dma source(%arg10 : memref<128x64xf32, #tpu.memory_space<vmem>>) target(%dma_start3A_161 : memref<10240x64xf32, #tpu.memory_space<vmem_shared>>) offsets(%dma_start3A_158 : memref<128xi32, #tpu.memory_space<vmem>>) semaphore(%run_scoped3A : memref<!tpu.dma_semaphore, #tpu.memory_space<semaphore_mem>>) {add = true}
          %dma_wait3A_162 = arith.constant 0 : i32
          %dma_wait3A_163 = tpu.memref_slice %arg8[%add3A_141, %dma_wait3A_162] : memref<80x128xi32, #tpu.memory_space<vmem>> -> memref<1x128xi32, #tpu.memory_space<vmem>>
          %dma_wait3A_164 = tpu.memref_squeeze %dma_wait3A_163 : memref<1x128xi32, #tpu.memory_space<vmem>> -> memref<128xi32, #tpu.memory_space<vmem>>
          %dma_wait3A_165 = arith.constant 0 : i32
          %dma_wait3A_166 = arith.constant 0 : i32
          %dma_wait3A_167 = tpu.memref_slice %arg17[%dma_wait3A_165, %dma_wait3A_166] : memref<10240x64xf32, #tpu.memory_space<vmem_shared>> -> memref<10240x64xf32, #tpu.memory_space<vmem_shared>>
          tpu.wait_indirect_dma semaphore(%run_scoped3A : memref<!tpu.dma_semaphore, #tpu.memory_space<semaphore_mem>>) src(%arg10 : memref<128x64xf32, #tpu.memory_space<vmem>>) dst(%dma_wait3A_167 : memref<10240x64xf32, #tpu.memory_space<vmem_shared>>)
          tpu.yield
        }) : () -> ()
        %scan3A_155 = arith.constant 0 : i32
        scf.yield %scan3A_155 : i32
      }
      %scan3A_83 = arith.constant 40 : i32
      %barrier3A_84 = arith.constant 0 : index
      tpu.barrier barrier_id(%barrier3A_84)
      %scan3A_85 = arith.constant 0 : i32
      %scan3A_86 = arith.constant 0 : i32
      %scan3A_87 = arith.constant 5 : i32
      %scan3A_88 = arith.addi %scan3A_86, %scan3A_87 : i32
      %scan3A_89 = arith.constant 1 : i32
      %scan3A_90 = scf.for %scan3A_123 = %scan3A_86 to %scan3A_88 step %scan3A_89 iter_args(%scan3A_124 = %scan3A_85) -> (i32)  : i32 {
        %mul3A_125 = arith.constant 128 : i32
        %mul3A_126 = arith.muli %scan3A_123, %mul3A_125 : i32
        %add3A_127 = arith.addi %mul3A_0, %mul3A_126 : i32
        %add3A_128 = arith.addi %mul3A_70, %add3A_127 : i32
        %dma_start3A_129 = arith.constant 0 : i32
        %dma_start3A_130 = tpu.memref_slice %arg5[%add3A_128, %dma_start3A_129] : memref<40960x64xf32, #tpu.memory_space<hbm>> -> memref<128x64xf32, #tpu.memory_space<hbm>>
        %dma_start3A_131 = arith.constant 0 : i32
        %dma_start3A_132 = tpu.memref_slice %arg5[%add3A_128, %dma_start3A_131] : memref<40960x64xf32, #tpu.memory_space<hbm>> -> memref<128x64xf32, #tpu.memory_space<hbm>>
        tpu.enqueue_dma source(%dma_start3A_132 : memref<128x64xf32, #tpu.memory_space<hbm>>) target(%arg10 : memref<128x64xf32, #tpu.memory_space<vmem>>) target_semaphore(%arg19 : memref<!tpu.dma_semaphore, #tpu.memory_space<semaphore_mem>>)
        %dma_start3A_133 = arith.constant 0 : i32
        %dma_start3A_134 = tpu.memref_slice %arg2[%add3A_128, %dma_start3A_133] : memref<40960x64xf32, #tpu.memory_space<hbm>> -> memref<128x64xf32, #tpu.memory_space<hbm>>
        %dma_start3A_135 = arith.constant 0 : i32
        %dma_start3A_136 = tpu.memref_slice %arg2[%add3A_128, %dma_start3A_135] : memref<40960x64xf32, #tpu.memory_space<hbm>> -> memref<128x64xf32, #tpu.memory_space<hbm>>
        tpu.enqueue_dma source(%dma_start3A_136 : memref<128x64xf32, #tpu.memory_space<hbm>>) target(%arg13 : memref<128x64xf32, #tpu.memory_space<vmem>>) target_semaphore(%arg20 : memref<!tpu.dma_semaphore, #tpu.memory_space<semaphore_mem>>)
        "tpu.region"() ({
          %run_scoped3A = tpu.sem_alloc : memref<!tpu.dma_semaphore, #tpu.memory_space<semaphore_mem>>
          %dma_start3A_152 = arith.constant 0 : i32
          %dma_start3A_153 = tpu.memref_slice %arg17[%add3A_127, %dma_start3A_152] : memref<10240x64xf32, #tpu.memory_space<vmem_shared>> -> memref<128x64xf32, #tpu.memory_space<vmem_shared>>
          %dma_start3A_154 = arith.constant 0 : i32
          %dma_start3A_155 = tpu.memref_slice %arg17[%add3A_127, %dma_start3A_154] : memref<10240x64xf32, #tpu.memory_space<vmem_shared>> -> memref<128x64xf32, #tpu.memory_space<vmem_shared>>
          tpu.enqueue_dma source(%dma_start3A_155 : memref<128x64xf32, #tpu.memory_space<vmem_shared>>) target(%arg9 : memref<128x64xf32, #tpu.memory_space<vmem>>) target_semaphore(%run_scoped3A : memref<!tpu.dma_semaphore, #tpu.memory_space<semaphore_mem>>)
          %dma_wait3A_156 = arith.constant 0 : i32
          %dma_wait3A_157 = tpu.memref_slice %arg17[%add3A_127, %dma_wait3A_156] : memref<10240x64xf32, #tpu.memory_space<vmem_shared>> -> memref<128x64xf32, #tpu.memory_space<vmem_shared>>
          %dma_wait3A_158 = arith.constant 0 : i32
          %dma_wait3A_159 = tpu.memref_slice %arg17[%add3A_127, %dma_wait3A_158] : memref<10240x64xf32, #tpu.memory_space<vmem_shared>> -> memref<128x64xf32, #tpu.memory_space<vmem_shared>>
          tpu.wait_dma2 semaphore(%run_scoped3A : memref<!tpu.dma_semaphore, #tpu.memory_space<semaphore_mem>>) src(%dma_wait3A_159 : memref<128x64xf32, #tpu.memory_space<vmem_shared>>) dst(%arg9 : memref<128x64xf32, #tpu.memory_space<vmem>>)
          tpu.yield
        }) : () -> ()
        %dma_wait3A = arith.constant 0 : i32
        %dma_wait3A_137 = tpu.memref_slice %arg5[%add3A_128, %dma_wait3A] : memref<40960x64xf32, #tpu.memory_space<hbm>> -> memref<128x64xf32, #tpu.memory_space<hbm>>
        %dma_wait3A_138 = arith.constant 0 : i32
        %dma_wait3A_139 = tpu.memref_slice %arg5[%add3A_128, %dma_wait3A_138] : memref<40960x64xf32, #tpu.memory_space<hbm>> -> memref<128x64xf32, #tpu.memory_space<hbm>>
        tpu.wait_dma2 semaphore(%arg19 : memref<!tpu.dma_semaphore, #tpu.memory_space<semaphore_mem>>) src(%dma_wait3A_139 : memref<128x64xf32, #tpu.memory_space<hbm>>) dst(%arg10 : memref<128x64xf32, #tpu.memory_space<vmem>>)
        %dma_wait3A_140 = arith.constant 0 : i32
        %dma_wait3A_141 = tpu.memref_slice %arg2[%add3A_128, %dma_wait3A_140] : memref<40960x64xf32, #tpu.memory_space<hbm>> -> memref<128x64xf32, #tpu.memory_space<hbm>>
        %dma_wait3A_142 = arith.constant 0 : i32
        %dma_wait3A_143 = tpu.memref_slice %arg2[%add3A_128, %dma_wait3A_142] : memref<40960x64xf32, #tpu.memory_space<hbm>> -> memref<128x64xf32, #tpu.memory_space<hbm>>
        tpu.wait_dma2 semaphore(%arg20 : memref<!tpu.dma_semaphore, #tpu.memory_space<semaphore_mem>>) src(%dma_wait3A_143 : memref<128x64xf32, #tpu.memory_space<hbm>>) dst(%arg13 : memref<128x64xf32, #tpu.memory_space<vmem>>)
        %scan3A_144 = arith.constant 0 : i32
        %scan3A_145 = arith.constant 0 : i32
        %scan3A_146 = arith.constant 128 : i32
        %scan3A_147 = arith.addi %scan3A_145, %scan3A_146 : i32
        %scan3A_148 = arith.constant 1 : i32
        %scan3A_149 = scf.for %scan3A_152 = %scan3A_145 to %scan3A_147 step %scan3A_148 iter_args(%scan3A_153 = %scan3A_144) -> (i32)  : i32 {
          %mul3A_154 = arith.constant 128 : i32
          %mul3A_155 = arith.muli %scan3A_123, %mul3A_154 : i32
          %add3A_156 = arith.addi %mul3A_155, %scan3A_152 : i32
          %get3A = arith.index_cast %add3A_156 : i32 to index
          %get3A_157 = arith.constant 0 : index
          %get3A_158 = tpu.vector_load %arg16[%get3A, %get3A_157] {strides = array<i32>} : memref<640x16xf32, #tpu.memory_space<vmem>>, vector<1x16xf32>,
          %get3A_159 = vector.shape_cast %get3A_158 : vector<1x16xf32> to vector<16xf32>
          %get3A_160 = arith.index_cast %add3A_156 : i32 to index
          %get3A_161 = arith.constant 0 : index
          %get3A_162 = tpu.vector_load %arg15[%get3A_160, %get3A_161] {strides = array<i32>} : memref<640x16xf32, #tpu.memory_space<vmem>>, vector<1x16xf32>,
          %get3A_163 = vector.shape_cast %get3A_162 : vector<1x16xf32> to vector<16xf32>
          %mul3A_164 = arith.constant 1.000000e-01 : f32
          %mul3A_165 = vector.broadcast %mul3A_164 : f32 to vector<16xf32>
          %mul3A_166 = arith.mulf %mul3A_165, %get3A_163 : vector<16xf32>
          %eq3A = arith.constant 15 : i32
          %eq3A_167 = arith.cmpi eq, %scan3A_63, %eq3A : i32
          %div3A = arith.constant 1.000000e+00 : f32
          %div3A_168 = vector.broadcast %div3A : f32 to vector<16xf32>
          %div3A_169 = arith.divf %div3A_168, %get3A_163 : vector<16xf32>
          %broadcast_in_dim3A_170 = arith.constant 1.000000e+00 : f32
          %broadcast_in_dim3A_171 = vector.broadcast %broadcast_in_dim3A_170 : f32 to vector<16xf32>
          %select_n3A = arith.select %eq3A_167, %div3A_169, %broadcast_in_dim3A_171 : vector<16xf32>
          %get3A_172 = arith.index_cast %scan3A_152 : i32 to index
          %get3A_173 = arith.constant 0 : index
          %get3A_174 = tpu.vector_load %arg9[%get3A_172, %get3A_173] {strides = array<i32>} : memref<128x64xf32, #tpu.memory_space<vmem>>, vector<1x16xf32>,
          %get3A_175 = vector.shape_cast %get3A_174 : vector<1x16xf32> to vector<16xf32>
          %get3A_176 = arith.index_cast %scan3A_152 : i32 to index
          %get3A_177 = arith.constant 0 : index
          %get3A_178 = tpu.vector_load %arg10[%get3A_176, %get3A_177] {strides = array<i32>} : memref<128x64xf32, #tpu.memory_space<vmem>>, vector<1x16xf32>,
          %get3A_179 = vector.shape_cast %get3A_178 : vector<1x16xf32> to vector<16xf32>
          %add3A_180 = arith.addf %get3A_175, %get3A_179 : vector<16xf32>
          %mul3A_181 = arith.mulf %add3A_180, %get3A_159 : vector<16xf32>
          %get3A_182 = arith.index_cast %scan3A_152 : i32 to index
          %get3A_183 = arith.constant 0 : index
          %get3A_184 = tpu.vector_load %arg13[%get3A_182, %get3A_183] {strides = array<i32>} : memref<128x64xf32, #tpu.memory_space<vmem>>, vector<1x16xf32>,
          %get3A_185 = vector.shape_cast %get3A_184 : vector<1x16xf32> to vector<16xf32>
          %mul3A_186 = arith.mulf %get3A_185, %mul3A_166 : vector<16xf32>
          %add3A_187 = arith.addf %mul3A_181, %mul3A_186 : vector<16xf32>
          %mul3A_188 = arith.mulf %add3A_187, %select_n3A : vector<16xf32>
          %swap3A = arith.index_cast %scan3A_152 : i32 to index
          %swap3A_189 = arith.constant 0 : index
          %swap3A_190 = tpu.vector_load %arg9[%swap3A, %swap3A_189] {strides = array<i32>} : memref<128x64xf32, #tpu.memory_space<vmem>>, vector<1x16xf32>,
          %swap3A_191 = vector.shape_cast %swap3A_190 : vector<1x16xf32> to vector<16xf32>
          %swap3A_192 = vector.shape_cast %mul3A_188 : vector<16xf32> to vector<1x16xf32>
          tpu.vector_store %arg9[%swap3A, %swap3A_189], %swap3A_192 {strides = array<i32>} : memref<128x64xf32, #tpu.memory_space<vmem>>, vector<1x16xf32>,
          %get3A_193 = arith.index_cast %scan3A_152 : i32 to index
          %get3A_194 = arith.constant 16 : index
          %get3A_195 = tpu.vector_load %arg9[%get3A_193, %get3A_194] {strides = array<i32>} : memref<128x64xf32, #tpu.memory_space<vmem>>, vector<1x16xf32>,
          %get3A_196 = vector.shape_cast %get3A_195 : vector<1x16xf32> to vector<16xf32>
          %get3A_197 = arith.index_cast %scan3A_152 : i32 to index
          %get3A_198 = arith.constant 16 : index
          %get3A_199 = tpu.vector_load %arg10[%get3A_197, %get3A_198] {strides = array<i32>} : memref<128x64xf32, #tpu.memory_space<vmem>>, vector<1x16xf32>,
          %get3A_200 = vector.shape_cast %get3A_199 : vector<1x16xf32> to vector<16xf32>
          %add3A_201 = arith.addf %get3A_196, %get3A_200 : vector<16xf32>
          %mul3A_202 = arith.mulf %add3A_201, %get3A_159 : vector<16xf32>
          %get3A_203 = arith.index_cast %scan3A_152 : i32 to index
          %get3A_204 = arith.constant 16 : index
          %get3A_205 = tpu.vector_load %arg13[%get3A_203, %get3A_204] {strides = array<i32>} : memref<128x64xf32, #tpu.memory_space<vmem>>, vector<1x16xf32>,
          %get3A_206 = vector.shape_cast %get3A_205 : vector<1x16xf32> to vector<16xf32>
          %mul3A_207 = arith.mulf %get3A_206, %mul3A_166 : vector<16xf32>
          %add3A_208 = arith.addf %mul3A_202, %mul3A_207 : vector<16xf32>
          %mul3A_209 = arith.mulf %add3A_208, %select_n3A : vector<16xf32>
          %swap3A_210 = arith.index_cast %scan3A_152 : i32 to index
          %swap3A_211 = arith.constant 16 : index
          %swap3A_212 = tpu.vector_load %arg9[%swap3A_210, %swap3A_211] {strides = array<i32>} : memref<128x64xf32, #tpu.memory_space<vmem>>, vector<1x16xf32>,
          %swap3A_213 = vector.shape_cast %swap3A_212 : vector<1x16xf32> to vector<16xf32>
          %swap3A_214 = vector.shape_cast %mul3A_209 : vector<16xf32> to vector<1x16xf32>
          tpu.vector_store %arg9[%swap3A_210, %swap3A_211], %swap3A_214 {strides = array<i32>} : memref<128x64xf32, #tpu.memory_space<vmem>>, vector<1x16xf32>,
          %get3A_215 = arith.index_cast %scan3A_152 : i32 to index
          %get3A_216 = arith.constant 32 : index
          %get3A_217 = tpu.vector_load %arg9[%get3A_215, %get3A_216] {strides = array<i32>} : memref<128x64xf32, #tpu.memory_space<vmem>>, vector<1x16xf32>,
          %get3A_218 = vector.shape_cast %get3A_217 : vector<1x16xf32> to vector<16xf32>
          %get3A_219 = arith.index_cast %scan3A_152 : i32 to index
          %get3A_220 = arith.constant 32 : index
          %get3A_221 = tpu.vector_load %arg10[%get3A_219, %get3A_220] {strides = array<i32>} : memref<128x64xf32, #tpu.memory_space<vmem>>, vector<1x16xf32>,
          %get3A_222 = vector.shape_cast %get3A_221 : vector<1x16xf32> to vector<16xf32>
          %add3A_223 = arith.addf %get3A_218, %get3A_222 : vector<16xf32>
          %mul3A_224 = arith.mulf %add3A_223, %get3A_159 : vector<16xf32>
          %get3A_225 = arith.index_cast %scan3A_152 : i32 to index
          %get3A_226 = arith.constant 32 : index
          %get3A_227 = tpu.vector_load %arg13[%get3A_225, %get3A_226] {strides = array<i32>} : memref<128x64xf32, #tpu.memory_space<vmem>>, vector<1x16xf32>,
          %get3A_228 = vector.shape_cast %get3A_227 : vector<1x16xf32> to vector<16xf32>
          %mul3A_229 = arith.mulf %get3A_228, %mul3A_166 : vector<16xf32>
          %add3A_230 = arith.addf %mul3A_224, %mul3A_229 : vector<16xf32>
          %mul3A_231 = arith.mulf %add3A_230, %select_n3A : vector<16xf32>
          %swap3A_232 = arith.index_cast %scan3A_152 : i32 to index
          %swap3A_233 = arith.constant 32 : index
          %swap3A_234 = tpu.vector_load %arg9[%swap3A_232, %swap3A_233] {strides = array<i32>} : memref<128x64xf32, #tpu.memory_space<vmem>>, vector<1x16xf32>,
          %swap3A_235 = vector.shape_cast %swap3A_234 : vector<1x16xf32> to vector<16xf32>
          %swap3A_236 = vector.shape_cast %mul3A_231 : vector<16xf32> to vector<1x16xf32>
          tpu.vector_store %arg9[%swap3A_232, %swap3A_233], %swap3A_236 {strides = array<i32>} : memref<128x64xf32, #tpu.memory_space<vmem>>, vector<1x16xf32>,
          %get3A_237 = arith.index_cast %scan3A_152 : i32 to index
          %get3A_238 = arith.constant 48 : index
          %get3A_239 = tpu.vector_load %arg9[%get3A_237, %get3A_238] {strides = array<i32>} : memref<128x64xf32, #tpu.memory_space<vmem>>, vector<1x16xf32>,
          %get3A_240 = vector.shape_cast %get3A_239 : vector<1x16xf32> to vector<16xf32>
          %get3A_241 = arith.index_cast %scan3A_152 : i32 to index
          %get3A_242 = arith.constant 48 : index
          %get3A_243 = tpu.vector_load %arg10[%get3A_241, %get3A_242] {strides = array<i32>} : memref<128x64xf32, #tpu.memory_space<vmem>>, vector<1x16xf32>,
          %get3A_244 = vector.shape_cast %get3A_243 : vector<1x16xf32> to vector<16xf32>
          %add3A_245 = arith.addf %get3A_240, %get3A_244 : vector<16xf32>
          %mul3A_246 = arith.mulf %add3A_245, %get3A_159 : vector<16xf32>
          %get3A_247 = arith.index_cast %scan3A_152 : i32 to index
          %get3A_248 = arith.constant 48 : index
          %get3A_249 = tpu.vector_load %arg13[%get3A_247, %get3A_248] {strides = array<i32>} : memref<128x64xf32, #tpu.memory_space<vmem>>, vector<1x16xf32>,
          %get3A_250 = vector.shape_cast %get3A_249 : vector<1x16xf32> to vector<16xf32>
          %mul3A_251 = arith.mulf %get3A_250, %mul3A_166 : vector<16xf32>
          %add3A_252 = arith.addf %mul3A_246, %mul3A_251 : vector<16xf32>
          %mul3A_253 = arith.mulf %add3A_252, %select_n3A : vector<16xf32>
          %swap3A_254 = arith.index_cast %scan3A_152 : i32 to index
          %swap3A_255 = arith.constant 48 : index
          %swap3A_256 = tpu.vector_load %arg9[%swap3A_254, %swap3A_255] {strides = array<i32>} : memref<128x64xf32, #tpu.memory_space<vmem>>, vector<1x16xf32>,
          %swap3A_257 = vector.shape_cast %swap3A_256 : vector<1x16xf32> to vector<16xf32>
          %swap3A_258 = vector.shape_cast %mul3A_253 : vector<16xf32> to vector<1x16xf32>
          tpu.vector_store %arg9[%swap3A_254, %swap3A_255], %swap3A_258 {strides = array<i32>} : memref<128x64xf32, #tpu.memory_space<vmem>>, vector<1x16xf32>,
          %scan3A_259 = arith.constant 0 : i32
          scf.yield %scan3A_259 : i32
        }
        %scan3A_150 = arith.constant 128 : i32
        "tpu.region"() ({
          %run_scoped3A = tpu.sem_alloc : memref<!tpu.dma_semaphore, #tpu.memory_space<semaphore_mem>>
          %dma_start3A_152 = arith.constant 0 : i32
          %dma_start3A_153 = tpu.memref_slice %arg5[%add3A_128, %dma_start3A_152] : memref<40960x64xf32, #tpu.memory_space<hbm>> -> memref<128x64xf32, #tpu.memory_space<hbm>>
          %dma_start3A_154 = arith.constant 0 : i32
          %dma_start3A_155 = tpu.memref_slice %arg5[%add3A_128, %dma_start3A_154] : memref<40960x64xf32, #tpu.memory_space<hbm>> -> memref<128x64xf32, #tpu.memory_space<hbm>>
          tpu.enqueue_dma source(%arg9 : memref<128x64xf32, #tpu.memory_space<vmem>>) target(%dma_start3A_155 : memref<128x64xf32, #tpu.memory_space<hbm>>) target_semaphore(%run_scoped3A : memref<!tpu.dma_semaphore, #tpu.memory_space<semaphore_mem>>)
          %dma_wait3A_156 = arith.constant 0 : i32
          %dma_wait3A_157 = tpu.memref_slice %arg5[%add3A_128, %dma_wait3A_156] : memref<40960x64xf32, #tpu.memory_space<hbm>> -> memref<128x64xf32, #tpu.memory_space<hbm>>
          %dma_wait3A_158 = arith.constant 0 : i32
          %dma_wait3A_159 = tpu.memref_slice %arg5[%add3A_128, %dma_wait3A_158] : memref<40960x64xf32, #tpu.memory_space<hbm>> -> memref<128x64xf32, #tpu.memory_space<hbm>>
          tpu.wait_dma2 semaphore(%run_scoped3A : memref<!tpu.dma_semaphore, #tpu.memory_space<semaphore_mem>>) src(%arg9 : memref<128x64xf32, #tpu.memory_space<vmem>>) dst(%dma_wait3A_159 : memref<128x64xf32, #tpu.memory_space<hbm>>)
          tpu.yield
        }) : () -> ()
        "tpu.region"() ({
          %run_scoped3A = tpu.sem_alloc : memref<!tpu.dma_semaphore, #tpu.memory_space<semaphore_mem>>
          %dma_start3A_152 = arith.constant 0 : i32
          %dma_start3A_153 = tpu.memref_slice %arg17[%add3A_127, %dma_start3A_152] : memref<10240x64xf32, #tpu.memory_space<vmem_shared>> -> memref<128x64xf32, #tpu.memory_space<vmem_shared>>
          %dma_start3A_154 = arith.constant 0 : i32
          %dma_start3A_155 = tpu.memref_slice %arg17[%add3A_127, %dma_start3A_154] : memref<10240x64xf32, #tpu.memory_space<vmem_shared>> -> memref<128x64xf32, #tpu.memory_space<vmem_shared>>
          tpu.enqueue_dma source(%arg14 : memref<128x64xf32, #tpu.memory_space<vmem>>) target(%dma_start3A_155 : memref<128x64xf32, #tpu.memory_space<vmem_shared>>) target_semaphore(%run_scoped3A : memref<!tpu.dma_semaphore, #tpu.memory_space<semaphore_mem>>)
          %dma_wait3A_156 = arith.constant 0 : i32
          %dma_wait3A_157 = tpu.memref_slice %arg17[%add3A_127, %dma_wait3A_156] : memref<10240x64xf32, #tpu.memory_space<vmem_shared>> -> memref<128x64xf32, #tpu.memory_space<vmem_shared>>
          %dma_wait3A_158 = arith.constant 0 : i32
          %dma_wait3A_159 = tpu.memref_slice %arg17[%add3A_127, %dma_wait3A_158] : memref<10240x64xf32, #tpu.memory_space<vmem_shared>> -> memref<128x64xf32, #tpu.memory_space<vmem_shared>>
          tpu.wait_dma2 semaphore(%run_scoped3A : memref<!tpu.dma_semaphore, #tpu.memory_space<semaphore_mem>>) src(%arg14 : memref<128x64xf32, #tpu.memory_space<vmem>>) dst(%dma_wait3A_159 : memref<128x64xf32, #tpu.memory_space<vmem_shared>>)
          tpu.yield
        }) : () -> ()
        %scan3A_151 = arith.constant 0 : i32
        scf.yield %scan3A_151 : i32
      }
      %scan3A_91 = arith.constant 5 : i32
      %barrier3A_92 = arith.constant 0 : index
      tpu.barrier barrier_id(%barrier3A_92)
      %mul3A_93 = arith.constant 2 : i32
      %mul3A_94 = arith.muli %mul3A_93, %arg0 : i32
      %add3A_95 = arith.constant 1 : i32
      %add3A_96 = arith.addi %mul3A_94, %add3A_95 : i32
      %mul3A_97 = arith.constant 10240 : i32
      %mul3A_98 = arith.muli %add3A_96, %mul3A_97 : i32
      %dma_start3A_99 = arith.constant 0 : i32
      %dma_start3A_100 = arith.constant 0 : i32
      %dma_start3A_101 = tpu.memref_slice %arg7[%dma_start3A_99, %dma_start3A_100] : memref<80x128xi32, #tpu.memory_space<vmem>> -> memref<1x128xi32, #tpu.memory_space<vmem>>
      %dma_start3A_102 = tpu.memref_squeeze %dma_start3A_101 : memref<1x128xi32, #tpu.memory_space<vmem>> -> memref<128xi32, #tpu.memory_space<vmem>>
      %dma_start3A_103 = arith.constant 0 : i32
      %dma_start3A_104 = arith.constant 0 : i32
      %dma_start3A_105 = tpu.memref_slice %arg5[%dma_start3A_103, %dma_start3A_104] : memref<40960x64xf32, #tpu.memory_space<hbm>> -> memref<40960x64xf32, #tpu.memory_space<hbm>>
      tpu.enqueue_indirect_dma source(%dma_start3A_105 : memref<40960x64xf32, #tpu.memory_space<hbm>>) target(%arg9 : memref<128x64xf32, #tpu.memory_space<vmem>>) offsets(%dma_start3A_102 : memref<128xi32, #tpu.memory_space<vmem>>) semaphore(%arg18 : memref<!tpu.dma_semaphore, #tpu.memory_space<semaphore_mem>>)
      %scan3A_106 = arith.constant 0 : i32
      %scan3A_107 = arith.constant 0 : i32
      %scan3A_108 = arith.constant 40 : i32
      %scan3A_109 = arith.addi %scan3A_107, %scan3A_108 : i32
      %scan3A_110 = arith.constant 1 : i32
      %scan3A_111 = scf.for %scan3A_123 = %scan3A_107 to %scan3A_109 step %scan3A_110 iter_args(%scan3A_124 = %scan3A_106) -> (i32)  : i32 {
        %mul3A_125 = arith.constant 2 : i32
        %mul3A_126 = arith.muli %scan3A_123, %mul3A_125 : i32
        %add3A_127 = arith.constant 0 : i32
        %add3A_128 = arith.addi %mul3A_126, %add3A_127 : i32
        %add3A_129 = arith.constant 1 : i32
        %add3A_130 = arith.addi %add3A_128, %add3A_129 : i32
        %lt3A = arith.constant 80 : i32
        %lt3A_131 = arith.cmpi slt, %add3A_130, %lt3A : i32
        %convert_element_type3A = arith.extui %lt3A_131 : i1 to i32
        %cond3A = arith.constant 0 : i32
        %cond3A_132 = arith.cmpi ne, %convert_element_type3A, %cond3A : i32
        scf.if %cond3A_132 {
          %add3A_156 = arith.constant 1 : i32
          %add3A_157 = arith.addi %add3A_128, %add3A_156 : i32
          %dma_start3A_158 = arith.constant 0 : i32
          %dma_start3A_159 = tpu.memref_slice %arg7[%add3A_157, %dma_start3A_158] : memref<80x128xi32, #tpu.memory_space<vmem>> -> memref<1x128xi32, #tpu.memory_space<vmem>>
          %dma_start3A_160 = tpu.memref_squeeze %dma_start3A_159 : memref<1x128xi32, #tpu.memory_space<vmem>> -> memref<128xi32, #tpu.memory_space<vmem>>
          %dma_start3A_161 = arith.constant 0 : i32
          %dma_start3A_162 = arith.constant 0 : i32
          %dma_start3A_163 = tpu.memref_slice %arg5[%dma_start3A_161, %dma_start3A_162] : memref<40960x64xf32, #tpu.memory_space<hbm>> -> memref<40960x64xf32, #tpu.memory_space<hbm>>
          tpu.enqueue_indirect_dma source(%dma_start3A_163 : memref<40960x64xf32, #tpu.memory_space<hbm>>) target(%arg10 : memref<128x64xf32, #tpu.memory_space<vmem>>) offsets(%dma_start3A_160 : memref<128xi32, #tpu.memory_space<vmem>>) semaphore(%arg19 : memref<!tpu.dma_semaphore, #tpu.memory_space<semaphore_mem>>)
        } else {
        }
        %dma_wait3A = arith.constant 0 : i32
        %dma_wait3A_133 = tpu.memref_slice %arg7[%add3A_128, %dma_wait3A] : memref<80x128xi32, #tpu.memory_space<vmem>> -> memref<1x128xi32, #tpu.memory_space<vmem>>
        %dma_wait3A_134 = tpu.memref_squeeze %dma_wait3A_133 : memref<1x128xi32, #tpu.memory_space<vmem>> -> memref<128xi32, #tpu.memory_space<vmem>>
        %dma_wait3A_135 = arith.constant 0 : i32
        %dma_wait3A_136 = arith.constant 0 : i32
        %dma_wait3A_137 = tpu.memref_slice %arg5[%dma_wait3A_135, %dma_wait3A_136] : memref<40960x64xf32, #tpu.memory_space<hbm>> -> memref<40960x64xf32, #tpu.memory_space<hbm>>
        tpu.wait_indirect_dma semaphore(%arg18 : memref<!tpu.dma_semaphore, #tpu.memory_space<semaphore_mem>>) src(%dma_wait3A_137 : memref<40960x64xf32, #tpu.memory_space<hbm>>) dst(%arg9 : memref<128x64xf32, #tpu.memory_space<vmem>>)
        "tpu.region"() ({
          %run_scoped3A = tpu.sem_alloc : memref<!tpu.dma_semaphore, #tpu.memory_space<semaphore_mem>>
          %dma_start3A_156 = arith.constant 0 : i32
          %dma_start3A_157 = tpu.memref_slice %arg8[%add3A_128, %dma_start3A_156] : memref<80x128xi32, #tpu.memory_space<vmem>> -> memref<1x128xi32, #tpu.memory_space<vmem>>
          %dma_start3A_158 = tpu.memref_squeeze %dma_start3A_157 : memref<1x128xi32, #tpu.memory_space<vmem>> -> memref<128xi32, #tpu.memory_space<vmem>>
          %dma_start3A_159 = arith.constant 0 : i32
          %dma_start3A_160 = arith.constant 0 : i32
          %dma_start3A_161 = tpu.memref_slice %arg17[%dma_start3A_159, %dma_start3A_160] : memref<10240x64xf32, #tpu.memory_space<vmem_shared>> -> memref<10240x64xf32, #tpu.memory_space<vmem_shared>>
          tpu.enqueue_indirect_dma source(%arg9 : memref<128x64xf32, #tpu.memory_space<vmem>>) target(%dma_start3A_161 : memref<10240x64xf32, #tpu.memory_space<vmem_shared>>) offsets(%dma_start3A_158 : memref<128xi32, #tpu.memory_space<vmem>>) semaphore(%run_scoped3A : memref<!tpu.dma_semaphore, #tpu.memory_space<semaphore_mem>>) {add = true}
          %dma_wait3A_162 = arith.constant 0 : i32
          %dma_wait3A_163 = tpu.memref_slice %arg8[%add3A_128, %dma_wait3A_162] : memref<80x128xi32, #tpu.memory_space<vmem>> -> memref<1x128xi32, #tpu.memory_space<vmem>>
          %dma_wait3A_164 = tpu.memref_squeeze %dma_wait3A_163 : memref<1x128xi32, #tpu.memory_space<vmem>> -> memref<128xi32, #tpu.memory_space<vmem>>
          %dma_wait3A_165 = arith.constant 0 : i32
          %dma_wait3A_166 = arith.constant 0 : i32
          %dma_wait3A_167 = tpu.memref_slice %arg17[%dma_wait3A_165, %dma_wait3A_166] : memref<10240x64xf32, #tpu.memory_space<vmem_shared>> -> memref<10240x64xf32, #tpu.memory_space<vmem_shared>>
          tpu.wait_indirect_dma semaphore(%run_scoped3A : memref<!tpu.dma_semaphore, #tpu.memory_space<semaphore_mem>>) src(%arg9 : memref<128x64xf32, #tpu.memory_space<vmem>>) dst(%dma_wait3A_167 : memref<10240x64xf32, #tpu.memory_space<vmem_shared>>)
          tpu.yield
        }) : () -> ()
        %mul3A_138 = arith.constant 2 : i32
        %mul3A_139 = arith.muli %scan3A_123, %mul3A_138 : i32
        %add3A_140 = arith.constant 1 : i32
        %add3A_141 = arith.addi %mul3A_139, %add3A_140 : i32
        %add3A_142 = arith.constant 1 : i32
        %add3A_143 = arith.addi %add3A_141, %add3A_142 : i32
        %lt3A_144 = arith.constant 80 : i32
        %lt3A_145 = arith.cmpi slt, %add3A_143, %lt3A_144 : i32
        %convert_element_type3A_146 = arith.extui %lt3A_145 : i1 to i32
        %cond3A_147 = arith.constant 0 : i32
        %cond3A_148 = arith.cmpi ne, %convert_element_type3A_146, %cond3A_147 : i32
        scf.if %cond3A_148 {
          %add3A_156 = arith.constant 1 : i32
          %add3A_157 = arith.addi %add3A_141, %add3A_156 : i32
          %dma_start3A_158 = arith.constant 0 : i32
          %dma_start3A_159 = tpu.memref_slice %arg7[%add3A_157, %dma_start3A_158] : memref<80x128xi32, #tpu.memory_space<vmem>> -> memref<1x128xi32, #tpu.memory_space<vmem>>
          %dma_start3A_160 = tpu.memref_squeeze %dma_start3A_159 : memref<1x128xi32, #tpu.memory_space<vmem>> -> memref<128xi32, #tpu.memory_space<vmem>>
          %dma_start3A_161 = arith.constant 0 : i32
          %dma_start3A_162 = arith.constant 0 : i32
          %dma_start3A_163 = tpu.memref_slice %arg5[%dma_start3A_161, %dma_start3A_162] : memref<40960x64xf32, #tpu.memory_space<hbm>> -> memref<40960x64xf32, #tpu.memory_space<hbm>>
          tpu.enqueue_indirect_dma source(%dma_start3A_163 : memref<40960x64xf32, #tpu.memory_space<hbm>>) target(%arg9 : memref<128x64xf32, #tpu.memory_space<vmem>>) offsets(%dma_start3A_160 : memref<128xi32, #tpu.memory_space<vmem>>) semaphore(%arg18 : memref<!tpu.dma_semaphore, #tpu.memory_space<semaphore_mem>>)
        } else {
        }
        %dma_wait3A_149 = arith.constant 0 : i32
        %dma_wait3A_150 = tpu.memref_slice %arg7[%add3A_141, %dma_wait3A_149] : memref<80x128xi32, #tpu.memory_space<vmem>> -> memref<1x128xi32, #tpu.memory_space<vmem>>
        %dma_wait3A_151 = tpu.memref_squeeze %dma_wait3A_150 : memref<1x128xi32, #tpu.memory_space<vmem>> -> memref<128xi32, #tpu.memory_space<vmem>>
        %dma_wait3A_152 = arith.constant 0 : i32
        %dma_wait3A_153 = arith.constant 0 : i32
        %dma_wait3A_154 = tpu.memref_slice %arg5[%dma_wait3A_152, %dma_wait3A_153] : memref<40960x64xf32, #tpu.memory_space<hbm>> -> memref<40960x64xf32, #tpu.memory_space<hbm>>
        tpu.wait_indirect_dma semaphore(%arg19 : memref<!tpu.dma_semaphore, #tpu.memory_space<semaphore_mem>>) src(%dma_wait3A_154 : memref<40960x64xf32, #tpu.memory_space<hbm>>) dst(%arg10 : memref<128x64xf32, #tpu.memory_space<vmem>>)
        "tpu.region"() ({
          %run_scoped3A = tpu.sem_alloc : memref<!tpu.dma_semaphore, #tpu.memory_space<semaphore_mem>>
          %dma_start3A_156 = arith.constant 0 : i32
          %dma_start3A_157 = tpu.memref_slice %arg8[%add3A_141, %dma_start3A_156] : memref<80x128xi32, #tpu.memory_space<vmem>> -> memref<1x128xi32, #tpu.memory_space<vmem>>
          %dma_start3A_158 = tpu.memref_squeeze %dma_start3A_157 : memref<1x128xi32, #tpu.memory_space<vmem>> -> memref<128xi32, #tpu.memory_space<vmem>>
          %dma_start3A_159 = arith.constant 0 : i32
          %dma_start3A_160 = arith.constant 0 : i32
          %dma_start3A_161 = tpu.memref_slice %arg17[%dma_start3A_159, %dma_start3A_160] : memref<10240x64xf32, #tpu.memory_space<vmem_shared>> -> memref<10240x64xf32, #tpu.memory_space<vmem_shared>>
          tpu.enqueue_indirect_dma source(%arg10 : memref<128x64xf32, #tpu.memory_space<vmem>>) target(%dma_start3A_161 : memref<10240x64xf32, #tpu.memory_space<vmem_shared>>) offsets(%dma_start3A_158 : memref<128xi32, #tpu.memory_space<vmem>>) semaphore(%run_scoped3A : memref<!tpu.dma_semaphore, #tpu.memory_space<semaphore_mem>>) {add = true}
          %dma_wait3A_162 = arith.constant 0 : i32
          %dma_wait3A_163 = tpu.memref_slice %arg8[%add3A_141, %dma_wait3A_162] : memref<80x128xi32, #tpu.memory_space<vmem>> -> memref<1x128xi32, #tpu.memory_space<vmem>>
          %dma_wait3A_164 = tpu.memref_squeeze %dma_wait3A_163 : memref<1x128xi32, #tpu.memory_space<vmem>> -> memref<128xi32, #tpu.memory_space<vmem>>
          %dma_wait3A_165 = arith.constant 0 : i32
          %dma_wait3A_166 = arith.constant 0 : i32
          %dma_wait3A_167 = tpu.memref_slice %arg17[%dma_wait3A_165, %dma_wait3A_166] : memref<10240x64xf32, #tpu.memory_space<vmem_shared>> -> memref<10240x64xf32, #tpu.memory_space<vmem_shared>>
          tpu.wait_indirect_dma semaphore(%run_scoped3A : memref<!tpu.dma_semaphore, #tpu.memory_space<semaphore_mem>>) src(%arg10 : memref<128x64xf32, #tpu.memory_space<vmem>>) dst(%dma_wait3A_167 : memref<10240x64xf32, #tpu.memory_space<vmem_shared>>)
          tpu.yield
        }) : () -> ()
        %scan3A_155 = arith.constant 0 : i32
        scf.yield %scan3A_155 : i32
      }
      %scan3A_112 = arith.constant 40 : i32
      %barrier3A_113 = arith.constant 0 : index
      tpu.barrier barrier_id(%barrier3A_113)
      %scan3A_114 = arith.constant 0 : i32
      %scan3A_115 = arith.constant 0 : i32
      %scan3A_116 = arith.constant 5 : i32
      %scan3A_117 = arith.addi %scan3A_115, %scan3A_116 : i32
      %scan3A_118 = arith.constant 1 : i32
      %scan3A_119 = scf.for %scan3A_123 = %scan3A_115 to %scan3A_117 step %scan3A_118 iter_args(%scan3A_124 = %scan3A_114) -> (i32)  : i32 {
        %mul3A_125 = arith.constant 128 : i32
        %mul3A_126 = arith.muli %scan3A_123, %mul3A_125 : i32
        %add3A_127 = arith.addi %mul3A_0, %mul3A_126 : i32
        %add3A_128 = arith.addi %mul3A_98, %add3A_127 : i32
        %dma_start3A_129 = arith.constant 0 : i32
        %dma_start3A_130 = tpu.memref_slice %arg5[%add3A_128, %dma_start3A_129] : memref<40960x64xf32, #tpu.memory_space<hbm>> -> memref<128x64xf32, #tpu.memory_space<hbm>>
        %dma_start3A_131 = arith.constant 0 : i32
        %dma_start3A_132 = tpu.memref_slice %arg5[%add3A_128, %dma_start3A_131] : memref<40960x64xf32, #tpu.memory_space<hbm>> -> memref<128x64xf32, #tpu.memory_space<hbm>>
        tpu.enqueue_dma source(%dma_start3A_132 : memref<128x64xf32, #tpu.memory_space<hbm>>) target(%arg10 : memref<128x64xf32, #tpu.memory_space<vmem>>) target_semaphore(%arg19 : memref<!tpu.dma_semaphore, #tpu.memory_space<semaphore_mem>>)
        %dma_start3A_133 = arith.constant 0 : i32
        %dma_start3A_134 = tpu.memref_slice %arg2[%add3A_128, %dma_start3A_133] : memref<40960x64xf32, #tpu.memory_space<hbm>> -> memref<128x64xf32, #tpu.memory_space<hbm>>
        %dma_start3A_135 = arith.constant 0 : i32
        %dma_start3A_136 = tpu.memref_slice %arg2[%add3A_128, %dma_start3A_135] : memref<40960x64xf32, #tpu.memory_space<hbm>> -> memref<128x64xf32, #tpu.memory_space<hbm>>
        tpu.enqueue_dma source(%dma_start3A_136 : memref<128x64xf32, #tpu.memory_space<hbm>>) target(%arg13 : memref<128x64xf32, #tpu.memory_space<vmem>>) target_semaphore(%arg20 : memref<!tpu.dma_semaphore, #tpu.memory_space<semaphore_mem>>)
        "tpu.region"() ({
          %run_scoped3A = tpu.sem_alloc : memref<!tpu.dma_semaphore, #tpu.memory_space<semaphore_mem>>
          %dma_start3A_152 = arith.constant 0 : i32
          %dma_start3A_153 = tpu.memref_slice %arg17[%add3A_127, %dma_start3A_152] : memref<10240x64xf32, #tpu.memory_space<vmem_shared>> -> memref<128x64xf32, #tpu.memory_space<vmem_shared>>
          %dma_start3A_154 = arith.constant 0 : i32
          %dma_start3A_155 = tpu.memref_slice %arg17[%add3A_127, %dma_start3A_154] : memref<10240x64xf32, #tpu.memory_space<vmem_shared>> -> memref<128x64xf32, #tpu.memory_space<vmem_shared>>
          tpu.enqueue_dma source(%dma_start3A_155 : memref<128x64xf32, #tpu.memory_space<vmem_shared>>) target(%arg9 : memref<128x64xf32, #tpu.memory_space<vmem>>) target_semaphore(%run_scoped3A : memref<!tpu.dma_semaphore, #tpu.memory_space<semaphore_mem>>)
          %dma_wait3A_156 = arith.constant 0 : i32
          %dma_wait3A_157 = tpu.memref_slice %arg17[%add3A_127, %dma_wait3A_156] : memref<10240x64xf32, #tpu.memory_space<vmem_shared>> -> memref<128x64xf32, #tpu.memory_space<vmem_shared>>
          %dma_wait3A_158 = arith.constant 0 : i32
          %dma_wait3A_159 = tpu.memref_slice %arg17[%add3A_127, %dma_wait3A_158] : memref<10240x64xf32, #tpu.memory_space<vmem_shared>> -> memref<128x64xf32, #tpu.memory_space<vmem_shared>>
          tpu.wait_dma2 semaphore(%run_scoped3A : memref<!tpu.dma_semaphore, #tpu.memory_space<semaphore_mem>>) src(%dma_wait3A_159 : memref<128x64xf32, #tpu.memory_space<vmem_shared>>) dst(%arg9 : memref<128x64xf32, #tpu.memory_space<vmem>>)
          tpu.yield
        }) : () -> ()
        %dma_wait3A = arith.constant 0 : i32
        %dma_wait3A_137 = tpu.memref_slice %arg5[%add3A_128, %dma_wait3A] : memref<40960x64xf32, #tpu.memory_space<hbm>> -> memref<128x64xf32, #tpu.memory_space<hbm>>
        %dma_wait3A_138 = arith.constant 0 : i32
        %dma_wait3A_139 = tpu.memref_slice %arg5[%add3A_128, %dma_wait3A_138] : memref<40960x64xf32, #tpu.memory_space<hbm>> -> memref<128x64xf32, #tpu.memory_space<hbm>>
        tpu.wait_dma2 semaphore(%arg19 : memref<!tpu.dma_semaphore, #tpu.memory_space<semaphore_mem>>) src(%dma_wait3A_139 : memref<128x64xf32, #tpu.memory_space<hbm>>) dst(%arg10 : memref<128x64xf32, #tpu.memory_space<vmem>>)
        %dma_wait3A_140 = arith.constant 0 : i32
        %dma_wait3A_141 = tpu.memref_slice %arg2[%add3A_128, %dma_wait3A_140] : memref<40960x64xf32, #tpu.memory_space<hbm>> -> memref<128x64xf32, #tpu.memory_space<hbm>>
        %dma_wait3A_142 = arith.constant 0 : i32
        %dma_wait3A_143 = tpu.memref_slice %arg2[%add3A_128, %dma_wait3A_142] : memref<40960x64xf32, #tpu.memory_space<hbm>> -> memref<128x64xf32, #tpu.memory_space<hbm>>
        tpu.wait_dma2 semaphore(%arg20 : memref<!tpu.dma_semaphore, #tpu.memory_space<semaphore_mem>>) src(%dma_wait3A_143 : memref<128x64xf32, #tpu.memory_space<hbm>>) dst(%arg13 : memref<128x64xf32, #tpu.memory_space<vmem>>)
        %scan3A_144 = arith.constant 0 : i32
        %scan3A_145 = arith.constant 0 : i32
        %scan3A_146 = arith.constant 128 : i32
        %scan3A_147 = arith.addi %scan3A_145, %scan3A_146 : i32
        %scan3A_148 = arith.constant 1 : i32
        %scan3A_149 = scf.for %scan3A_152 = %scan3A_145 to %scan3A_147 step %scan3A_148 iter_args(%scan3A_153 = %scan3A_144) -> (i32)  : i32 {
          %mul3A_154 = arith.constant 128 : i32
          %mul3A_155 = arith.muli %scan3A_123, %mul3A_154 : i32
          %add3A_156 = arith.addi %mul3A_155, %scan3A_152 : i32
          %get3A = arith.index_cast %add3A_156 : i32 to index
          %get3A_157 = arith.constant 0 : index
          %get3A_158 = tpu.vector_load %arg16[%get3A, %get3A_157] {strides = array<i32>} : memref<640x16xf32, #tpu.memory_space<vmem>>, vector<1x16xf32>,
          %get3A_159 = vector.shape_cast %get3A_158 : vector<1x16xf32> to vector<16xf32>
          %get3A_160 = arith.index_cast %add3A_156 : i32 to index
          %get3A_161 = arith.constant 0 : index
          %get3A_162 = tpu.vector_load %arg15[%get3A_160, %get3A_161] {strides = array<i32>} : memref<640x16xf32, #tpu.memory_space<vmem>>, vector<1x16xf32>,
          %get3A_163 = vector.shape_cast %get3A_162 : vector<1x16xf32> to vector<16xf32>
          %mul3A_164 = arith.constant 1.000000e-01 : f32
          %mul3A_165 = vector.broadcast %mul3A_164 : f32 to vector<16xf32>
          %mul3A_166 = arith.mulf %mul3A_165, %get3A_163 : vector<16xf32>
          %eq3A = arith.constant 15 : i32
          %eq3A_167 = arith.cmpi eq, %scan3A_63, %eq3A : i32
          %div3A = arith.constant 1.000000e+00 : f32
          %div3A_168 = vector.broadcast %div3A : f32 to vector<16xf32>
          %div3A_169 = arith.divf %div3A_168, %get3A_163 : vector<16xf32>
          %broadcast_in_dim3A_170 = arith.constant 1.000000e+00 : f32
          %broadcast_in_dim3A_171 = vector.broadcast %broadcast_in_dim3A_170 : f32 to vector<16xf32>
          %select_n3A = arith.select %eq3A_167, %div3A_169, %broadcast_in_dim3A_171 : vector<16xf32>
          %get3A_172 = arith.index_cast %scan3A_152 : i32 to index
          %get3A_173 = arith.constant 0 : index
          %get3A_174 = tpu.vector_load %arg9[%get3A_172, %get3A_173] {strides = array<i32>} : memref<128x64xf32, #tpu.memory_space<vmem>>, vector<1x16xf32>,
          %get3A_175 = vector.shape_cast %get3A_174 : vector<1x16xf32> to vector<16xf32>
          %get3A_176 = arith.index_cast %scan3A_152 : i32 to index
          %get3A_177 = arith.constant 0 : index
          %get3A_178 = tpu.vector_load %arg10[%get3A_176, %get3A_177] {strides = array<i32>} : memref<128x64xf32, #tpu.memory_space<vmem>>, vector<1x16xf32>,
          %get3A_179 = vector.shape_cast %get3A_178 : vector<1x16xf32> to vector<16xf32>
          %add3A_180 = arith.addf %get3A_175, %get3A_179 : vector<16xf32>
          %mul3A_181 = arith.mulf %add3A_180, %get3A_159 : vector<16xf32>
          %get3A_182 = arith.index_cast %scan3A_152 : i32 to index
          %get3A_183 = arith.constant 0 : index
          %get3A_184 = tpu.vector_load %arg13[%get3A_182, %get3A_183] {strides = array<i32>} : memref<128x64xf32, #tpu.memory_space<vmem>>, vector<1x16xf32>,
          %get3A_185 = vector.shape_cast %get3A_184 : vector<1x16xf32> to vector<16xf32>
          %mul3A_186 = arith.mulf %get3A_185, %mul3A_166 : vector<16xf32>
          %add3A_187 = arith.addf %mul3A_181, %mul3A_186 : vector<16xf32>
          %mul3A_188 = arith.mulf %add3A_187, %select_n3A : vector<16xf32>
          %swap3A = arith.index_cast %scan3A_152 : i32 to index
          %swap3A_189 = arith.constant 0 : index
          %swap3A_190 = tpu.vector_load %arg9[%swap3A, %swap3A_189] {strides = array<i32>} : memref<128x64xf32, #tpu.memory_space<vmem>>, vector<1x16xf32>,
          %swap3A_191 = vector.shape_cast %swap3A_190 : vector<1x16xf32> to vector<16xf32>
          %swap3A_192 = vector.shape_cast %mul3A_188 : vector<16xf32> to vector<1x16xf32>
          tpu.vector_store %arg9[%swap3A, %swap3A_189], %swap3A_192 {strides = array<i32>} : memref<128x64xf32, #tpu.memory_space<vmem>>, vector<1x16xf32>,
          %get3A_193 = arith.index_cast %scan3A_152 : i32 to index
          %get3A_194 = arith.constant 16 : index
          %get3A_195 = tpu.vector_load %arg9[%get3A_193, %get3A_194] {strides = array<i32>} : memref<128x64xf32, #tpu.memory_space<vmem>>, vector<1x16xf32>,
          %get3A_196 = vector.shape_cast %get3A_195 : vector<1x16xf32> to vector<16xf32>
          %get3A_197 = arith.index_cast %scan3A_152 : i32 to index
          %get3A_198 = arith.constant 16 : index
          %get3A_199 = tpu.vector_load %arg10[%get3A_197, %get3A_198] {strides = array<i32>} : memref<128x64xf32, #tpu.memory_space<vmem>>, vector<1x16xf32>,
          %get3A_200 = vector.shape_cast %get3A_199 : vector<1x16xf32> to vector<16xf32>
          %add3A_201 = arith.addf %get3A_196, %get3A_200 : vector<16xf32>
          %mul3A_202 = arith.mulf %add3A_201, %get3A_159 : vector<16xf32>
          %get3A_203 = arith.index_cast %scan3A_152 : i32 to index
          %get3A_204 = arith.constant 16 : index
          %get3A_205 = tpu.vector_load %arg13[%get3A_203, %get3A_204] {strides = array<i32>} : memref<128x64xf32, #tpu.memory_space<vmem>>, vector<1x16xf32>,
          %get3A_206 = vector.shape_cast %get3A_205 : vector<1x16xf32> to vector<16xf32>
          %mul3A_207 = arith.mulf %get3A_206, %mul3A_166 : vector<16xf32>
          %add3A_208 = arith.addf %mul3A_202, %mul3A_207 : vector<16xf32>
          %mul3A_209 = arith.mulf %add3A_208, %select_n3A : vector<16xf32>
          %swap3A_210 = arith.index_cast %scan3A_152 : i32 to index
          %swap3A_211 = arith.constant 16 : index
          %swap3A_212 = tpu.vector_load %arg9[%swap3A_210, %swap3A_211] {strides = array<i32>} : memref<128x64xf32, #tpu.memory_space<vmem>>, vector<1x16xf32>,
          %swap3A_213 = vector.shape_cast %swap3A_212 : vector<1x16xf32> to vector<16xf32>
          %swap3A_214 = vector.shape_cast %mul3A_209 : vector<16xf32> to vector<1x16xf32>
          tpu.vector_store %arg9[%swap3A_210, %swap3A_211], %swap3A_214 {strides = array<i32>} : memref<128x64xf32, #tpu.memory_space<vmem>>, vector<1x16xf32>,
          %get3A_215 = arith.index_cast %scan3A_152 : i32 to index
          %get3A_216 = arith.constant 32 : index
          %get3A_217 = tpu.vector_load %arg9[%get3A_215, %get3A_216] {strides = array<i32>} : memref<128x64xf32, #tpu.memory_space<vmem>>, vector<1x16xf32>,
          %get3A_218 = vector.shape_cast %get3A_217 : vector<1x16xf32> to vector<16xf32>
          %get3A_219 = arith.index_cast %scan3A_152 : i32 to index
          %get3A_220 = arith.constant 32 : index
          %get3A_221 = tpu.vector_load %arg10[%get3A_219, %get3A_220] {strides = array<i32>} : memref<128x64xf32, #tpu.memory_space<vmem>>, vector<1x16xf32>,
          %get3A_222 = vector.shape_cast %get3A_221 : vector<1x16xf32> to vector<16xf32>
          %add3A_223 = arith.addf %get3A_218, %get3A_222 : vector<16xf32>
          %mul3A_224 = arith.mulf %add3A_223, %get3A_159 : vector<16xf32>
          %get3A_225 = arith.index_cast %scan3A_152 : i32 to index
          %get3A_226 = arith.constant 32 : index
          %get3A_227 = tpu.vector_load %arg13[%get3A_225, %get3A_226] {strides = array<i32>} : memref<128x64xf32, #tpu.memory_space<vmem>>, vector<1x16xf32>,
          %get3A_228 = vector.shape_cast %get3A_227 : vector<1x16xf32> to vector<16xf32>
          %mul3A_229 = arith.mulf %get3A_228, %mul3A_166 : vector<16xf32>
          %add3A_230 = arith.addf %mul3A_224, %mul3A_229 : vector<16xf32>
          %mul3A_231 = arith.mulf %add3A_230, %select_n3A : vector<16xf32>
          %swap3A_232 = arith.index_cast %scan3A_152 : i32 to index
          %swap3A_233 = arith.constant 32 : index
          %swap3A_234 = tpu.vector_load %arg9[%swap3A_232, %swap3A_233] {strides = array<i32>} : memref<128x64xf32, #tpu.memory_space<vmem>>, vector<1x16xf32>,
          %swap3A_235 = vector.shape_cast %swap3A_234 : vector<1x16xf32> to vector<16xf32>
          %swap3A_236 = vector.shape_cast %mul3A_231 : vector<16xf32> to vector<1x16xf32>
          tpu.vector_store %arg9[%swap3A_232, %swap3A_233], %swap3A_236 {strides = array<i32>} : memref<128x64xf32, #tpu.memory_space<vmem>>, vector<1x16xf32>,
          %get3A_237 = arith.index_cast %scan3A_152 : i32 to index
          %get3A_238 = arith.constant 48 : index
          %get3A_239 = tpu.vector_load %arg9[%get3A_237, %get3A_238] {strides = array<i32>} : memref<128x64xf32, #tpu.memory_space<vmem>>, vector<1x16xf32>,
          %get3A_240 = vector.shape_cast %get3A_239 : vector<1x16xf32> to vector<16xf32>
          %get3A_241 = arith.index_cast %scan3A_152 : i32 to index
          %get3A_242 = arith.constant 48 : index
          %get3A_243 = tpu.vector_load %arg10[%get3A_241, %get3A_242] {strides = array<i32>} : memref<128x64xf32, #tpu.memory_space<vmem>>, vector<1x16xf32>,
          %get3A_244 = vector.shape_cast %get3A_243 : vector<1x16xf32> to vector<16xf32>
          %add3A_245 = arith.addf %get3A_240, %get3A_244 : vector<16xf32>
          %mul3A_246 = arith.mulf %add3A_245, %get3A_159 : vector<16xf32>
          %get3A_247 = arith.index_cast %scan3A_152 : i32 to index
          %get3A_248 = arith.constant 48 : index
          %get3A_249 = tpu.vector_load %arg13[%get3A_247, %get3A_248] {strides = array<i32>} : memref<128x64xf32, #tpu.memory_space<vmem>>, vector<1x16xf32>,
          %get3A_250 = vector.shape_cast %get3A_249 : vector<1x16xf32> to vector<16xf32>
          %mul3A_251 = arith.mulf %get3A_250, %mul3A_166 : vector<16xf32>
          %add3A_252 = arith.addf %mul3A_246, %mul3A_251 : vector<16xf32>
          %mul3A_253 = arith.mulf %add3A_252, %select_n3A : vector<16xf32>
          %swap3A_254 = arith.index_cast %scan3A_152 : i32 to index
          %swap3A_255 = arith.constant 48 : index
          %swap3A_256 = tpu.vector_load %arg9[%swap3A_254, %swap3A_255] {strides = array<i32>} : memref<128x64xf32, #tpu.memory_space<vmem>>, vector<1x16xf32>,
          %swap3A_257 = vector.shape_cast %swap3A_256 : vector<1x16xf32> to vector<16xf32>
          %swap3A_258 = vector.shape_cast %mul3A_253 : vector<16xf32> to vector<1x16xf32>
          tpu.vector_store %arg9[%swap3A_254, %swap3A_255], %swap3A_258 {strides = array<i32>} : memref<128x64xf32, #tpu.memory_space<vmem>>, vector<1x16xf32>,
          %scan3A_259 = arith.constant 0 : i32
          scf.yield %scan3A_259 : i32
        }
        %scan3A_150 = arith.constant 128 : i32
        "tpu.region"() ({
          %run_scoped3A = tpu.sem_alloc : memref<!tpu.dma_semaphore, #tpu.memory_space<semaphore_mem>>
          %dma_start3A_152 = arith.constant 0 : i32
          %dma_start3A_153 = tpu.memref_slice %arg5[%add3A_128, %dma_start3A_152] : memref<40960x64xf32, #tpu.memory_space<hbm>> -> memref<128x64xf32, #tpu.memory_space<hbm>>
          %dma_start3A_154 = arith.constant 0 : i32
          %dma_start3A_155 = tpu.memref_slice %arg5[%add3A_128, %dma_start3A_154] : memref<40960x64xf32, #tpu.memory_space<hbm>> -> memref<128x64xf32, #tpu.memory_space<hbm>>
          tpu.enqueue_dma source(%arg9 : memref<128x64xf32, #tpu.memory_space<vmem>>) target(%dma_start3A_155 : memref<128x64xf32, #tpu.memory_space<hbm>>) target_semaphore(%run_scoped3A : memref<!tpu.dma_semaphore, #tpu.memory_space<semaphore_mem>>)
          %dma_wait3A_156 = arith.constant 0 : i32
          %dma_wait3A_157 = tpu.memref_slice %arg5[%add3A_128, %dma_wait3A_156] : memref<40960x64xf32, #tpu.memory_space<hbm>> -> memref<128x64xf32, #tpu.memory_space<hbm>>
          %dma_wait3A_158 = arith.constant 0 : i32
          %dma_wait3A_159 = tpu.memref_slice %arg5[%add3A_128, %dma_wait3A_158] : memref<40960x64xf32, #tpu.memory_space<hbm>> -> memref<128x64xf32, #tpu.memory_space<hbm>>
          tpu.wait_dma2 semaphore(%run_scoped3A : memref<!tpu.dma_semaphore, #tpu.memory_space<semaphore_mem>>) src(%arg9 : memref<128x64xf32, #tpu.memory_space<vmem>>) dst(%dma_wait3A_159 : memref<128x64xf32, #tpu.memory_space<hbm>>)
          tpu.yield
        }) : () -> ()
        "tpu.region"() ({
          %run_scoped3A = tpu.sem_alloc : memref<!tpu.dma_semaphore, #tpu.memory_space<semaphore_mem>>
          %dma_start3A_152 = arith.constant 0 : i32
          %dma_start3A_153 = tpu.memref_slice %arg17[%add3A_127, %dma_start3A_152] : memref<10240x64xf32, #tpu.memory_space<vmem_shared>> -> memref<128x64xf32, #tpu.memory_space<vmem_shared>>
          %dma_start3A_154 = arith.constant 0 : i32
          %dma_start3A_155 = tpu.memref_slice %arg17[%add3A_127, %dma_start3A_154] : memref<10240x64xf32, #tpu.memory_space<vmem_shared>> -> memref<128x64xf32, #tpu.memory_space<vmem_shared>>
          tpu.enqueue_dma source(%arg14 : memref<128x64xf32, #tpu.memory_space<vmem>>) target(%dma_start3A_155 : memref<128x64xf32, #tpu.memory_space<vmem_shared>>) target_semaphore(%run_scoped3A : memref<!tpu.dma_semaphore, #tpu.memory_space<semaphore_mem>>)
          %dma_wait3A_156 = arith.constant 0 : i32
          %dma_wait3A_157 = tpu.memref_slice %arg17[%add3A_127, %dma_wait3A_156] : memref<10240x64xf32, #tpu.memory_space<vmem_shared>> -> memref<128x64xf32, #tpu.memory_space<vmem_shared>>
          %dma_wait3A_158 = arith.constant 0 : i32
          %dma_wait3A_159 = tpu.memref_slice %arg17[%add3A_127, %dma_wait3A_158] : memref<10240x64xf32, #tpu.memory_space<vmem_shared>> -> memref<128x64xf32, #tpu.memory_space<vmem_shared>>
          tpu.wait_dma2 semaphore(%run_scoped3A : memref<!tpu.dma_semaphore, #tpu.memory_space<semaphore_mem>>) src(%arg14 : memref<128x64xf32, #tpu.memory_space<vmem>>) dst(%dma_wait3A_159 : memref<128x64xf32, #tpu.memory_space<vmem_shared>>)
          tpu.yield
        }) : () -> ()
        %scan3A_151 = arith.constant 0 : i32
        scf.yield %scan3A_151 : i32
      }
      %scan3A_120 = arith.constant 5 : i32
      %barrier3A_121 = arith.constant 0 : index
      tpu.barrier barrier_id(%barrier3A_121)
      %scan3A_122 = arith.constant 0 : i32
      scf.yield %scan3A_122 : i32
    }
    %scan3A_62 = arith.constant 16 : i32
    return
  }
}

module attributes {stable_mosaic.version = 14 : i64} {
  func.func @_graph_body(%arg0: i32, %arg1: memref<1x16x128xf32, #tpu.memory_space<vmem>>, %arg2: memref<1x16x128xf32, #tpu.memory_space<vmem>>, %arg3: memref<128x384xf32, #tpu.memory_space<vmem>>, %arg4: memref<128x384xf32, #tpu.memory_space<vmem>>, %arg5: memref<1x384xf32, #tpu.memory_space<vmem>>, %arg6: memref<1x384xf32, #tpu.memory_space<vmem>>, %arg7: memref<128x384xf32, #tpu.memory_space<vmem>>, %arg8: memref<128x384xf32, #tpu.memory_space<vmem>>, %arg9: memref<1x384xf32, #tpu.memory_space<vmem>>, %arg10: memref<1x384xf32, #tpu.memory_space<vmem>>, %arg11: memref<1x16x128xf32, #tpu.memory_space<vmem>>, %arg12: memref<1x16x128xf32, #tpu.memory_space<vmem>>, %arg13: memref<16x128xf32, #tpu.memory_space<vmem>>, %arg14: memref<16x128xf32, #tpu.memory_space<vmem>>) attributes {dimension_semantics = [#tpu.dimension_semantics<arbitrary>], iteration_bounds = array<i64: 625>, scalar_prefetch = 0 : i64, scratch_operands = 2 : i64, tpu.core_type = #tpu.core_type<tc>, window_params = [{transform_indices = @transform_0, window_bounds = array<i64: 1, 16, 128>}, {transform_indices = @transform_1, window_bounds = array<i64: 1, 16, 128>}, {pipeline_mode = #tpu.pipeline_mode<synchronous>, transform_indices = @transform_2, window_bounds = array<i64: 128, 384>}, {pipeline_mode = #tpu.pipeline_mode<synchronous>, transform_indices = @transform_3, window_bounds = array<i64: 128, 384>}, {pipeline_mode = #tpu.pipeline_mode<synchronous>, transform_indices = @transform_4, window_bounds = array<i64: 1, 384>}, {pipeline_mode = #tpu.pipeline_mode<synchronous>, transform_indices = @transform_5, window_bounds = array<i64: 1, 384>}, {pipeline_mode = #tpu.pipeline_mode<synchronous>, transform_indices = @transform_6, window_bounds = array<i64: 128, 384>}, {pipeline_mode = #tpu.pipeline_mode<synchronous>, transform_indices = @transform_7, window_bounds = array<i64: 128, 384>}, {pipeline_mode = #tpu.pipeline_mode<synchronous>, transform_indices = @transform_8, window_bounds = array<i64: 1, 384>}, {pipeline_mode = #tpu.pipeline_mode<synchronous>, transform_indices = @transform_9, window_bounds = array<i64: 1, 384>}, {transform_indices = @transform_10, window_bounds = array<i64: 1, 16, 128>}, {transform_indices = @transform_11, window_bounds = array<i64: 1, 16, 128>}]} {
    %eq3A = arith.constant 0 : i32
    %eq3A_0 = arith.cmpi eq, %arg0, %eq3A : i32
    %convert_element_type3A = arith.extui %eq3A_0 : i1 to i32
    %cond3A = arith.constant 0 : i32
    %cond3A_1 = arith.cmpi ne, %convert_element_type3A, %cond3A : i32
    scf.if %cond3A_1 {
      %broadcast_in_dim3A = arith.constant 0.000000e+00 : f32
      %broadcast_in_dim3A_131 = vector.broadcast %broadcast_in_dim3A : f32 to vector<16x128xf32>
      %swap3A_132 = arith.constant 0 : index
      %swap3A_133 = arith.constant 0 : index
      %swap3A_134 = vector.load %arg13[%swap3A_132, %swap3A_133] : memref<16x128xf32, #tpu.memory_space<vmem>>, vector<16x128xf32>
      tpu.vector_store %arg13[%swap3A_132, %swap3A_133], %broadcast_in_dim3A_131 {strides = array<i32>} : memref<16x128xf32, #tpu.memory_space<vmem>>, vector<16x128xf32>,
      %broadcast_in_dim3A_135 = arith.constant 0.000000e+00 : f32
      %broadcast_in_dim3A_136 = vector.broadcast %broadcast_in_dim3A_135 : f32 to vector<16x128xf32>
      %swap3A_137 = arith.constant 0 : index
      %swap3A_138 = arith.constant 0 : index
      %swap3A_139 = vector.load %arg14[%swap3A_137, %swap3A_138] : memref<16x128xf32, #tpu.memory_space<vmem>>, vector<16x128xf32>
      tpu.vector_store %arg14[%swap3A_137, %swap3A_138], %broadcast_in_dim3A_136 {strides = array<i32>} : memref<16x128xf32, #tpu.memory_space<vmem>>, vector<16x128xf32>,
    } else {
    }
    %get3A = arith.constant 0 : index
    %get3A_2 = arith.constant 0 : index
    %get3A_3 = arith.constant 0 : index
    %get3A_4 = vector.load %arg1[%get3A, %get3A_2, %get3A_3] : memref<1x16x128xf32, #tpu.memory_space<vmem>>, vector<1x16x128xf32>
    %get3A_5 = vector.shape_cast %get3A_4 : vector<1x16x128xf32> to vector<16x128xf32>
    %get3A_6 = arith.constant 0 : index
    %get3A_7 = arith.constant 0 : index
    %get3A_8 = arith.constant 0 : index
    %get3A_9 = vector.load %arg2[%get3A_6, %get3A_7, %get3A_8] : memref<1x16x128xf32, #tpu.memory_space<vmem>>, vector<1x16x128xf32>
    %get3A_10 = vector.shape_cast %get3A_9 : vector<1x16x128xf32> to vector<16x128xf32>
    %get3A_11 = arith.constant 0 : index
    %get3A_12 = arith.constant 0 : index
    %get3A_13 = vector.load %arg3[%get3A_11, %get3A_12] : memref<128x384xf32, #tpu.memory_space<vmem>>, vector<128x384xf32>
    %dot_general3A = arith.constant dense<0.000000e+00> : vector<16x384xf32>
    %dot_general3A_14 = tpu.matmul %get3A_5, %get3A_13, %dot_general3A {dimension_numbers = #tpu.dot_dimension_numbers<[1], [0], [0], [1], [0, 0, 1, 1], [], []>, transpose_lhs_hint = false} : vector<16x128xf32>, vector<128x384xf32>, vector<16x384xf32> -> vector<16x384xf32>
    %get3A_15 = arith.constant 0 : index
    %get3A_16 = arith.constant 0 : index
    %get3A_17 = vector.load %arg5[%get3A_15, %get3A_16] : memref<1x384xf32, #tpu.memory_space<vmem>>, vector<1x384xf32>
    %add3A = vector.broadcast %get3A_17 : vector<1x384xf32> to vector<16x384xf32>
    %add3A_18 = arith.addf %dot_general3A_14, %add3A : vector<16x384xf32>
    %get3A_19 = arith.constant 0 : index
    %get3A_20 = arith.constant 0 : index
    %get3A_21 = vector.load %arg13[%get3A_19, %get3A_20] : memref<16x128xf32, #tpu.memory_space<vmem>>, vector<16x128xf32>
    %get3A_22 = arith.constant 0 : index
    %get3A_23 = arith.constant 0 : index
    %get3A_24 = vector.load %arg4[%get3A_22, %get3A_23] : memref<128x384xf32, #tpu.memory_space<vmem>>, vector<128x384xf32>
    %dot_general3A_25 = arith.constant dense<0.000000e+00> : vector<16x384xf32>
    %dot_general3A_26 = tpu.matmul %get3A_21, %get3A_24, %dot_general3A_25 {dimension_numbers = #tpu.dot_dimension_numbers<[1], [0], [0], [1], [0, 0, 1, 1], [], []>, transpose_lhs_hint = false} : vector<16x128xf32>, vector<128x384xf32>, vector<16x384xf32> -> vector<16x384xf32>
    %get3A_27 = arith.constant 0 : index
    %get3A_28 = arith.constant 0 : index
    %get3A_29 = vector.load %arg6[%get3A_27, %get3A_28] : memref<1x384xf32, #tpu.memory_space<vmem>>, vector<1x384xf32>
    %add3A_30 = vector.broadcast %get3A_29 : vector<1x384xf32> to vector<16x384xf32>
    %add3A_31 = arith.addf %dot_general3A_26, %add3A_30 : vector<16x384xf32>
    %get3A_32 = arith.constant 0 : index
    %get3A_33 = arith.constant 0 : index
    %get3A_34 = vector.load %arg13[%get3A_32, %get3A_33] : memref<16x128xf32, #tpu.memory_space<vmem>>, vector<16x128xf32>
    %slice3A = vector.extract_strided_slice %add3A_18 {offsets = [0, 0], sizes = [16, 128], strides = [1, 1]} : vector<16x384xf32> to vector<16x128xf32>
    %slice3A_35 = vector.extract_strided_slice %add3A_31 {offsets = [0, 0], sizes = [16, 128], strides = [1, 1]} : vector<16x384xf32> to vector<16x128xf32>
    %add3A_36 = arith.addf %slice3A, %slice3A_35 : vector<16x128xf32>
    %logistic3A = arith.negf %add3A_36 : vector<16x128xf32>
    %logistic3A_37 = math.exp %logistic3A : vector<16x128xf32>
    %logistic3A_38 = arith.constant 1.000000e+00 : f32
    %logistic3A_39 = vector.broadcast %logistic3A_38 : f32 to vector<16x128xf32>
    %logistic3A_40 = arith.addf %logistic3A_39, %logistic3A_37 : vector<16x128xf32>
    %logistic3A_41 = arith.divf %logistic3A_39, %logistic3A_40 : vector<16x128xf32>
    %slice3A_42 = vector.extract_strided_slice %add3A_18 {offsets = [0, 128], sizes = [16, 128], strides = [1, 1]} : vector<16x384xf32> to vector<16x128xf32>
    %slice3A_43 = vector.extract_strided_slice %add3A_31 {offsets = [0, 128], sizes = [16, 128], strides = [1, 1]} : vector<16x384xf32> to vector<16x128xf32>
    %add3A_44 = arith.addf %slice3A_42, %slice3A_43 : vector<16x128xf32>
    %logistic3A_45 = arith.negf %add3A_44 : vector<16x128xf32>
    %logistic3A_46 = math.exp %logistic3A_45 : vector<16x128xf32>
    %logistic3A_47 = arith.constant 1.000000e+00 : f32
    %logistic3A_48 = vector.broadcast %logistic3A_47 : f32 to vector<16x128xf32>
    %logistic3A_49 = arith.addf %logistic3A_48, %logistic3A_46 : vector<16x128xf32>
    %logistic3A_50 = arith.divf %logistic3A_48, %logistic3A_49 : vector<16x128xf32>
    %slice3A_51 = vector.extract_strided_slice %add3A_18 {offsets = [0, 256], sizes = [16, 128], strides = [1, 1]} : vector<16x384xf32> to vector<16x128xf32>
    %slice3A_52 = vector.extract_strided_slice %add3A_31 {offsets = [0, 256], sizes = [16, 128], strides = [1, 1]} : vector<16x384xf32> to vector<16x128xf32>
    %mul3A = arith.mulf %logistic3A_41, %slice3A_52 : vector<16x128xf32>
    %add3A_53 = arith.addf %slice3A_51, %mul3A : vector<16x128xf32>
    %tanh3A = math.tanh %add3A_53 : vector<16x128xf32>
    %sub3A = arith.constant 1.000000e+00 : f32
    %sub3A_54 = vector.broadcast %sub3A : f32 to vector<16x128xf32>
    %sub3A_55 = arith.subf %sub3A_54, %logistic3A_50 : vector<16x128xf32>
    %mul3A_56 = arith.mulf %sub3A_55, %tanh3A : vector<16x128xf32>
    %mul3A_57 = arith.mulf %logistic3A_50, %get3A_34 : vector<16x128xf32>
    %add3A_58 = arith.addf %mul3A_56, %mul3A_57 : vector<16x128xf32>
    %swap3A = arith.constant 0 : index
    %swap3A_59 = arith.constant 0 : index
    %swap3A_60 = vector.load %arg13[%swap3A, %swap3A_59] : memref<16x128xf32, #tpu.memory_space<vmem>>, vector<16x128xf32>
    tpu.vector_store %arg13[%swap3A, %swap3A_59], %add3A_58 {strides = array<i32>} : memref<16x128xf32, #tpu.memory_space<vmem>>, vector<16x128xf32>,
    %get3A_61 = arith.constant 0 : index
    %get3A_62 = arith.constant 0 : index
    %get3A_63 = vector.load %arg7[%get3A_61, %get3A_62] : memref<128x384xf32, #tpu.memory_space<vmem>>, vector<128x384xf32>
    %dot_general3A_64 = arith.constant dense<0.000000e+00> : vector<16x384xf32>
    %dot_general3A_65 = tpu.matmul %get3A_10, %get3A_63, %dot_general3A_64 {dimension_numbers = #tpu.dot_dimension_numbers<[1], [0], [0], [1], [0, 0, 1, 1], [], []>, transpose_lhs_hint = false} : vector<16x128xf32>, vector<128x384xf32>, vector<16x384xf32> -> vector<16x384xf32>
    %get3A_66 = arith.constant 0 : index
    %get3A_67 = arith.constant 0 : index
    %get3A_68 = vector.load %arg9[%get3A_66, %get3A_67] : memref<1x384xf32, #tpu.memory_space<vmem>>, vector<1x384xf32>
    %add3A_69 = vector.broadcast %get3A_68 : vector<1x384xf32> to vector<16x384xf32>
    %add3A_70 = arith.addf %dot_general3A_65, %add3A_69 : vector<16x384xf32>
    %get3A_71 = arith.constant 0 : index
    %get3A_72 = arith.constant 0 : index
    %get3A_73 = vector.load %arg14[%get3A_71, %get3A_72] : memref<16x128xf32, #tpu.memory_space<vmem>>, vector<16x128xf32>
    %get3A_74 = arith.constant 0 : index
    %get3A_75 = arith.constant 0 : index
    %get3A_76 = vector.load %arg8[%get3A_74, %get3A_75] : memref<128x384xf32, #tpu.memory_space<vmem>>, vector<128x384xf32>
    %dot_general3A_77 = arith.constant dense<0.000000e+00> : vector<16x384xf32>
    %dot_general3A_78 = tpu.matmul %get3A_73, %get3A_76, %dot_general3A_77 {dimension_numbers = #tpu.dot_dimension_numbers<[1], [0], [0], [1], [0, 0, 1, 1], [], []>, transpose_lhs_hint = false} : vector<16x128xf32>, vector<128x384xf32>, vector<16x384xf32> -> vector<16x384xf32>
    %get3A_79 = arith.constant 0 : index
    %get3A_80 = arith.constant 0 : index
    %get3A_81 = vector.load %arg10[%get3A_79, %get3A_80] : memref<1x384xf32, #tpu.memory_space<vmem>>, vector<1x384xf32>
    %add3A_82 = vector.broadcast %get3A_81 : vector<1x384xf32> to vector<16x384xf32>
    %add3A_83 = arith.addf %dot_general3A_78, %add3A_82 : vector<16x384xf32>
    %get3A_84 = arith.constant 0 : index
    %get3A_85 = arith.constant 0 : index
    %get3A_86 = vector.load %arg14[%get3A_84, %get3A_85] : memref<16x128xf32, #tpu.memory_space<vmem>>, vector<16x128xf32>
    %slice3A_87 = vector.extract_strided_slice %add3A_70 {offsets = [0, 0], sizes = [16, 128], strides = [1, 1]} : vector<16x384xf32> to vector<16x128xf32>
    %slice3A_88 = vector.extract_strided_slice %add3A_83 {offsets = [0, 0], sizes = [16, 128], strides = [1, 1]} : vector<16x384xf32> to vector<16x128xf32>
    %add3A_89 = arith.addf %slice3A_87, %slice3A_88 : vector<16x128xf32>
    %logistic3A_90 = arith.negf %add3A_89 : vector<16x128xf32>
    %logistic3A_91 = math.exp %logistic3A_90 : vector<16x128xf32>
    %logistic3A_92 = arith.constant 1.000000e+00 : f32
    %logistic3A_93 = vector.broadcast %logistic3A_92 : f32 to vector<16x128xf32>
    %logistic3A_94 = arith.addf %logistic3A_93, %logistic3A_91 : vector<16x128xf32>
    %logistic3A_95 = arith.divf %logistic3A_93, %logistic3A_94 : vector<16x128xf32>
    %slice3A_96 = vector.extract_strided_slice %add3A_70 {offsets = [0, 128], sizes = [16, 128], strides = [1, 1]} : vector<16x384xf32> to vector<16x128xf32>
    %slice3A_97 = vector.extract_strided_slice %add3A_83 {offsets = [0, 128], sizes = [16, 128], strides = [1, 1]} : vector<16x384xf32> to vector<16x128xf32>
    %add3A_98 = arith.addf %slice3A_96, %slice3A_97 : vector<16x128xf32>
    %logistic3A_99 = arith.negf %add3A_98 : vector<16x128xf32>
    %logistic3A_100 = math.exp %logistic3A_99 : vector<16x128xf32>
    %logistic3A_101 = arith.constant 1.000000e+00 : f32
    %logistic3A_102 = vector.broadcast %logistic3A_101 : f32 to vector<16x128xf32>
    %logistic3A_103 = arith.addf %logistic3A_102, %logistic3A_100 : vector<16x128xf32>
    %logistic3A_104 = arith.divf %logistic3A_102, %logistic3A_103 : vector<16x128xf32>
    %slice3A_105 = vector.extract_strided_slice %add3A_70 {offsets = [0, 256], sizes = [16, 128], strides = [1, 1]} : vector<16x384xf32> to vector<16x128xf32>
    %slice3A_106 = vector.extract_strided_slice %add3A_83 {offsets = [0, 256], sizes = [16, 128], strides = [1, 1]} : vector<16x384xf32> to vector<16x128xf32>
    %mul3A_107 = arith.mulf %logistic3A_95, %slice3A_106 : vector<16x128xf32>
    %add3A_108 = arith.addf %slice3A_105, %mul3A_107 : vector<16x128xf32>
    %tanh3A_109 = math.tanh %add3A_108 : vector<16x128xf32>
    %sub3A_110 = arith.constant 1.000000e+00 : f32
    %sub3A_111 = vector.broadcast %sub3A_110 : f32 to vector<16x128xf32>
    %sub3A_112 = arith.subf %sub3A_111, %logistic3A_104 : vector<16x128xf32>
    %mul3A_113 = arith.mulf %sub3A_112, %tanh3A_109 : vector<16x128xf32>
    %mul3A_114 = arith.mulf %logistic3A_104, %get3A_86 : vector<16x128xf32>
    %add3A_115 = arith.addf %mul3A_113, %mul3A_114 : vector<16x128xf32>
    %swap3A_116 = arith.constant 0 : index
    %swap3A_117 = arith.constant 0 : index
    %swap3A_118 = vector.load %arg14[%swap3A_116, %swap3A_117] : memref<16x128xf32, #tpu.memory_space<vmem>>, vector<16x128xf32>
    tpu.vector_store %arg14[%swap3A_116, %swap3A_117], %add3A_115 {strides = array<i32>} : memref<16x128xf32, #tpu.memory_space<vmem>>, vector<16x128xf32>,
    %swap3A_119 = arith.constant 0 : index
    %swap3A_120 = arith.constant 0 : index
    %swap3A_121 = arith.constant 0 : index
    %swap3A_122 = vector.load %arg11[%swap3A_119, %swap3A_120, %swap3A_121] : memref<1x16x128xf32, #tpu.memory_space<vmem>>, vector<1x16x128xf32>
    %swap3A_123 = vector.shape_cast %swap3A_122 : vector<1x16x128xf32> to vector<16x128xf32>
    %swap3A_124 = vector.shape_cast %add3A_58 : vector<16x128xf32> to vector<1x16x128xf32>
    tpu.vector_store %arg11[%swap3A_119, %swap3A_120, %swap3A_121], %swap3A_124 {strides = array<i32>} : memref<1x16x128xf32, #tpu.memory_space<vmem>>, vector<1x16x128xf32>,
    %swap3A_125 = arith.constant 0 : index
    %swap3A_126 = arith.constant 0 : index
    %swap3A_127 = arith.constant 0 : index
    %swap3A_128 = vector.load %arg12[%swap3A_125, %swap3A_126, %swap3A_127] : memref<1x16x128xf32, #tpu.memory_space<vmem>>, vector<1x16x128xf32>
    %swap3A_129 = vector.shape_cast %swap3A_128 : vector<1x16x128xf32> to vector<16x128xf32>
    %swap3A_130 = vector.shape_cast %add3A_115 : vector<16x128xf32> to vector<1x16x128xf32>
    tpu.vector_store %arg12[%swap3A_125, %swap3A_126, %swap3A_127], %swap3A_130 {strides = array<i32>} : memref<1x16x128xf32, #tpu.memory_space<vmem>>, vector<1x16x128xf32>,
    return
  }
  func.func @transform_0(%arg0: i32) -> (i32, i32, i32) {
    %c0_i32 = arith.constant 0 : i32
    %c0_i32_0 = arith.constant 0 : i32
    %c0_i32_1 = arith.constant 0 : i32
    return %arg0, %c0_i32, %c0_i32_0 : i32, i32, i32
  }
  func.func @transform_1(%arg0: i32) -> (i32, i32, i32) {
    %sub3A = arith.constant 624 : i32
    %sub3A_0 = arith.subi %sub3A, %arg0 : i32
    %c0_i32 = arith.constant 0 : i32
    %c0_i32_1 = arith.constant 0 : i32
    %c0_i32_2 = arith.constant 0 : i32
    return %sub3A_0, %c0_i32, %c0_i32_1 : i32, i32, i32
  }
  func.func @transform_2(%arg0: i32) -> (i32, i32) {
    %c0_i32 = arith.constant 0 : i32
    %c0_i32_0 = arith.constant 0 : i32
    %c0_i32_1 = arith.constant 0 : i32
    return %c0_i32, %c0_i32_0 : i32, i32
  }
  func.func @transform_3(%arg0: i32) -> (i32, i32) {
    %c0_i32 = arith.constant 0 : i32
    %c0_i32_0 = arith.constant 0 : i32
    %c0_i32_1 = arith.constant 0 : i32
    return %c0_i32, %c0_i32_0 : i32, i32
  }
  func.func @transform_4(%arg0: i32) -> (i32, i32) {
    %c0_i32 = arith.constant 0 : i32
    %c0_i32_0 = arith.constant 0 : i32
    %c0_i32_1 = arith.constant 0 : i32
    return %c0_i32, %c0_i32_0 : i32, i32
  }
  func.func @transform_5(%arg0: i32) -> (i32, i32) {
    %c0_i32 = arith.constant 0 : i32
    %c0_i32_0 = arith.constant 0 : i32
    %c0_i32_1 = arith.constant 0 : i32
    return %c0_i32, %c0_i32_0 : i32, i32
  }
  func.func @transform_6(%arg0: i32) -> (i32, i32) {
    %c0_i32 = arith.constant 0 : i32
    %c0_i32_0 = arith.constant 0 : i32
    %c0_i32_1 = arith.constant 0 : i32
    return %c0_i32, %c0_i32_0 : i32, i32
  }
  func.func @transform_7(%arg0: i32) -> (i32, i32) {
    %c0_i32 = arith.constant 0 : i32
    %c0_i32_0 = arith.constant 0 : i32
    %c0_i32_1 = arith.constant 0 : i32
    return %c0_i32, %c0_i32_0 : i32, i32
  }
  func.func @transform_8(%arg0: i32) -> (i32, i32) {
    %c0_i32 = arith.constant 0 : i32
    %c0_i32_0 = arith.constant 0 : i32
    %c0_i32_1 = arith.constant 0 : i32
    return %c0_i32, %c0_i32_0 : i32, i32
  }
  func.func @transform_9(%arg0: i32) -> (i32, i32) {
    %c0_i32 = arith.constant 0 : i32
    %c0_i32_0 = arith.constant 0 : i32
    %c0_i32_1 = arith.constant 0 : i32
    return %c0_i32, %c0_i32_0 : i32, i32
  }
  func.func @transform_10(%arg0: i32) -> (i32, i32, i32) {
    %c0_i32 = arith.constant 0 : i32
    %c0_i32_0 = arith.constant 0 : i32
    %c0_i32_1 = arith.constant 0 : i32
    return %arg0, %c0_i32, %c0_i32_0 : i32, i32, i32
  }
  func.func @transform_11(%arg0: i32) -> (i32, i32, i32) {
    %sub3A = arith.constant 624 : i32
    %sub3A_0 = arith.subi %sub3A, %arg0 : i32
    %c0_i32 = arith.constant 0 : i32
    %c0_i32_1 = arith.constant 0 : i32
    %c0_i32_2 = arith.constant 0 : i32
    return %sub3A_0, %c0_i32, %c0_i32_1 : i32, i32, i32
  }
}

module attributes {stable_mosaic.version = 14 : i64} {
  func.func @_seq_body(%arg0: i32, %arg1: memref<1x16x128xf32, #tpu.memory_space<vmem>>, %arg2: memref<1x16x128xf32, #tpu.memory_space<vmem>>, %arg3: memref<128x1536xf32, #tpu.memory_space<vmem>>, %arg4: memref<512x1536xf32, #tpu.memory_space<vmem>>, %arg5: memref<1x1536xf32, #tpu.memory_space<vmem>>, %arg6: memref<1x1536xf32, #tpu.memory_space<vmem>>, %arg7: memref<128x1536xf32, #tpu.memory_space<vmem>>, %arg8: memref<512x1536xf32, #tpu.memory_space<vmem>>, %arg9: memref<1x1536xf32, #tpu.memory_space<vmem>>, %arg10: memref<1x1536xf32, #tpu.memory_space<vmem>>, %arg11: memref<16x512xf32, #tpu.memory_space<vmem>>, %arg12: memref<16x512xf32, #tpu.memory_space<vmem>>, %arg13: memref<16x512xf32, #tpu.memory_space<vmem>>, %arg14: memref<16x512xf32, #tpu.memory_space<vmem>>, %arg15: memref<16x512xf32, #tpu.memory_space<vmem>>, %arg16: memref<16x512xf32, #tpu.memory_space<vmem>>, %arg17: memref<16x512xf32, #tpu.memory_space<vmem>>, %arg18: memref<16x512xf32, #tpu.memory_space<vmem>>) attributes {dimension_semantics = [#tpu.dimension_semantics<arbitrary>], iteration_bounds = array<i64: 256>, scalar_prefetch = 0 : i64, scratch_operands = 6 : i64, tpu.core_type = #tpu.core_type<tc>, window_params = [{transform_indices = @transform_0, window_bounds = array<i64: 1, 16, 128>}, {transform_indices = @transform_1, window_bounds = array<i64: 1, 16, 128>}, {pipeline_mode = #tpu.pipeline_mode<synchronous>, transform_indices = @transform_2, window_bounds = array<i64: 128, 1536>}, {pipeline_mode = #tpu.pipeline_mode<synchronous>, transform_indices = @transform_3, window_bounds = array<i64: 512, 1536>}, {pipeline_mode = #tpu.pipeline_mode<synchronous>, transform_indices = @transform_4, window_bounds = array<i64: 1, 1536>}, {pipeline_mode = #tpu.pipeline_mode<synchronous>, transform_indices = @transform_5, window_bounds = array<i64: 1, 1536>}, {pipeline_mode = #tpu.pipeline_mode<synchronous>, transform_indices = @transform_6, window_bounds = array<i64: 128, 1536>}, {pipeline_mode = #tpu.pipeline_mode<synchronous>, transform_indices = @transform_7, window_bounds = array<i64: 512, 1536>}, {pipeline_mode = #tpu.pipeline_mode<synchronous>, transform_indices = @transform_8, window_bounds = array<i64: 1, 1536>}, {pipeline_mode = #tpu.pipeline_mode<synchronous>, transform_indices = @transform_9, window_bounds = array<i64: 1, 1536>}, {pipeline_mode = #tpu.pipeline_mode<synchronous>, transform_indices = @transform_10, window_bounds = array<i64: 16, 512>}, {pipeline_mode = #tpu.pipeline_mode<synchronous>, transform_indices = @transform_11, window_bounds = array<i64: 16, 512>}]} {
    %eq3A = arith.constant 0 : i32
    %eq3A_0 = arith.cmpi eq, %arg0, %eq3A : i32
    %convert_element_type3A = arith.extui %eq3A_0 : i1 to i32
    %cond3A = arith.constant 0 : i32
    %cond3A_1 = arith.cmpi ne, %convert_element_type3A, %cond3A : i32
    scf.if %cond3A_1 {
      %broadcast_in_dim3A = arith.constant 0.000000e+00 : f32
      %broadcast_in_dim3A_133 = vector.broadcast %broadcast_in_dim3A : f32 to vector<16x512xf32>
      %swap3A_134 = arith.constant 0 : index
      %swap3A_135 = arith.constant 0 : index
      %swap3A_136 = vector.load %arg13[%swap3A_134, %swap3A_135] : memref<16x512xf32, #tpu.memory_space<vmem>>, vector<16x512xf32>
      tpu.vector_store %arg13[%swap3A_134, %swap3A_135], %broadcast_in_dim3A_133 {strides = array<i32>} : memref<16x512xf32, #tpu.memory_space<vmem>>, vector<16x512xf32>,
      %broadcast_in_dim3A_137 = arith.constant 0.000000e+00 : f32
      %broadcast_in_dim3A_138 = vector.broadcast %broadcast_in_dim3A_137 : f32 to vector<16x512xf32>
      %swap3A_139 = arith.constant 0 : index
      %swap3A_140 = arith.constant 0 : index
      %swap3A_141 = vector.load %arg14[%swap3A_139, %swap3A_140] : memref<16x512xf32, #tpu.memory_space<vmem>>, vector<16x512xf32>
      tpu.vector_store %arg14[%swap3A_139, %swap3A_140], %broadcast_in_dim3A_138 {strides = array<i32>} : memref<16x512xf32, #tpu.memory_space<vmem>>, vector<16x512xf32>,
    } else {
    }
    %get3A = arith.constant 0 : index
    %get3A_2 = arith.constant 0 : index
    %get3A_3 = arith.constant 0 : index
    %get3A_4 = vector.load %arg1[%get3A, %get3A_2, %get3A_3] : memref<1x16x128xf32, #tpu.memory_space<vmem>>, vector<1x16x128xf32>
    %get3A_5 = vector.shape_cast %get3A_4 : vector<1x16x128xf32> to vector<16x128xf32>
    %get3A_6 = arith.constant 0 : index
    %get3A_7 = arith.constant 0 : index
    %get3A_8 = arith.constant 0 : index
    %get3A_9 = vector.load %arg2[%get3A_6, %get3A_7, %get3A_8] : memref<1x16x128xf32, #tpu.memory_space<vmem>>, vector<1x16x128xf32>
    %get3A_10 = vector.shape_cast %get3A_9 : vector<1x16x128xf32> to vector<16x128xf32>
    %get3A_11 = arith.constant 0 : index
    %get3A_12 = arith.constant 0 : index
    %get3A_13 = vector.load %arg3[%get3A_11, %get3A_12] : memref<128x1536xf32, #tpu.memory_space<vmem>>, vector<128x1536xf32>
    %dot_general3A = arith.constant dense<0.000000e+00> : vector<16x1536xf32>
    %dot_general3A_14 = tpu.matmul %get3A_5, %get3A_13, %dot_general3A {dimension_numbers = #tpu.dot_dimension_numbers<[1], [0], [0], [1], [0, 0, 1, 1], [], []>, transpose_lhs_hint = false} : vector<16x128xf32>, vector<128x1536xf32>, vector<16x1536xf32> -> vector<16x1536xf32>
    %get3A_15 = arith.constant 0 : index
    %get3A_16 = arith.constant 0 : index
    %get3A_17 = vector.load %arg5[%get3A_15, %get3A_16] : memref<1x1536xf32, #tpu.memory_space<vmem>>, vector<1x1536xf32>
    %add3A = vector.broadcast %get3A_17 : vector<1x1536xf32> to vector<16x1536xf32>
    %add3A_18 = arith.addf %dot_general3A_14, %add3A : vector<16x1536xf32>
    %get3A_19 = arith.constant 0 : index
    %get3A_20 = arith.constant 0 : index
    %get3A_21 = vector.load %arg13[%get3A_19, %get3A_20] : memref<16x512xf32, #tpu.memory_space<vmem>>, vector<16x512xf32>
    %get3A_22 = arith.constant 0 : index
    %get3A_23 = arith.constant 0 : index
    %get3A_24 = vector.load %arg4[%get3A_22, %get3A_23] : memref<512x1536xf32, #tpu.memory_space<vmem>>, vector<512x1536xf32>
    %dot_general3A_25 = arith.constant dense<0.000000e+00> : vector<16x1536xf32>
    %dot_general3A_26 = tpu.matmul %get3A_21, %get3A_24, %dot_general3A_25 {dimension_numbers = #tpu.dot_dimension_numbers<[1], [0], [0], [1], [0, 0, 1, 1], [], []>, transpose_lhs_hint = false} : vector<16x512xf32>, vector<512x1536xf32>, vector<16x1536xf32> -> vector<16x1536xf32>
    %get3A_27 = arith.constant 0 : index
    %get3A_28 = arith.constant 0 : index
    %get3A_29 = vector.load %arg6[%get3A_27, %get3A_28] : memref<1x1536xf32, #tpu.memory_space<vmem>>, vector<1x1536xf32>
    %add3A_30 = vector.broadcast %get3A_29 : vector<1x1536xf32> to vector<16x1536xf32>
    %add3A_31 = arith.addf %dot_general3A_26, %add3A_30 : vector<16x1536xf32>
    %get3A_32 = arith.constant 0 : index
    %get3A_33 = arith.constant 0 : index
    %get3A_34 = vector.load %arg13[%get3A_32, %get3A_33] : memref<16x512xf32, #tpu.memory_space<vmem>>, vector<16x512xf32>
    %slice3A = vector.extract_strided_slice %add3A_18 {offsets = [0, 0], sizes = [16, 512], strides = [1, 1]} : vector<16x1536xf32> to vector<16x512xf32>
    %slice3A_35 = vector.extract_strided_slice %add3A_31 {offsets = [0, 0], sizes = [16, 512], strides = [1, 1]} : vector<16x1536xf32> to vector<16x512xf32>
    %add3A_36 = arith.addf %slice3A, %slice3A_35 : vector<16x512xf32>
    %logistic3A = arith.negf %add3A_36 : vector<16x512xf32>
    %logistic3A_37 = math.exp %logistic3A : vector<16x512xf32>
    %logistic3A_38 = arith.constant 1.000000e+00 : f32
    %logistic3A_39 = vector.broadcast %logistic3A_38 : f32 to vector<16x512xf32>
    %logistic3A_40 = arith.addf %logistic3A_39, %logistic3A_37 : vector<16x512xf32>
    %logistic3A_41 = arith.divf %logistic3A_39, %logistic3A_40 : vector<16x512xf32>
    %slice3A_42 = vector.extract_strided_slice %add3A_18 {offsets = [0, 512], sizes = [16, 512], strides = [1, 1]} : vector<16x1536xf32> to vector<16x512xf32>
    %slice3A_43 = vector.extract_strided_slice %add3A_31 {offsets = [0, 512], sizes = [16, 512], strides = [1, 1]} : vector<16x1536xf32> to vector<16x512xf32>
    %add3A_44 = arith.addf %slice3A_42, %slice3A_43 : vector<16x512xf32>
    %logistic3A_45 = arith.negf %add3A_44 : vector<16x512xf32>
    %logistic3A_46 = math.exp %logistic3A_45 : vector<16x512xf32>
    %logistic3A_47 = arith.constant 1.000000e+00 : f32
    %logistic3A_48 = vector.broadcast %logistic3A_47 : f32 to vector<16x512xf32>
    %logistic3A_49 = arith.addf %logistic3A_48, %logistic3A_46 : vector<16x512xf32>
    %logistic3A_50 = arith.divf %logistic3A_48, %logistic3A_49 : vector<16x512xf32>
    %slice3A_51 = vector.extract_strided_slice %add3A_18 {offsets = [0, 1024], sizes = [16, 512], strides = [1, 1]} : vector<16x1536xf32> to vector<16x512xf32>
    %slice3A_52 = vector.extract_strided_slice %add3A_31 {offsets = [0, 1024], sizes = [16, 512], strides = [1, 1]} : vector<16x1536xf32> to vector<16x512xf32>
    %mul3A = arith.mulf %logistic3A_41, %slice3A_52 : vector<16x512xf32>
    %add3A_53 = arith.addf %slice3A_51, %mul3A : vector<16x512xf32>
    %tanh3A = math.tanh %add3A_53 : vector<16x512xf32>
    %sub3A = arith.constant 1.000000e+00 : f32
    %sub3A_54 = vector.broadcast %sub3A : f32 to vector<16x512xf32>
    %sub3A_55 = arith.subf %sub3A_54, %logistic3A_50 : vector<16x512xf32>
    %mul3A_56 = arith.mulf %sub3A_55, %tanh3A : vector<16x512xf32>
    %mul3A_57 = arith.mulf %logistic3A_50, %get3A_34 : vector<16x512xf32>
    %add3A_58 = arith.addf %mul3A_56, %mul3A_57 : vector<16x512xf32>
    %swap3A = arith.constant 0 : index
    %swap3A_59 = arith.constant 0 : index
    %swap3A_60 = vector.load %arg13[%swap3A, %swap3A_59] : memref<16x512xf32, #tpu.memory_space<vmem>>, vector<16x512xf32>
    tpu.vector_store %arg13[%swap3A, %swap3A_59], %add3A_58 {strides = array<i32>} : memref<16x512xf32, #tpu.memory_space<vmem>>, vector<16x512xf32>,
    %get3A_61 = arith.constant 0 : index
    %get3A_62 = arith.constant 0 : index
    %get3A_63 = vector.load %arg7[%get3A_61, %get3A_62] : memref<128x1536xf32, #tpu.memory_space<vmem>>, vector<128x1536xf32>
    %dot_general3A_64 = arith.constant dense<0.000000e+00> : vector<16x1536xf32>
    %dot_general3A_65 = tpu.matmul %get3A_10, %get3A_63, %dot_general3A_64 {dimension_numbers = #tpu.dot_dimension_numbers<[1], [0], [0], [1], [0, 0, 1, 1], [], []>, transpose_lhs_hint = false} : vector<16x128xf32>, vector<128x1536xf32>, vector<16x1536xf32> -> vector<16x1536xf32>
    %get3A_66 = arith.constant 0 : index
    %get3A_67 = arith.constant 0 : index
    %get3A_68 = vector.load %arg9[%get3A_66, %get3A_67] : memref<1x1536xf32, #tpu.memory_space<vmem>>, vector<1x1536xf32>
    %add3A_69 = vector.broadcast %get3A_68 : vector<1x1536xf32> to vector<16x1536xf32>
    %add3A_70 = arith.addf %dot_general3A_65, %add3A_69 : vector<16x1536xf32>
    %get3A_71 = arith.constant 0 : index
    %get3A_72 = arith.constant 0 : index
    %get3A_73 = vector.load %arg14[%get3A_71, %get3A_72] : memref<16x512xf32, #tpu.memory_space<vmem>>, vector<16x512xf32>
    %get3A_74 = arith.constant 0 : index
    %get3A_75 = arith.constant 0 : index
    %get3A_76 = vector.load %arg8[%get3A_74, %get3A_75] : memref<512x1536xf32, #tpu.memory_space<vmem>>, vector<512x1536xf32>
    %dot_general3A_77 = arith.constant dense<0.000000e+00> : vector<16x1536xf32>
    %dot_general3A_78 = tpu.matmul %get3A_73, %get3A_76, %dot_general3A_77 {dimension_numbers = #tpu.dot_dimension_numbers<[1], [0], [0], [1], [0, 0, 1, 1], [], []>, transpose_lhs_hint = false} : vector<16x512xf32>, vector<512x1536xf32>, vector<16x1536xf32> -> vector<16x1536xf32>
    %get3A_79 = arith.constant 0 : index
    %get3A_80 = arith.constant 0 : index
    %get3A_81 = vector.load %arg10[%get3A_79, %get3A_80] : memref<1x1536xf32, #tpu.memory_space<vmem>>, vector<1x1536xf32>
    %add3A_82 = vector.broadcast %get3A_81 : vector<1x1536xf32> to vector<16x1536xf32>
    %add3A_83 = arith.addf %dot_general3A_78, %add3A_82 : vector<16x1536xf32>
    %get3A_84 = arith.constant 0 : index
    %get3A_85 = arith.constant 0 : index
    %get3A_86 = vector.load %arg14[%get3A_84, %get3A_85] : memref<16x512xf32, #tpu.memory_space<vmem>>, vector<16x512xf32>
    %slice3A_87 = vector.extract_strided_slice %add3A_70 {offsets = [0, 0], sizes = [16, 512], strides = [1, 1]} : vector<16x1536xf32> to vector<16x512xf32>
    %slice3A_88 = vector.extract_strided_slice %add3A_83 {offsets = [0, 0], sizes = [16, 512], strides = [1, 1]} : vector<16x1536xf32> to vector<16x512xf32>
    %add3A_89 = arith.addf %slice3A_87, %slice3A_88 : vector<16x512xf32>
    %logistic3A_90 = arith.negf %add3A_89 : vector<16x512xf32>
    %logistic3A_91 = math.exp %logistic3A_90 : vector<16x512xf32>
    %logistic3A_92 = arith.constant 1.000000e+00 : f32
    %logistic3A_93 = vector.broadcast %logistic3A_92 : f32 to vector<16x512xf32>
    %logistic3A_94 = arith.addf %logistic3A_93, %logistic3A_91 : vector<16x512xf32>
    %logistic3A_95 = arith.divf %logistic3A_93, %logistic3A_94 : vector<16x512xf32>
    %slice3A_96 = vector.extract_strided_slice %add3A_70 {offsets = [0, 512], sizes = [16, 512], strides = [1, 1]} : vector<16x1536xf32> to vector<16x512xf32>
    %slice3A_97 = vector.extract_strided_slice %add3A_83 {offsets = [0, 512], sizes = [16, 512], strides = [1, 1]} : vector<16x1536xf32> to vector<16x512xf32>
    %add3A_98 = arith.addf %slice3A_96, %slice3A_97 : vector<16x512xf32>
    %logistic3A_99 = arith.negf %add3A_98 : vector<16x512xf32>
    %logistic3A_100 = math.exp %logistic3A_99 : vector<16x512xf32>
    %logistic3A_101 = arith.constant 1.000000e+00 : f32
    %logistic3A_102 = vector.broadcast %logistic3A_101 : f32 to vector<16x512xf32>
    %logistic3A_103 = arith.addf %logistic3A_102, %logistic3A_100 : vector<16x512xf32>
    %logistic3A_104 = arith.divf %logistic3A_102, %logistic3A_103 : vector<16x512xf32>
    %slice3A_105 = vector.extract_strided_slice %add3A_70 {offsets = [0, 1024], sizes = [16, 512], strides = [1, 1]} : vector<16x1536xf32> to vector<16x512xf32>
    %slice3A_106 = vector.extract_strided_slice %add3A_83 {offsets = [0, 1024], sizes = [16, 512], strides = [1, 1]} : vector<16x1536xf32> to vector<16x512xf32>
    %mul3A_107 = arith.mulf %logistic3A_95, %slice3A_106 : vector<16x512xf32>
    %add3A_108 = arith.addf %slice3A_105, %mul3A_107 : vector<16x512xf32>
    %tanh3A_109 = math.tanh %add3A_108 : vector<16x512xf32>
    %sub3A_110 = arith.constant 1.000000e+00 : f32
    %sub3A_111 = vector.broadcast %sub3A_110 : f32 to vector<16x512xf32>
    %sub3A_112 = arith.subf %sub3A_111, %logistic3A_104 : vector<16x512xf32>
    %mul3A_113 = arith.mulf %sub3A_112, %tanh3A_109 : vector<16x512xf32>
    %mul3A_114 = arith.mulf %logistic3A_104, %get3A_86 : vector<16x512xf32>
    %add3A_115 = arith.addf %mul3A_113, %mul3A_114 : vector<16x512xf32>
    %swap3A_116 = arith.constant 0 : index
    %swap3A_117 = arith.constant 0 : index
    %swap3A_118 = vector.load %arg14[%swap3A_116, %swap3A_117] : memref<16x512xf32, #tpu.memory_space<vmem>>, vector<16x512xf32>
    tpu.vector_store %arg14[%swap3A_116, %swap3A_117], %add3A_115 {strides = array<i32>} : memref<16x512xf32, #tpu.memory_space<vmem>>, vector<16x512xf32>,
    %eq3A_119 = arith.constant 0 : i32
    %eq3A_120 = arith.cmpi eq, %arg0, %eq3A_119 : i32
    %convert_element_type3A_121 = arith.extui %eq3A_120 : i1 to i32
    %cond3A_122 = arith.constant 0 : i32
    %cond3A_123 = arith.cmpi ne, %convert_element_type3A_121, %cond3A_122 : i32
    scf.if %cond3A_123 {
      %swap3A_133 = arith.constant 0 : index
      %swap3A_134 = arith.constant 0 : index
      %swap3A_135 = vector.load %arg15[%swap3A_133, %swap3A_134] : memref<16x512xf32, #tpu.memory_space<vmem>>, vector<16x512xf32>
      tpu.vector_store %arg15[%swap3A_133, %swap3A_134], %add3A_58 {strides = array<i32>} : memref<16x512xf32, #tpu.memory_space<vmem>>, vector<16x512xf32>,
      %swap3A_136 = arith.constant 0 : index
      %swap3A_137 = arith.constant 0 : index
      %swap3A_138 = vector.load %arg16[%swap3A_136, %swap3A_137] : memref<16x512xf32, #tpu.memory_space<vmem>>, vector<16x512xf32>
      tpu.vector_store %arg16[%swap3A_136, %swap3A_137], %add3A_115 {strides = array<i32>} : memref<16x512xf32, #tpu.memory_space<vmem>>, vector<16x512xf32>,
      %swap3A_139 = arith.constant 0 : index
      %swap3A_140 = arith.constant 0 : index
      %swap3A_141 = vector.load %arg17[%swap3A_139, %swap3A_140] : memref<16x512xf32, #tpu.memory_space<vmem>>, vector<16x512xf32>
      tpu.vector_store %arg17[%swap3A_139, %swap3A_140], %add3A_58 {strides = array<i32>} : memref<16x512xf32, #tpu.memory_space<vmem>>, vector<16x512xf32>,
      %swap3A_142 = arith.constant 0 : index
      %swap3A_143 = arith.constant 0 : index
      %swap3A_144 = vector.load %arg18[%swap3A_142, %swap3A_143] : memref<16x512xf32, #tpu.memory_space<vmem>>, vector<16x512xf32>
      tpu.vector_store %arg18[%swap3A_142, %swap3A_143], %add3A_115 {strides = array<i32>} : memref<16x512xf32, #tpu.memory_space<vmem>>, vector<16x512xf32>,
    } else {
    }
    %gt3A = arith.constant 0 : i32
    %gt3A_124 = arith.cmpi sgt, %arg0, %gt3A : i32
    %convert_element_type3A_125 = arith.extui %gt3A_124 : i1 to i32
    %cond3A_126 = arith.constant 0 : i32
    %cond3A_127 = arith.cmpi ne, %convert_element_type3A_125, %cond3A_126 : i32
    scf.if %cond3A_127 {
      %get3A_133 = arith.constant 0 : index
      %get3A_134 = arith.constant 0 : index
      %get3A_135 = vector.load %arg15[%get3A_133, %get3A_134] : memref<16x512xf32, #tpu.memory_space<vmem>>, vector<16x512xf32>
      %add3A_136 = arith.addf %get3A_135, %add3A_58 : vector<16x512xf32>
      %swap3A_137 = arith.constant 0 : index
      %swap3A_138 = arith.constant 0 : index
      %swap3A_139 = vector.load %arg15[%swap3A_137, %swap3A_138] : memref<16x512xf32, #tpu.memory_space<vmem>>, vector<16x512xf32>
      tpu.vector_store %arg15[%swap3A_137, %swap3A_138], %add3A_136 {strides = array<i32>} : memref<16x512xf32, #tpu.memory_space<vmem>>, vector<16x512xf32>,
      %get3A_140 = arith.constant 0 : index
      %get3A_141 = arith.constant 0 : index
      %get3A_142 = vector.load %arg16[%get3A_140, %get3A_141] : memref<16x512xf32, #tpu.memory_space<vmem>>, vector<16x512xf32>
      %add3A_143 = arith.addf %get3A_142, %add3A_115 : vector<16x512xf32>
      %swap3A_144 = arith.constant 0 : index
      %swap3A_145 = arith.constant 0 : index
      %swap3A_146 = vector.load %arg16[%swap3A_144, %swap3A_145] : memref<16x512xf32, #tpu.memory_space<vmem>>, vector<16x512xf32>
      tpu.vector_store %arg16[%swap3A_144, %swap3A_145], %add3A_143 {strides = array<i32>} : memref<16x512xf32, #tpu.memory_space<vmem>>, vector<16x512xf32>,
      %get3A_147 = arith.constant 0 : index
      %get3A_148 = arith.constant 0 : index
      %get3A_149 = vector.load %arg17[%get3A_147, %get3A_148] : memref<16x512xf32, #tpu.memory_space<vmem>>, vector<16x512xf32>
      %max3A = arith.maximumf %get3A_149, %add3A_58 : vector<16x512xf32>
      %swap3A_150 = arith.constant 0 : index
      %swap3A_151 = arith.constant 0 : index
      %swap3A_152 = vector.load %arg17[%swap3A_150, %swap3A_151] : memref<16x512xf32, #tpu.memory_space<vmem>>, vector<16x512xf32>
      tpu.vector_store %arg17[%swap3A_150, %swap3A_151], %max3A {strides = array<i32>} : memref<16x512xf32, #tpu.memory_space<vmem>>, vector<16x512xf32>,
      %get3A_153 = arith.constant 0 : index
      %get3A_154 = arith.constant 0 : index
      %get3A_155 = vector.load %arg18[%get3A_153, %get3A_154] : memref<16x512xf32, #tpu.memory_space<vmem>>, vector<16x512xf32>
      %max3A_156 = arith.maximumf %get3A_155, %add3A_115 : vector<16x512xf32>
      %swap3A_157 = arith.constant 0 : index
      %swap3A_158 = arith.constant 0 : index
      %swap3A_159 = vector.load %arg18[%swap3A_157, %swap3A_158] : memref<16x512xf32, #tpu.memory_space<vmem>>, vector<16x512xf32>
      tpu.vector_store %arg18[%swap3A_157, %swap3A_158], %max3A_156 {strides = array<i32>} : memref<16x512xf32, #tpu.memory_space<vmem>>, vector<16x512xf32>,
    } else {
    }
    %eq3A_128 = arith.constant 255 : i32
    %eq3A_129 = arith.cmpi eq, %arg0, %eq3A_128 : i32
    %convert_element_type3A_130 = arith.extui %eq3A_129 : i1 to i32
    %cond3A_131 = arith.constant 0 : i32
    %cond3A_132 = arith.cmpi ne, %convert_element_type3A_130, %cond3A_131 : i32
    scf.if %cond3A_132 {
      %get3A_133 = arith.constant 0 : index
      %get3A_134 = arith.constant 0 : index
      %get3A_135 = vector.load %arg15[%get3A_133, %get3A_134] : memref<16x512xf32, #tpu.memory_space<vmem>>, vector<16x512xf32>
      %mul3A_136 = arith.constant 3.906250e-03 : f32
      %mul3A_137 = vector.broadcast %mul3A_136 : f32 to vector<16x512xf32>
      %mul3A_138 = arith.mulf %get3A_135, %mul3A_137 : vector<16x512xf32>
      %get3A_139 = arith.constant 0 : index
      %get3A_140 = arith.constant 0 : index
      %get3A_141 = vector.load %arg17[%get3A_139, %get3A_140] : memref<16x512xf32, #tpu.memory_space<vmem>>, vector<16x512xf32>
      %add3A_142 = arith.addf %mul3A_138, %get3A_141 : vector<16x512xf32>
      %swap3A_143 = arith.constant 0 : index
      %swap3A_144 = arith.constant 0 : index
      %swap3A_145 = vector.load %arg11[%swap3A_143, %swap3A_144] : memref<16x512xf32, #tpu.memory_space<vmem>>, vector<16x512xf32>
      tpu.vector_store %arg11[%swap3A_143, %swap3A_144], %add3A_142 {strides = array<i32>} : memref<16x512xf32, #tpu.memory_space<vmem>>, vector<16x512xf32>,
      %get3A_146 = arith.constant 0 : index
      %get3A_147 = arith.constant 0 : index
      %get3A_148 = vector.load %arg16[%get3A_146, %get3A_147] : memref<16x512xf32, #tpu.memory_space<vmem>>, vector<16x512xf32>
      %mul3A_149 = arith.constant 3.906250e-03 : f32
      %mul3A_150 = vector.broadcast %mul3A_149 : f32 to vector<16x512xf32>
      %mul3A_151 = arith.mulf %get3A_148, %mul3A_150 : vector<16x512xf32>
      %get3A_152 = arith.constant 0 : index
      %get3A_153 = arith.constant 0 : index
      %get3A_154 = vector.load %arg18[%get3A_152, %get3A_153] : memref<16x512xf32, #tpu.memory_space<vmem>>, vector<16x512xf32>
      %add3A_155 = arith.addf %mul3A_151, %get3A_154 : vector<16x512xf32>
      %swap3A_156 = arith.constant 0 : index
      %swap3A_157 = arith.constant 0 : index
      %swap3A_158 = vector.load %arg12[%swap3A_156, %swap3A_157] : memref<16x512xf32, #tpu.memory_space<vmem>>, vector<16x512xf32>
      tpu.vector_store %arg12[%swap3A_156, %swap3A_157], %add3A_155 {strides = array<i32>} : memref<16x512xf32, #tpu.memory_space<vmem>>, vector<16x512xf32>,
    } else {
    }
    return
  }
  func.func @transform_0(%arg0: i32) -> (i32, i32, i32) {
    %c0_i32 = arith.constant 0 : i32
    %c0_i32_0 = arith.constant 0 : i32
    %c0_i32_1 = arith.constant 0 : i32
    return %arg0, %c0_i32, %c0_i32_0 : i32, i32, i32
  }
  func.func @transform_1(%arg0: i32) -> (i32, i32, i32) {
    %sub3A = arith.constant 255 : i32
    %sub3A_0 = arith.subi %sub3A, %arg0 : i32
    %c0_i32 = arith.constant 0 : i32
    %c0_i32_1 = arith.constant 0 : i32
    %c0_i32_2 = arith.constant 0 : i32
    return %sub3A_0, %c0_i32, %c0_i32_1 : i32, i32, i32
  }
  func.func @transform_2(%arg0: i32) -> (i32, i32) {
    %c0_i32 = arith.constant 0 : i32
    %c0_i32_0 = arith.constant 0 : i32
    %c0_i32_1 = arith.constant 0 : i32
    return %c0_i32, %c0_i32_0 : i32, i32
  }
  func.func @transform_3(%arg0: i32) -> (i32, i32) {
    %c0_i32 = arith.constant 0 : i32
    %c0_i32_0 = arith.constant 0 : i32
    %c0_i32_1 = arith.constant 0 : i32
    return %c0_i32, %c0_i32_0 : i32, i32
  }
  func.func @transform_4(%arg0: i32) -> (i32, i32) {
    %c0_i32 = arith.constant 0 : i32
    %c0_i32_0 = arith.constant 0 : i32
    %c0_i32_1 = arith.constant 0 : i32
    return %c0_i32, %c0_i32_0 : i32, i32
  }
  func.func @transform_5(%arg0: i32) -> (i32, i32) {
    %c0_i32 = arith.constant 0 : i32
    %c0_i32_0 = arith.constant 0 : i32
    %c0_i32_1 = arith.constant 0 : i32
    return %c0_i32, %c0_i32_0 : i32, i32
  }
  func.func @transform_6(%arg0: i32) -> (i32, i32) {
    %c0_i32 = arith.constant 0 : i32
    %c0_i32_0 = arith.constant 0 : i32
    %c0_i32_1 = arith.constant 0 : i32
    return %c0_i32, %c0_i32_0 : i32, i32
  }
  func.func @transform_7(%arg0: i32) -> (i32, i32) {
    %c0_i32 = arith.constant 0 : i32
    %c0_i32_0 = arith.constant 0 : i32
    %c0_i32_1 = arith.constant 0 : i32
    return %c0_i32, %c0_i32_0 : i32, i32
  }
  func.func @transform_8(%arg0: i32) -> (i32, i32) {
    %c0_i32 = arith.constant 0 : i32
    %c0_i32_0 = arith.constant 0 : i32
    %c0_i32_1 = arith.constant 0 : i32
    return %c0_i32, %c0_i32_0 : i32, i32
  }
  func.func @transform_9(%arg0: i32) -> (i32, i32) {
    %c0_i32 = arith.constant 0 : i32
    %c0_i32_0 = arith.constant 0 : i32
    %c0_i32_1 = arith.constant 0 : i32
    return %c0_i32, %c0_i32_0 : i32, i32
  }
  func.func @transform_10(%arg0: i32) -> (i32, i32) {
    %c0_i32 = arith.constant 0 : i32
    %c0_i32_0 = arith.constant 0 : i32
    %c0_i32_1 = arith.constant 0 : i32
    return %c0_i32, %c0_i32_0 : i32, i32
  }
  func.func @transform_11(%arg0: i32) -> (i32, i32) {
    %c0_i32 = arith.constant 0 : i32
    %c0_i32_0 = arith.constant 0 : i32
    %c0_i32_1 = arith.constant 0 : i32
    return %c0_i32, %c0_i32_0 : i32, i32
  }
}

module attributes {stable_mosaic.version = 14 : i64} {
  func.func @_pool_body(%arg0: memref<16x625x256xf32, #tpu.memory_space<vmem>>, %arg1: memref<16x256xf32, #tpu.memory_space<vmem>>) attributes {dimension_semantics = [], scalar_prefetch = 0 : i64, scratch_operands = 0 : i64, tpu.core_type = #tpu.core_type<tc>} {
    %get3A = arith.constant 0 : index
    %get3A_0 = arith.constant 0 : index
    %get3A_1 = arith.constant 0 : index
    %get3A_2 = vector.load %arg0[%get3A, %get3A_0, %get3A_1] : memref<16x625x256xf32, #tpu.memory_space<vmem>>, vector<16x625x256xf32>
    %reduce_max3A = arith.constant dense<0xFF800000> : vector<16x256xf32>
    %reduce_max3A_3 = vector.multi_reduction <maximumf>, %get3A_2, %reduce_max3A [1] : vector<16x625x256xf32> to vector<16x256xf32>
    %reduce_sum3A = arith.constant dense<0.000000e+00> : vector<16x256xf32>
    %reduce_sum3A_4 = vector.multi_reduction <add>, %get3A_2, %reduce_sum3A [1] : vector<16x625x256xf32> to vector<16x256xf32>
    %mul3A = arith.constant 1.600000e-03 : f32
    %mul3A_5 = vector.broadcast %mul3A : f32 to vector<16x256xf32>
    %mul3A_6 = arith.mulf %reduce_sum3A_4, %mul3A_5 : vector<16x256xf32>
    %add3A = arith.addf %reduce_max3A_3, %mul3A_6 : vector<16x256xf32>
    %swap3A = arith.constant 0 : index
    %swap3A_7 = arith.constant 0 : index
    %swap3A_8 = vector.load %arg1[%swap3A, %swap3A_7] : memref<16x256xf32, #tpu.memory_space<vmem>>, vector<16x256xf32>
    tpu.vector_store %arg1[%swap3A, %swap3A_7], %add3A {strides = array<i32>} : memref<16x256xf32, #tpu.memory_space<vmem>>, vector<16x256xf32>,
    return
  }
}

module attributes {stable_mosaic.version = 14 : i64} {
  func.func @_mlp2_body(%arg0: memref<16x256xf32, #tpu.memory_space<vmem>>, %arg1: memref<16x1024xf32, #tpu.memory_space<vmem>>, %arg2: memref<256x128xf32, #tpu.memory_space<vmem>>, %arg3: memref<1x128xf32, #tpu.memory_space<vmem>>, %arg4: memref<128x64xf32, #tpu.memory_space<vmem>>, %arg5: memref<1x64xf32, #tpu.memory_space<vmem>>, %arg6: memref<64x14xf32, #tpu.memory_space<vmem>>, %arg7: memref<1x14xf32, #tpu.memory_space<vmem>>, %arg8: memref<1024x512xf32, #tpu.memory_space<vmem>>, %arg9: memref<1x512xf32, #tpu.memory_space<vmem>>, %arg10: memref<512x256xf32, #tpu.memory_space<vmem>>, %arg11: memref<1x256xf32, #tpu.memory_space<vmem>>, %arg12: memref<256x14xf32, #tpu.memory_space<vmem>>, %arg13: memref<1x14xf32, #tpu.memory_space<vmem>>, %arg14: memref<16x14xf32, #tpu.memory_space<vmem>>) attributes {dimension_semantics = [], scalar_prefetch = 0 : i64, scratch_operands = 0 : i64, tpu.core_type = #tpu.core_type<tc>} {
    %get3A = arith.constant 0 : index
    %get3A_0 = arith.constant 0 : index
    %get3A_1 = vector.load %arg0[%get3A, %get3A_0] : memref<16x256xf32, #tpu.memory_space<vmem>>, vector<16x256xf32>
    %get3A_2 = arith.constant 0 : index
    %get3A_3 = arith.constant 0 : index
    %get3A_4 = vector.load %arg2[%get3A_2, %get3A_3] : memref<256x128xf32, #tpu.memory_space<vmem>>, vector<256x128xf32>
    %dot_general3A = arith.constant dense<0.000000e+00> : vector<16x128xf32>
    %dot_general3A_5 = tpu.matmul %get3A_1, %get3A_4, %dot_general3A {dimension_numbers = #tpu.dot_dimension_numbers<[1], [0], [0], [1], [0, 0, 1, 1], [], []>, transpose_lhs_hint = false} : vector<16x256xf32>, vector<256x128xf32>, vector<16x128xf32> -> vector<16x128xf32>
    %get3A_6 = arith.constant 0 : index
    %get3A_7 = arith.constant 0 : index
    %get3A_8 = vector.load %arg3[%get3A_6, %get3A_7] : memref<1x128xf32, #tpu.memory_space<vmem>>, vector<1x128xf32>
    %add3A = vector.broadcast %get3A_8 : vector<1x128xf32> to vector<16x128xf32>
    %add3A_9 = arith.addf %dot_general3A_5, %add3A : vector<16x128xf32>
    %max3A = arith.constant 0.000000e+00 : f32
    %max3A_10 = vector.broadcast %max3A : f32 to vector<16x128xf32>
    %max3A_11 = arith.maximumf %add3A_9, %max3A_10 : vector<16x128xf32>
    %get3A_12 = arith.constant 0 : index
    %get3A_13 = arith.constant 0 : index
    %get3A_14 = vector.load %arg4[%get3A_12, %get3A_13] : memref<128x64xf32, #tpu.memory_space<vmem>>, vector<128x64xf32>
    %dot_general3A_15 = arith.constant dense<0.000000e+00> : vector<16x64xf32>
    %dot_general3A_16 = tpu.matmul %max3A_11, %get3A_14, %dot_general3A_15 {dimension_numbers = #tpu.dot_dimension_numbers<[1], [0], [0], [1], [0, 0, 1, 1], [], []>, transpose_lhs_hint = false} : vector<16x128xf32>, vector<128x64xf32>, vector<16x64xf32> -> vector<16x64xf32>
    %get3A_17 = arith.constant 0 : index
    %get3A_18 = arith.constant 0 : index
    %get3A_19 = vector.load %arg5[%get3A_17, %get3A_18] : memref<1x64xf32, #tpu.memory_space<vmem>>, vector<1x64xf32>
    %add3A_20 = vector.broadcast %get3A_19 : vector<1x64xf32> to vector<16x64xf32>
    %add3A_21 = arith.addf %dot_general3A_16, %add3A_20 : vector<16x64xf32>
    %max3A_22 = arith.constant 0.000000e+00 : f32
    %max3A_23 = vector.broadcast %max3A_22 : f32 to vector<16x64xf32>
    %max3A_24 = arith.maximumf %add3A_21, %max3A_23 : vector<16x64xf32>
    %get3A_25 = arith.constant 0 : index
    %get3A_26 = arith.constant 0 : index
    %get3A_27 = vector.load %arg6[%get3A_25, %get3A_26] : memref<64x14xf32, #tpu.memory_space<vmem>>, vector<64x14xf32>
    %dot_general3A_28 = arith.constant dense<0.000000e+00> : vector<16x14xf32>
    %dot_general3A_29 = tpu.matmul %max3A_24, %get3A_27, %dot_general3A_28 {dimension_numbers = #tpu.dot_dimension_numbers<[1], [0], [0], [1], [0, 0, 1, 1], [], []>, transpose_lhs_hint = false} : vector<16x64xf32>, vector<64x14xf32>, vector<16x14xf32> -> vector<16x14xf32>
    %get3A_30 = arith.constant 0 : index
    %get3A_31 = arith.constant 0 : index
    %get3A_32 = vector.load %arg7[%get3A_30, %get3A_31] : memref<1x14xf32, #tpu.memory_space<vmem>>, vector<1x14xf32>
    %add3A_33 = vector.broadcast %get3A_32 : vector<1x14xf32> to vector<16x14xf32>
    %add3A_34 = arith.addf %dot_general3A_29, %add3A_33 : vector<16x14xf32>
    %get3A_35 = arith.constant 0 : index
    %get3A_36 = arith.constant 0 : index
    %get3A_37 = vector.load %arg1[%get3A_35, %get3A_36] : memref<16x1024xf32, #tpu.memory_space<vmem>>, vector<16x1024xf32>
    %get3A_38 = arith.constant 0 : index
    %get3A_39 = arith.constant 0 : index
    %get3A_40 = vector.load %arg8[%get3A_38, %get3A_39] : memref<1024x512xf32, #tpu.memory_space<vmem>>, vector<1024x512xf32>
    %dot_general3A_41 = arith.constant dense<0.000000e+00> : vector<16x512xf32>
    %dot_general3A_42 = tpu.matmul %get3A_37, %get3A_40, %dot_general3A_41 {dimension_numbers = #tpu.dot_dimension_numbers<[1], [0], [0], [1], [0, 0, 1, 1], [], []>, transpose_lhs_hint = false} : vector<16x1024xf32>, vector<1024x512xf32>, vector<16x512xf32> -> vector<16x512xf32>
    %get3A_43 = arith.constant 0 : index
    %get3A_44 = arith.constant 0 : index
    %get3A_45 = vector.load %arg9[%get3A_43, %get3A_44] : memref<1x512xf32, #tpu.memory_space<vmem>>, vector<1x512xf32>
    %add3A_46 = vector.broadcast %get3A_45 : vector<1x512xf32> to vector<16x512xf32>
    %add3A_47 = arith.addf %dot_general3A_42, %add3A_46 : vector<16x512xf32>
    %max3A_48 = arith.constant 0.000000e+00 : f32
    %max3A_49 = vector.broadcast %max3A_48 : f32 to vector<16x512xf32>
    %max3A_50 = arith.maximumf %add3A_47, %max3A_49 : vector<16x512xf32>
    %get3A_51 = arith.constant 0 : index
    %get3A_52 = arith.constant 0 : index
    %get3A_53 = vector.load %arg10[%get3A_51, %get3A_52] : memref<512x256xf32, #tpu.memory_space<vmem>>, vector<512x256xf32>
    %dot_general3A_54 = arith.constant dense<0.000000e+00> : vector<16x256xf32>
    %dot_general3A_55 = tpu.matmul %max3A_50, %get3A_53, %dot_general3A_54 {dimension_numbers = #tpu.dot_dimension_numbers<[1], [0], [0], [1], [0, 0, 1, 1], [], []>, transpose_lhs_hint = false} : vector<16x512xf32>, vector<512x256xf32>, vector<16x256xf32> -> vector<16x256xf32>
    %get3A_56 = arith.constant 0 : index
    %get3A_57 = arith.constant 0 : index
    %get3A_58 = vector.load %arg11[%get3A_56, %get3A_57] : memref<1x256xf32, #tpu.memory_space<vmem>>, vector<1x256xf32>
    %add3A_59 = vector.broadcast %get3A_58 : vector<1x256xf32> to vector<16x256xf32>
    %add3A_60 = arith.addf %dot_general3A_55, %add3A_59 : vector<16x256xf32>
    %max3A_61 = arith.constant 0.000000e+00 : f32
    %max3A_62 = vector.broadcast %max3A_61 : f32 to vector<16x256xf32>
    %max3A_63 = arith.maximumf %add3A_60, %max3A_62 : vector<16x256xf32>
    %get3A_64 = arith.constant 0 : index
    %get3A_65 = arith.constant 0 : index
    %get3A_66 = vector.load %arg12[%get3A_64, %get3A_65] : memref<256x14xf32, #tpu.memory_space<vmem>>, vector<256x14xf32>
    %dot_general3A_67 = arith.constant dense<0.000000e+00> : vector<16x14xf32>
    %dot_general3A_68 = tpu.matmul %max3A_63, %get3A_66, %dot_general3A_67 {dimension_numbers = #tpu.dot_dimension_numbers<[1], [0], [0], [1], [0, 0, 1, 1], [], []>, transpose_lhs_hint = false} : vector<16x256xf32>, vector<256x14xf32>, vector<16x14xf32> -> vector<16x14xf32>
    %get3A_69 = arith.constant 0 : index
    %get3A_70 = arith.constant 0 : index
    %get3A_71 = vector.load %arg13[%get3A_69, %get3A_70] : memref<1x14xf32, #tpu.memory_space<vmem>>, vector<1x14xf32>
    %add3A_72 = vector.broadcast %get3A_71 : vector<1x14xf32> to vector<16x14xf32>
    %add3A_73 = arith.addf %dot_general3A_68, %add3A_72 : vector<16x14xf32>
    %add3A_74 = arith.addf %add3A_34, %add3A_73 : vector<16x14xf32>
    %swap3A = arith.constant 0 : index
    %swap3A_75 = arith.constant 0 : index
    %swap3A_76 = vector.load %arg14[%swap3A, %swap3A_75] : memref<16x14xf32, #tpu.memory_space<vmem>>, vector<16x14xf32>
    tpu.vector_store %arg14[%swap3A, %swap3A_75], %add3A_74 {strides = array<i32>} : memref<16x14xf32, #tpu.memory_space<vmem>>, vector<16x14xf32>,
    return
  }
}

</mosaic_0001>

<sc_bundles>
// kernel: kernel.7.cloned.1.call-start
scs
__scs_entry_jumppad:
0x0: {  	(pc) =	sbr.rel $0x88, $3  }
0x1: {  	(tag) =	ssettag $0x0;
	lr =	simm.s32 $0x1  }
0x2: {  	[smem:$0x3F82] =	sst lr;
	_ =	strace $0xD0000000  }
0x3: {  	_ = 	snop  }
0x4: {  	_ = 	snop  }
0x5: {  	_ = 	snop  }
0x6: {  	_ = 	snop  }
0x7: {  	_ = 	snop  }
__scs_overlays_trampoline_lowered:
0x8: {  	[smem:$0x3F91] =	sst s0  }
0x9: {  	[smem:$0x3F92] =	sst s1  }
0xa: {  	[smem:$0x3F93] =	sst s2  }
0xb: {  	[smem:$0x3F94] =	sst s3  }
0xc: {  	[smem:$0x3F95] =	sst s4  }
0xd: {  	[smem:$0x3F96] =	sst s5  }
0xe: {  	[smem:$0x3F97] =	sst s6  }
0xf: {  	[smem:$0x3F98] =	sst s7  }
0x10: {  	[smem:$0x3F99] =	sst s8  }
0x11: {  	[smem:$0x3F9A] =	sst s9;
	s0 =	simm.s32 @!p0 $0x0  }
0x12: {  	s1 =	sld [smem:$0x3F80];
	s0 =	simm.s32 @p0 $0x1  }
0x13: {  	[smem:$0x3F9B] =	sst s0;
	s0 =	simm.s32 @!p1 $0x0  }
0x14: {  	s2 =	sld [smem:$0x3F7F];
	s0 =	simm.s32 @p1 $0x1  }
0x15: {  	[smem:$0x3F9C] =	sst s0;
	s0 =	simm.s32 @!p2 $0x0  }
0x16: {  	s3 =	sld [smem:$0x3FDB];
	s0 =	simm.s32 @p2 $0x1  }
0x17: {  	s4 =	simm.s32 $0x1BF5;
	[smem:$0x3F9E] =	sst s0  }
0x18: {  	s0 =	sld [smem:$0x3F81];
	_ =	swait.ge [sflag:s4], $0x0  }
0x19: {  	s7 =	sld [smem:$0x3F82]  }
0x1a: {  	s8 =	sadd.s32 $0xFFFFE003, lr  }
0x1b: {  	s9 =	sadd.s32 $0xFFFFFEF7, lr;
	s5 =	simm.s32 $0xFFFFFFFF;
	p2 =	slt.u32 s8, $0xFFFFF086  }
0x1c: {  	p1 =	slt.u32 s9, $0xF7A;
	s5 =	simm.s32 @!p2 $0x0  }
0x1d: {  	s5 =	simm.s32 @p1 $0x1;
	p0 =	seq.s32 s7, s2  }
0x1e: {  	s7 =	smul.u32 @!p0 $0xF7A, s2;
	p2 =	seq.s32 @!p0 s5, $0x0  }
0x1f: {  	s9 =	smul.u32 $0xF7A, s1;
	s8 =	simm.s32 @!p0 $0x1BF5;
	p2 =	por !p2, p0  }
0x20: {  	[sflag:s8] =	ssyncset.s32 @!p0 $0xFFFFF086;
	s6 =	sadd.s32 @!p0 s3, s7;
	s7 =	simm.s32 @!p0 $0x108  }
0x21: {  	s3 =	sadd.s32 s3, s9;
	s6 =	sadd.s32 @!p0 $0x88, s6;
	s7 =	simm.s32 @p2 $0x1082  }
0x22: {  	[simem:s7], [sflag:s8] =	dma.local @!p0 [hbm:s6], $0xF7A  }
0x23: {  	s9 =	sor.u32 $0xD0000000, s2;
	s6 =	simm.s32 $0x108;
	_ =	swait.ge @!p0 [sflag:s8], $0x0  }
0x24: {  	s3 =	sadd.s32 $0x88, s3;
	s6 =	simm.s32 @!p1 $0x1082;
	[sflag:s4] =	ssyncset.s32 $0xFFFFF086  }
0x25: {  	[simem:s6], [sflag:s4] =	dma.local [hbm:s3], $0xF7A  }
0x26: {  	[smem:$0x3F82] =	sst s1;
	(tag) =	ssettag s2;
	_ =	strace s9  }
0x27: {  	s1 =	sld [smem:$0x3F92]  }
0x28: {  	s2 =	sld [smem:$0x3F93]  }
0x29: {  	s4 =	sld [smem:$0x3F95]  }
0x2a: {  	p0 =	seq.s32 s5, $0x0;
	s5 =	sld [smem:$0x3F96]  }
0x2b: {  	s6 =	sld [smem:$0x3F97]  }
0x2c: {  	s7 =	sld [smem:$0x3F98]  }
0x2d: {  	s3 =	simm.s32 $0x108;
	s8 =	sld [smem:$0x3F99]  }
0x2e: {  	s3 =	simm.s32 @!p0 $0x1082;
	s9 =	sld [smem:$0x3F9A]  }
0x2f: {  	lr =	sadd.s32 s0, s3;
	s0 =	sld [smem:$0x3F91]  }
0x30: {  	s3 =	sld [smem:$0x3F94]  }
0x31: {  	[smem:$0x3F9D] =	sst s10  }
0x32: {  	s10 =	sld [smem:$0x3F9B];
	_ =	sdelay $0x3  }
0x33: {  	p0 =	seq.s32 s10, $0x1;
	s10 =	sld [smem:$0x3F9D];
	_ =	sdelay $0x3  }
0x34: {  	[smem:$0x3F9D] =	sst s10  }
0x35: {  	s10 =	sld [smem:$0x3F9C];
	_ =	sdelay $0x3  }
0x36: {  	p1 =	seq.s32 s10, $0x1;
	s10 =	sld [smem:$0x3F9D];
	_ =	sdelay $0x3  }
0x37: {  	[smem:$0x3F9D] =	sst s10  }
0x38: {  	s10 =	sld [smem:$0x3F9E]  }
0x39: {  	_ = 	snop;
	(pc) =	sbr.ind lr, $3  }
0x3a: {  	_ = 	snop  }
0x3b: {  	_ = 	snop  }
0x3c: {  	p2 =	seq.s32 s10, $0x1;
	s10 =	sld [smem:$0x3F9D]  }
0x3d: {  	_ =	shalt  }
0x3e: {  	_ =	shalt  }
0x3f: {  	_ =	shalt  }
0x40: {  	_ =	shalt  }
0x41: {  	_ =	shalt  }
0x42: {  	_ =	shalt  }
0x43: {  	_ =	shalt  }
0x44: {  	_ =	shalt  }
0x45: {  	_ =	shalt  }
0x46: {  	_ =	shalt  }
0x47: {  	_ =	shalt  }
0x48: {  	_ =	shalt  }
0x49: {  	_ =	shalt  }
0x4a: {  	_ =	shalt  }
0x4b: {  	_ =	shalt  }
0x4c: {  	_ =	shalt  }
0x4d: {  	_ =	shalt  }
0x4e: {  	_ =	shalt  }
0x4f: {  	_ =	shalt  }
0x50: {  	_ =	shalt  }
0x51: {  	_ =	shalt  }
0x52: {  	_ =	shalt  }
0x53: {  	_ =	shalt  }
0x54: {  	_ =	shalt  }
0x55: {  	_ =	shalt  }
0x56: {  	_ =	shalt  }
0x57: {  	_ =	shalt  }
0x58: {  	_ =	shalt  }
0x59: {  	_ =	shalt  }
0x5a: {  	_ =	shalt  }
0x5b: {  	_ =	shalt  }
0x5c: {  	_ =	shalt  }
0x5d: {  	_ =	shalt  }
0x5e: {  	_ =	shalt  }
0x5f: {  	_ =	shalt  }
0x60: {  	_ =	shalt  }
0x61: {  	_ =	shalt  }
0x62: {  	_ =	shalt  }
0x63: {  	_ =	shalt  }
0x64: {  	_ =	shalt  }
0x65: {  	_ =	shalt  }
0x66: {  	_ =	shalt  }
0x67: {  	_ =	shalt  }
0x68: {  	_ =	shalt  }
0x69: {  	_ =	shalt  }
0x6a: {  	_ =	shalt  }
0x6b: {  	_ =	shalt  }
0x6c: {  	_ =	shalt  }
0x6d: {  	_ =	shalt  }
0x6e: {  	_ =	shalt  }
0x6f: {  	_ =	shalt  }
0x70: {  	_ =	shalt  }
0x71: {  	_ =	shalt  }
0x72: {  	_ =	shalt  }
0x73: {  	_ =	shalt  }
0x74: {  	_ =	shalt  }
0x75: {  	_ =	shalt  }
0x76: {  	_ =	shalt  }
0x77: {  	_ =	shalt  }
0x78: {  	_ =	shalt  }
0x79: {  	_ =	shalt  }
0x7a: {  	_ =	shalt  }
0x7b: {  	_ =	shalt  }
0x7c: {  	_ =	shalt  }
0x7d: {  	_ =	shalt  }
0x7e: {  	_ =	shalt  }
0x7f: {  	_ =	shalt  }
0x80: {  	_ =	shalt  }
0x81: {  	_ =	shalt  }
0x82: {  	_ =	shalt  }
0x83: {  	_ =	shalt  }
0x84: {  	_ =	shalt  }
0x85: {  	_ =	shalt  }
0x86: {  	_ =	shalt  }
0x87: {  	_ =	shalt  }
.Lfunc_end0:
.L_simem_size_0:
called_computation_lowered:
.L_overlay_start_0:
0x88: {  	s2 =	sld [smem:$0x3FD9]  }
0x89: {  	s3 =	sld [smem:$0x3FFE];
	_ =	sdelay $0x1  }
0x8a: {  	s1 =	srdreg.scid  }
0x8b: {  	s0 =	sand.u32 $0x1, s1  }
0x8c: {  	s16 =	sshll.u32 s0, $0xA;
	s2 =	sadd.s32 s3, s2  }
0x8d: {  	s2 =	sadd.s32 s2, s16  }
0x8e: {  	[smem:$0x3FA9] =	sst s2  }
0x8f: {  	_ = 	snop  }
0x90: {  	(tm) =	ssettm $0x1  }
0x91: {  	s17 =	sld [smem:$0x3FFB];
	_ =	sdelay $0x3  }
0x92: {  	_ =	strace s17  }
0x93: {  	s2 =	sld [smem:$0x3FFC];
	_ =	sdelay $0x3  }
0x94: {  	_ =	strace s2  }
0x95: {  	s2 =	sld [smem:$0x3FFD];
	_ =	sdelay $0x3  }
0x96: {  	_ =	strace s2  }
0x97: {  	_ =	strace $0x8FFFFFFF  }
0x98: {  	s18 =	sld [smem:$0x3FDB];
	_ =	sdelay $0x1  }
0x99: {  	s19 =	simm.s32 $_scs_section_size  }
0x9a: {  	s4 =	simm.s32 $_size__tile_overlayer_lowered;
	s5 =	simm.s32 $_tile_overlayer_lowered  }
0x9b: {  	s22 =	simm.s32 $0x1BFF;
	s21 =	sshll.u32 s5, $0x1;
	s2 =	sadd.s32 s19, s18  }
0x9c: {  	s6 =	simm.s32 $0x0;
	s20 =	sshll.u32 s4, $0x1;
	s4 =	sadd.s32 s21, s2  }
0x9d: {  	[timem:s6], [sflag:s22] =	dma.local [hbm:s4], s20  }
0x9e: {  	_ =	swait.ge [sflag:s22], s20  }
0x9f: {  	s3 =	ssub.s32 $0x0, s20;
	[sflag:s22] =	ssyncset.done $0x0  }
0xa0: {  	[sflag:s22] =	ssyncadd.s32 s3;
	_ =	sdelay $0x1  }
0xa1: {  	s23 =	simm.s32 $0x1B8B  }
0xa2: {  	_ =	swait.ge [sflag:s23], $0x1  }
0xa3: {  	[sflag:s23] =	ssyncset.done $0x0  }
0xa4: {  	s25 =	simm.s32 $0x1B8E;
	s24 =	sld [smem:$0x3FFE];
	[sflag:s23] =	ssyncadd.s32 $0xFFFFFFFF  }
0xa5: {  	s26 =	simm.s32 $execute0_lowered;
	[smem:$0x3FD2] =	sst s25  }
0xa6: {  	s4 =	sshll.u32 s26, $0x1;
	_ =	strace $0x80000046;
	[dreg:$0x1] =	wrdreg $0xFFFFFFFF  }
0xa7: {  	s28 =	simm.s32 $_size_execute0_lowered;
	s2 =	sadd.s32 s2, s4;
	[dreg:$0x0] =	wrdreg $0x0  }
0xa8: {  	s4 =	sshll.u32 s28, $0x1;
	[dreg:$0x2] =	wrdreg s2  }
0xa9: {  	[dreg:$0x3] =	wrdreg s4  }
0xaa: {  	[dreg:$0x4] =	wrdreg $0xC0  }
0xab: {  	_ =	task [dreg:s6], $0x5FFFF  }
0xac: {  	[dreg:$0x1] =	wrdreg $0xFFFFFFFF  }
0xad: {  	[dreg:$0x0] =	wrdreg $0x60  }
0xae: {  	[dreg:$0x2] =	wrdreg s24  }
0xaf: {  	[dreg:$0x3] =	wrdreg $0x148000  }
0xb0: {  	[dreg:$0x4] =	wrdreg $0x9  }
0xb1: {  	_ =	task.clear_ibuf [dreg:s6], $0x5FFFF;
	_ =	strace $0x90000046  }
0xb2: {  	s29 =	simm.s32 $0x9;
	_ =	strace $0x80000048  }
0xb3: {  	_ =	swait.ge [sflag:s29], $0x1  }
0xb4: {  	[sflag:s29] =	ssyncadd.s32 $0xFFFFFFFF  }
0xb5: {  	_ =	strace $0x90000048  }
0xb6: {  	_ =	sfence  }
0xb7: {  	s30 =	sld [smem:$0x0];
	_ =	sdelay $0x2  }
0xb8: {  	s31 =	sshll.u32 s1, $0xD;
	s1 =	sshrl.u32 s1, $0x2  }
0xb9: {  	s3 =	sand.u32 $0x4000, s31;
	s1 =	sadd.s32 s1, s30  }
0xba: {  	s0 =	sor.u32 s3, s0;
	s1 =	sshll.u32 s1, $0x11  }
0xbb: {  	s0 =	sor.u32 s1, s0  }
0xbc: {  	s0 =	sadd.s32 $0x8F2B, s0  }
0xbd: {  	[sflag:s0] =	ssyncadd.remote.s32 $0x1  }
0xbe: {  	_ =	sfence.sel $0xFFFF  }
0xbf: {  	[dreg:$0x0] =	wrdreg $0xFFFFFFFF;
	(pc) =	sbr.abs _section_cstart, $3  }
0xc0: {  	[dreg:$0x1] =	wrdreg $0xFFFFFFFF  }
0xc1: {  	_ =	task.clear_ibuf [dreg:s6], $0x2FFFF;
	_ =	strace $0x9FFFFFFF  }
0xc2: {  	(tm) =	ssettm $0x7FFFFFFF  }
0xc3: {  	_ =	shalt  }
tec
execute0_lowered:
.L_overlay_start_1:
0x0: {  	(tag) =	ssettag $0x1  }
0x1: {  	s0 =	rddreg [dreg:$0x0]  }
0x2: {  	s2 =	rddreg [dreg:$0x1];
	s3 =	simm.s32 $0x0  }
0x3: {  	s9 =	stileid.u32;
	s5 =	srdreg.scid;
	s19 =	simm.s32 $0x4  }
0x4: {  	s28 =	simm.s32 $0x1;
	s29 =	simm.s32 $0x2;
	s31 =	simm.s32 $0x7700  }
0x5: {  	[smem:$0x7FF] =	sst s3;
	s1 =	smul.u32 $0x500, s9;
	s4 =	sadd.s32 $0x3C00, s0  }
0x6: {  	s5 =	sand.u32 $0x1, s5;
	s6 =	sadd.s32 $0x5DC00, s0;
	s8 =	smul.u32 $0x28000, s9  }
0x7: {  	_ =	strace $0x80000047;
	s7 =	ssub.s32 $0x2, s5;
	s5 =	smul.u32 $0x5000, s5  }
0x8: {  	s1 =	sadd.s32 s1, s0;
	s21 =	sshrl.u32 s7, $0x1;
	s23 =	sshrl.u32 s8, $0x2  }
0x9: {  	s0 =	ssub.s32 s7, s21;
	s7 =	smul.u32 $0x280, s9;
	s22 =	sadd.s32 $0x58C00, s1  }
0xa: {  	s1 =	sadd.s32 $0x53C00, s1;
	s10 =	sadd.s32 $0x2800, s5;
	[dreg:$0x3] =	wrdreg s22  }
0xb: {  	s9 =	simm.s32 $0x0;
	[dreg:$0x4] =	wrdreg s1;
	s0 =	smax.u32 s0, $0x1  }
0xc: {  	s1 =	sadd.s32 s23, s2;
	s22 =	simm.s32 $0xD800;
	[dreg:$0x7] =	wrdreg s0  }
0xd: {  	s23 =	simm.s32 $0x80;
	s24 =	sadd.s32 $0x2000, s1;
	[dreg:$0x5] =	wrdreg s1  }
0xe: {  	s12 =	sadd.s32 s7, s5;
	s25 =	sadd.s32 $0x4000, s1;
	[dreg:$0x8] =	wrdreg s24  }
0xf: {  	s13 =	sadd.s32 s7, s10;
	s26 =	sadd.s32 $0x6000, s1;
	[dreg:$0x9] =	wrdreg s25  }
0x10: {  	s30 =	sadd.s32 $0x8000, s1;
	s0 =	simm.s32 $0x7780;
	[dreg:$0xa] =	wrdreg s26  }
0x11: {  	v2 =	vimm.f32 $0.0e+00;
	s1 =	simm.s32 $0x3;
	[dreg:$0xb] =	wrdreg s30;
	s24 =	simm.s32 $0x7800  }
0x12: {  	v3 =	vimm.f32 $1.000000000e+00;
	v0 =	vmov s5;
	v1 =	vmov s10;
	s25 =	simm.s32 $0xB800;
	s26 =	simm.s32 $0x9800;
	[dreg:$0x6] =	wrdreg s12  }
.LBB2_1:
0x13: {  	[dreg:$0xc] =	wrdreg s9  }
0x14: {  	s8 =	rddreg [dreg:$0x3]  }
0x15: {  	[tilespmem:s3], [sflag:$0x4] =	stream.linear.gather [hbm4b:s8+s3], $0x2800, $0x38;
	[tilespmem:$0x1E800] =	vst v63  }
0x16: {  	_ =	swait.ge [sflag:s19], $0x2800  }
0x17: {  	[sflag:s19] =	ssyncset.done $0x0  }
0x18: {  	s20 =	simm.s32 $0x2800;
	[sflag:s19] =	ssyncadd.s32 $0xFFFFD800  }
0x19: {  	[tilespmem:s20], [sflag:$0x4] =	stream.linear.gather [hbm4b:s8+s3], $0x2800, $0x38;
	[tilespmem:$0x1E800] =	vst v63  }
0x1a: {  	_ =	swait.ge [sflag:s19], $0x2800  }
0x1b: {  	[sflag:s19] =	ssyncset.done $0x0  }
0x1c: {  	s30 =	simm.s32 $0x5000;
	s21 =	rddreg [dreg:$0x4];
	[sflag:s19] =	ssyncadd.s32 $0xFFFFD800  }
0x1d: {  	[tilespmem:s30], [sflag:$0x4] =	stream.linear.gather [hbm4b:s21+s3], $0x2800, $0x38;
	[tilespmem:$0x1E800] =	vst v63  }
0x1e: {  	_ =	swait.ge [sflag:s19], $0x2800  }
0x1f: {  	[sflag:s19] =	ssyncset.done $0x0  }
0x20: {  	s8 =	simm.s32 $0x0;
	[sflag:s19] =	ssyncadd.s32 $0xFFFFD800  }
0x21: {  	v4 =	vld [tilespmem:s8+$0x0]  }
0x22: {  	v5 =	vld [tilespmem:s8+$0x2800]  }
0x23: {  	v6 =	vld [tilespmem:s8+$0x10]  }
0x24: {  	v7 =	vld [tilespmem:s8+$0x2810]  }
0x25: {  	v8 =	vld [tilespmem:s8+$0x20]  }
0x26: {  	v9 =	vld [tilespmem:s8+$0x2820];
	v4 =	vadd.s32 v0, v4  }
0x27: {  	v10 =	vld [tilespmem:s8+$0x30];
	[tilespmem:s8+$0x0] =	vst v4;
	v4 =	vadd.s32 v1, v5  }
0x28: {  	[tilespmem:s8+$0x2800] =	vst v4;
	v4 =	vadd.s32 v0, v6;
	v6 =	vld [tilespmem:s8+$0x2830]  }
0x29: {  	[tilespmem:s8+$0x10] =	vst v4;
	v4 =	vadd.s32 v1, v7;
	v7 =	vld [tilespmem:s8+$0x40]  }
0x2a: {  	[tilespmem:s8+$0x2810] =	vst v4;
	v4 =	vadd.s32 v0, v8;
	v8 =	vld [tilespmem:s8+$0x2840]  }
0x2b: {  	v5 =	vld [tilespmem:s8+$0x50];
	[tilespmem:s8+$0x20] =	vst v4;
	v4 =	vadd.s32 v1, v9  }
0x2c: {  	v9 =	vadd.s32 v0, v10;
	[tilespmem:s8+$0x2820] =	vst v4;
	v4 =	vld [tilespmem:s8+$0x2850]  }
0x2d: {  	[tilespmem:s8+$0x30] =	vst v9;
	v9 =	vadd.s32 v1, v6;
	v6 =	vld [tilespmem:s8+$0x60]  }
0x2e: {  	[tilespmem:s8+$0x2830] =	vst v9;
	v9 =	vadd.s32 v0, v7;
	v7 =	vld [tilespmem:s8+$0x2860]  }
0x2f: {  	s9 =	simm.s32 $0x200;
	[tilespmem:s8+$0x40] =	vst v9;
	v9 =	vadd.s32 v1, v8;
	v8 =	vld [tilespmem:s8+$0x70]  }
.LBB2_2:
0x30: {  	s11 =	sshra.s32 s9, $0x2;
	p0 =	sne.s32 s9, $0x9E00;
	[tilespmem:s8+$0x2840] =	vst v9;
	v5 =	vadd.s32 v0, v5;
	v9 =	vld [tilespmem:s8+$0x2870]  }
0x31: {  	v10 =	vld [tilespmem:s11+$0x0];
	[tilespmem:s8+$0x50] =	vst v5;
	v4 =	vadd.s32 v1, v4  }
0x32: {  	v5 =	vld [tilespmem:s11+$0x2800];
	[tilespmem:s8+$0x2850] =	vst v4;
	v4 =	vadd.s32 v0, v6  }
0x33: {  	v6 =	vld [tilespmem:s11+$0x10];
	[tilespmem:s8+$0x60] =	vst v4;
	v4 =	vadd.s32 v1, v7  }
0x34: {  	v7 =	vld [tilespmem:s11+$0x2810];
	[tilespmem:s8+$0x2860] =	vst v4;
	v4 =	vadd.s32 v0, v8  }
0x35: {  	v8 =	vld [tilespmem:s11+$0x20];
	[tilespmem:s8+$0x70] =	vst v4;
	v4 =	vadd.s32 v1, v9  }
0x36: {  	v9 =	vadd.s32 v0, v10;
	v10 =	vld [tilespmem:s11+$0x2820];
	[tilespmem:s8+$0x2870] =	vst v4;
	s8 =	smov.u32 s11  }
0x37: {  	[tilespmem:s8+$0x0] =	vst v9;
	v4 =	vadd.s32 v1, v5;
	v9 =	vld [tilespmem:s8+$0x30]  }
0x38: {  	[tilespmem:s8+$0x2800] =	vst v4;
	v4 =	vadd.s32 v0, v6;
	v6 =	vld [tilespmem:s8+$0x2830]  }
0x39: {  	[tilespmem:s8+$0x10] =	vst v4;
	v4 =	vadd.s32 v1, v7;
	v7 =	vld [tilespmem:s8+$0x40]  }
0x3a: {  	[tilespmem:s8+$0x2810] =	vst v4;
	v4 =	vadd.s32 v0, v8;
	v8 =	vld [tilespmem:s8+$0x2840]  }
.Ltmp0:
0x3b: {  	[tilespmem:s8+$0x20] =	vst v4;
	v4 =	vadd.s32 v1, v10;
	v5 =	vld [tilespmem:s8+$0x50];
	(pc) =	sbr.rel @p0 .LBB2_2-.Ltmp0, $4  }
0x3c: {  	[tilespmem:s8+$0x2820] =	vst v4;
	v9 =	vadd.s32 v0, v9;
	v4 =	vld [tilespmem:s8+$0x2850]  }
0x3d: {  	[tilespmem:s8+$0x30] =	vst v9;
	v9 =	vadd.s32 v1, v6;
	v6 =	vld [tilespmem:s8+$0x60]  }
0x3e: {  	[tilespmem:s8+$0x2830] =	vst v9;
	v9 =	vadd.s32 v0, v7;
	v7 =	vld [tilespmem:s8+$0x2860]  }
0x3f: {  	s9 =	sadd.s32 $0x200, s9;
	[tilespmem:s8+$0x40] =	vst v9;
	v9 =	vadd.s32 v1, v8;
	v8 =	vld [tilespmem:s8+$0x70]  }
0x40: {  	[tilespmem:s8+$0x2840] =	vst v9;
	v5 =	vadd.s32 v0, v5;
	v63 =	vld [tilespmem:s8+$0x2870]  }
0x41: {  	[tilespmem:s8+$0x50] =	vst v5;
	v4 =	vadd.s32 v1, v4  }
0x42: {  	[tilespmem:s8+$0x2850] =	vst v4;
	v4 =	vadd.s32 v0, v6  }
0x43: {  	[tilespmem:s8+$0x60] =	vst v4;
	v4 =	vadd.s32 v1, v7  }
0x44: {  	[tilespmem:s8+$0x2860] =	vst v4;
	v4 =	vadd.s32 v0, v8  }
0x45: {  	[tilespmem:s8+$0x70] =	vst v4;
	v4 =	vadd.s32 v1, v63  }
0x46: {  	s9 =	simm.s32 $0x100;
	[tilespmem:s8+$0x2870] =	vst v4;
	s8 =	simm.s32 $0x0  }
.LBB2_4:
0x47: {  	p0 =	sne.s32 s9, $0x7F00;
	[tilespmem:s8+$0x7830] =	vst v3  }
0x48: {  	[tilespmem:s8+$0xD800] =	vst v2  }
0x49: {  	[tilespmem:s8+$0x7800] =	vst v3  }
.Ltmp1:
0x4a: {  	[tilespmem:s8+$0xD810] =	vst v2;
	(pc) =	sbr.rel @p0 .LBB2_4-.Ltmp1, $4  }
0x4b: {  	[tilespmem:s8+$0x7810] =	vst v3  }
0x4c: {  	[tilespmem:s8+$0xD820] =	vst v2  }
0x4d: {  	[tilespmem:s8+$0x7820] =	vst v3  }
0x4e: {  	[tilespmem:s8+$0xD830] =	vst v2;
	s8 =	sshra.s32 s9, $0x2;
	s9 =	sadd.s32 $0x100, s9  }
0x4f: {  	[tilespmem:s8+$0x7830] =	vst v3  }
0x50: {  	[tilespmem:s8+$0xD800] =	vst v2  }
0x51: {  	[tilespmem:s8+$0x7800] =	vst v3  }
0x52: {  	[tilespmem:s8+$0xD810] =	vst v2  }
0x53: {  	[tilespmem:s8+$0x7810] =	vst v3  }
0x54: {  	[tilespmem:s8+$0xD820] =	vst v2  }
0x55: {  	[tilespmem:s8+$0x7820] =	vst v3  }
0x56: {  	[tilespmem:s8+$0xD830] =	vst v2;
	s16 =	rddreg [dreg:$0x5]  }
0x57: {  	[spmem:s16] =	stream.linear.scatter [tilespmem:s22], [sflag:$0x4], $0x2000, $0x38;
	[tilespmem:$0x1E800] =	vst v63  }
0x58: {  	_ =	swait.ge [sflag:s19], $0x2000  }
0x59: {  	[sflag:s19] =	ssyncset.done $0x0  }
0x5a: {  	s17 =	rddreg [dreg:$0x8];
	[sflag:s19] =	ssyncadd.s32 $0xFFFFE000  }
0x5b: {  	[spmem:s17] =	stream.linear.scatter [tilespmem:s22], [sflag:$0x4], $0x2000, $0x38;
	[tilespmem:$0x1E800] =	vst v63  }
0x5c: {  	_ =	swait.ge [sflag:s19], $0x2000  }
0x5d: {  	[sflag:s19] =	ssyncset.done $0x0  }
0x5e: {  	s18 =	rddreg [dreg:$0x9];
	[sflag:s19] =	ssyncadd.s32 $0xFFFFE000  }
0x5f: {  	[spmem:s18] =	stream.linear.scatter [tilespmem:s22], [sflag:$0x4], $0x2000, $0x38;
	[tilespmem:$0x1E800] =	vst v63  }
0x60: {  	_ =	swait.ge [sflag:s19], $0x2000  }
0x61: {  	[sflag:s19] =	ssyncset.done $0x0  }
0x62: {  	s20 =	rddreg [dreg:$0xa];
	[sflag:s19] =	ssyncadd.s32 $0xFFFFE000  }
0x63: {  	[spmem:s20] =	stream.linear.scatter [tilespmem:s22], [sflag:$0x4], $0x2000, $0x38;
	[tilespmem:$0x1E800] =	vst v63  }
0x64: {  	_ =	swait.ge [sflag:s19], $0x2000  }
0x65: {  	[sflag:s19] =	ssyncset.done $0x0  }
0x66: {  	s21 =	rddreg [dreg:$0xb];
	[sflag:s19] =	ssyncadd.s32 $0xFFFFE000  }
0x67: {  	[spmem:s21] =	stream.linear.scatter [tilespmem:s22], [sflag:$0x4], $0x2000, $0x38;
	[tilespmem:$0x1E800] =	vst v63  }
0x68: {  	_ =	swait.ge [sflag:s19], $0x2000  }
0x69: {  	[sflag:s19] =	ssyncset.done $0x0  }
0x6a: {  	[sflag:s19] =	ssyncadd.s32 $0xFFFFE000  }
0x6b: {  	s30 =	simm.s32 $0x5000;
	[bflag:$0x0] =	sbarrier.arrive $0xFFFF  }
0x6c: {  	[spmem:s2] =	stream.indirect.scatter.add.f32 [tilespmem:s24], [sflag:$0x4], $0x40, s30, s23, $0xb8;
	[tilespmem:$0x1E800] =	vst v63  }
0x6d: {  	s8 =	simm.s32 $0x200;
	_ =	swait.ge [sflag:s19], $0x2000  }
.LBB2_6:
0x6e: {  	s9 =	sshra.s32 s8, $0x2;
	[sflag:s19] =	ssyncset.done $0x0;
	p0 =	sne.s32 s8, $0x9E00  }
.Ltmp2:
0x6f: {  	s9 =	sadd.s32 $0x5000, s9;
	[sflag:s19] =	ssyncadd.s32 $0xFFFFE000;
	(pc) =	sbr.rel @p0 .LBB2_6-.Ltmp2, $3  }
0x70: {  	[spmem:s2] =	stream.indirect.scatter.add.f32 [tilespmem:s24], [sflag:$0x4], $0x40, s9, s23, $0xb8;
	[tilespmem:$0x1E800] =	vst v63  }
0x71: {  	s8 =	sadd.s32 $0x200, s8;
	_ =	sdelay $0x1  }
0x72: {  	_ =	swait.ge [sflag:s19], $0x2000  }
0x73: {  	[sflag:s19] =	ssyncset.done $0x0  }
0x74: {  	s8 =	simm.s32 $0x0;
	[sflag:s19] =	ssyncadd.s32 $0xFFFFE000  }
0x75: {  	s9 =	simm.s32 $0xF800;
	s11 =	simm.s32 $0x12000;
	[bflag:$0x0] =	sbarrier.arrive $0xFFFF  }
.LBB2_8:
0x76: {  	s14 =	sshll.u32 s8, $0x7  }
0x77: {  	s14 =	sadd.s32 s7, s14  }
0x78: {  	s14 =	sshll.u32 s14, $0x6  }
0x79: {  	s14 =	sand.u32 $0x3FFFFFC0, s14  }
0x7a: {  	s16 =	simm.s32 $0xB800;
	s14 =	sadd.s32 s14, s2  }
0x7b: {  	[tilespmem:s16], [sflag:$0x4] =	stream.linear.gather [spmem:s14], $0x2000, $0x38;
	[tilespmem:$0x1E800] =	vst v63  }
0x7c: {  	_ =	swait.ge [sflag:s19], $0x2000  }
0x7d: {  	[sflag:s19] =	ssyncset.done $0x0  }
0x7e: {  	[sflag:s19] =	ssyncadd.s32 $0xFFFFE000  }
0x7f: {  	v6 =	vld [tilespmem:s16+$0x0]  }
0x80: {  	v4 =	vmov s9;
	v5 =	vmov s11;
	s17 =	simm.s32 $0x40;
	s15 =	simm.s32 $0x0  }
.LBB2_9:
0x81: {  	p0 =	sne.s32 s17, $0x1FC0;
	_ =	sdelay $0x2  }
0x82: {  	v6 =	vadd.f32 $1.000000000e+00, v6;
	_ =	sdelay $0x1  }
0x83: {  	v7 =	vshra.s32 v6, $0x1;
	v8 =	vmul.f32 $5.000000000e-01, v6;
	(erf) = vrcp.f32 v6  }
0x84: {  	v6 =	vsub.s32 $0x5F3759DF, v7  }
0x85: {  	v7 =	vmul.f32 v6, v8;
	_ =	sdelay $0x1  }
0x86: {  	v7 =	vmul.f32 v6, v7;
	_ =	sdelay $0x1  }
0x87: {  	v9 =	vsub.f32 $1.500000000e+00, v7;
	_ =	sdelay $0x1  }
0x88: {  	v6 =	vmul.f32 v6, v9  }
0x89: {  	v7 =	vpop (erf)  }
0x8a: {  	v9 =	vmul.f32 v6, v8;
	_ =	sdelay $0x1  }
0x8b: {  	v9 =	vmul.f32 v9, v6;
	_ =	sdelay $0x1  }
0x8c: {  	v9 =	vsub.f32 $1.500000000e+00, v9;
	_ =	sdelay $0x1  }
0x8d: {  	v6 =	vmul.f32 v9, v6;
	_ =	sdelay $0x1  }
0x8e: {  	v9 =	vmul.f32 v6, v8;
	_ =	sdelay $0x1  }
0x8f: {  	v9 =	vmul.f32 v9, v6;
	_ =	sdelay $0x1  }
0x90: {  	v9 =	vsub.f32 $1.500000000e+00, v9;
	_ =	sdelay $0x1  }
0x91: {  	v6 =	vmul.f32 v9, v6;
	_ =	sdelay $0x1  }
0x92: {  	v8 =	vmul.f32 v6, v8;
	_ =	sdelay $0x1  }
0x93: {  	v8 =	vmul.f32 v8, v6;
	_ =	sdelay $0x1  }
0x94: {  	v8 =	vsub.f32 $1.500000000e+00, v8;
	_ =	sdelay $0x1  }
0x95: {  	v6 =	vmul.f32 v8, v6  }
.Ltmp3:
0x96: {  	s18 =	sshra.s32 s15, $0x2;
	s15 =	smov.u32 s17;
	v7 =	vmul.f32 $8.999999760e-01, v7;
	(pc) =	sbr.rel @p0 .LBB2_9-.Ltmp3, $4  }
0x97: {  	[tilespmem:v4+s18+$0x0 ss:$0x1] =	vst.idx.msk $0xffff, v6  }
0x98: {  	s16 =	sadd.s32 $0x40, s16;
	[tilespmem:v5+s18+$0x0 ss:$0x1] =	vst.idx.msk $0xffff, v7  }
0x99: {  	v6 =	vld [tilespmem:s16+$0x0]  }
0x9a: {  	s17 =	sadd.s32 $0x40, s17  }
0x9b: {  	_ =	sdelay $0x2  }
0x9c: {  	v6 =	vadd.f32 $1.000000000e+00, v6;
	_ =	sdelay $0x1  }
0x9d: {  	v7 =	vshra.s32 v6, $0x1;
	v8 =	vmul.f32 $5.000000000e-01, v6  }
0x9e: {  	v7 =	vsub.s32 $0x5F3759DF, v7  }
0x9f: {  	v9 =	vmul.f32 v7, v8;
	_ =	sdelay $0x1  }
0xa0: {  	v9 =	vmul.f32 v7, v9;
	_ =	sdelay $0x1  }
0xa1: {  	v9 =	vsub.f32 $1.500000000e+00, v9;
	_ =	sdelay $0x1  }
0xa2: {  	v7 =	vmul.f32 v7, v9;
	_ =	sdelay $0x1  }
0xa3: {  	v9 =	vmul.f32 v7, v8;
	_ =	sdelay $0x1  }
0xa4: {  	v9 =	vmul.f32 v9, v7;
	_ =	sdelay $0x1  }
0xa5: {  	v9 =	vsub.f32 $1.500000000e+00, v9;
	_ =	sdelay $0x1  }
0xa6: {  	v7 =	vmul.f32 v9, v7;
	_ =	sdelay $0x1  }
0xa7: {  	v9 =	vmul.f32 v7, v8;
	_ =	sdelay $0x1  }
0xa8: {  	v9 =	vmul.f32 v9, v7;
	_ =	sdelay $0x1  }
0xa9: {  	v9 =	vsub.f32 $1.500000000e+00, v9  }
0xaa: {  	(erf) = vrcp.f32 v6  }
0xab: {  	v61 =	vmul.f32 v9, v7;
	_ =	sdelay $0x1  }
0xac: {  	v7 =	vmul.f32 v61, v8;
	_ =	sdelay $0x1  }
0xad: {  	v7 =	vmul.f32 v7, v61;
	_ =	sdelay $0x1  }
0xae: {  	v7 =	vsub.f32 $1.500000000e+00, v7;
	_ =	sdelay $0x1  }
0xaf: {  	v62 =	vpop (erf);
	v6 =	vmul.f32 v7, v61  }
0xb0: {  	s15 =	sshra.s32 s15, $0x2;
	s8 =	sadd.s32 $0x1, s8;
	v63 =	vmul.f32 $8.999999760e-01, v62  }
0xb1: {  	p0 =	sne.s32 s8, $0x5;
	[tilespmem:v4+s15+$0x0 ss:$0x1] =	vst.idx.msk $0xffff, v6  }
.Ltmp4:
0xb2: {  	[tilespmem:v5+s15+$0x0 ss:$0x1] =	vst.idx.msk $0xffff, v63;
	(pc) =	sbr.rel @p0 .LBB2_8-.Ltmp4, $4  }
0xb3: {  	[spmem:s14] =	stream.linear.scatter [tilespmem:s22], [sflag:$0x4], $0x2000, $0x38;
	[tilespmem:$0x1E800] =	vst v63  }
0xb4: {  	_ =	swait.ge [sflag:s19], $0x2000  }
0xb5: {  	[sflag:s19] =	ssyncset.done $0x0  }
0xb6: {  	s9 =	sadd.s32 $0x800, s9;
	s11 =	sadd.s32 $0x800, s11;
	[sflag:s19] =	ssyncadd.s32 $0xFFFFE000  }
0xb7: {  	s11 =	simm.s32 $0x0;
	s14 =	simm.s32 $0xF800;
	s15 =	simm.s32 $0x0  }
.LBB2_12:
0xb8: {  	s8 =	sshll.u32 s15, $0x7  }
0xb9: {  	s9 =	sadd.s32 s8, s12  }
0xba: {  	s9 =	sshll.u32 s9, $0x3  }
0xbb: {  	s16 =	sadd.s32 s4, s9  }
0xbc: {  	[tilespmem:s25], [sflag:$0x4] =	stream.linear.gather [hbm4b:s16+s11], $0x2000, $0x38;
	[tilespmem:$0x1E800] =	vst v63  }
0xbd: {  	v4 =	vmov s14;
	_ =	swait.ge [sflag:s19], $0x2000  }
0xbe: {  	[sflag:s19] =	ssyncset.done $0x0  }
0xbf: {  	s16 =	simm.s32 $0xB820;
	[sflag:s19] =	ssyncadd.s32 $0xFFFFE000  }
0xc0: {  	v5 =	vld [tilespmem:s16+$0xFFFFFFF0]  }
0xc1: {  	s17 =	simm.s32 $0x0;
	v7 =	vld [tilespmem:s16+$0x10]  }
0xc2: {  	v9 =	vld.idx.msk [tilespmem:v4+s17+$0x0 ss:$0x1], $0xffff  }
0xc3: {  	v6 =	vld [tilespmem:s16+$0xFFFFFFE0]  }
0xc4: {  	v10 =	vld [tilespmem:s16+$0x0];
	_ =	sdelay $0x3  }
0xc5: {  	v6 =	vmul.f32 v6, v9;
	v8 =	vmul.f32 v7, v9  }
0xc6: {  	s18 =	simm.s32 $0xB820;
	s17 =	simm.s32 $0x40;
	v7 =	vmul.f32 v5, v9;
	v5 =	vmul.f32 v10, v9  }
.LBB2_13:
0xc7: {  	p0 =	sne.s32 s17, $0x1FC0  }
0xc8: {  	[tilespmem:s16+$0x10] =	vst v8;
	s18 =	sadd.s32 $0x40, s18;
	s20 =	smov.u32 s17;
	s17 =	sadd.s32 $0x40, s17  }
0xc9: {  	[tilespmem:s16+$0xFFFFFFE0] =	vst v6  }
0xca: {  	v9 =	vld [tilespmem:s18+$0xFFFFFFF0];
	[tilespmem:s16+$0xFFFFFFF0] =	vst v7  }
0xcb: {  	s20 =	sshra.s32 s20, $0x2;
	v7 =	vld [tilespmem:s18+$0x10];
	[tilespmem:s16+$0x0] =	vst v5;
	s16 =	smov.u32 s18  }
0xcc: {  	v5 =	vld.idx.msk [tilespmem:v4+s20+$0x0 ss:$0x1], $0xffff  }
0xcd: {  	v6 =	vld [tilespmem:s18+$0xFFFFFFE0]  }
0xce: {  	v10 =	vld [tilespmem:s18+$0x0]  }
.Ltmp5:
0xcf: {  	(pc) =	sbr.rel @p0 .LBB2_13-.Ltmp5, $3  }
0xd0: {  	_ =	sdelay $0x1  }
0xd1: {  	v8 =	vmul.f32 v7, v5;
	v6 =	vmul.f32 v6, v5  }
0xd2: {  	v7 =	vmul.f32 v9, v5;
	v5 =	vmul.f32 v10, v5  }
0xd3: {  	[tilespmem:s16+$0x10] =	vst v8  }
0xd4: {  	[tilespmem:s16+$0xFFFFFFE0] =	vst v6  }
0xd5: {  	[tilespmem:s16+$0xFFFFFFF0] =	vst v7  }
0xd6: {  	s9 =	sadd.s32 s6, s9;
	s20 =	simm.s32 $0x0;
	s8 =	sadd.s32 s8, s13;
	[tilespmem:s16+$0x0] =	vst v5  }
0xd7: {  	[hbm4b:s9+s20] =	stream.linear.scatter [tilespmem:s25], [sflag:$0x4], $0x2000, $0x38;
	[tilespmem:$0x1E800] =	vst v63  }
0xd8: {  	s8 =	sshll.u32 s8, $0x3;
	_ =	swait.ge [sflag:s19], $0x2000  }
0xd9: {  	s8 =	sand.u32 $0x1FFFFC00, s8;
	[sflag:s19] =	ssyncset.done $0x0  }
0xda: {  	s21 =	sadd.s32 s4, s8;
	[sflag:s19] =	ssyncadd.s32 $0xFFFFE000  }
0xdb: {  	[tilespmem:s25], [sflag:$0x4] =	stream.linear.gather [hbm4b:s21+s20], $0x2000, $0x38;
	[tilespmem:$0x1E800] =	vst v63  }
0xdc: {  	_ =	swait.ge [sflag:s19], $0x2000  }
0xdd: {  	[sflag:s19] =	ssyncset.done $0x0  }
0xde: {  	s9 =	simm.s32 $0xB820;
	[sflag:s19] =	ssyncadd.s32 $0xFFFFE000  }
0xdf: {  	v5 =	vld [tilespmem:s9+$0xFFFFFFF0]  }
0xe0: {  	s30 =	simm.s32 $0x0;
	v7 =	vld [tilespmem:s9+$0x10]  }
0xe1: {  	v9 =	vld.idx.msk [tilespmem:v4+s30+$0x0 ss:$0x1], $0xffff  }
0xe2: {  	v6 =	vld [tilespmem:s9+$0xFFFFFFE0]  }
0xe3: {  	v10 =	vld [tilespmem:s9+$0x0];
	_ =	sdelay $0x3  }
0xe4: {  	v6 =	vmul.f32 v6, v9;
	v8 =	vmul.f32 v7, v9  }
0xe5: {  	s17 =	simm.s32 $0xB820;
	s16 =	simm.s32 $0x40;
	v7 =	vmul.f32 v5, v9;
	v5 =	vmul.f32 v10, v9  }
.LBB2_15:
0xe6: {  	p0 =	sne.s32 s16, $0x1FC0  }
0xe7: {  	[tilespmem:s9+$0x10] =	vst v8;
	s17 =	sadd.s32 $0x40, s17;
	s18 =	smov.u32 s16;
	s16 =	sadd.s32 $0x40, s16  }
0xe8: {  	[tilespmem:s9+$0xFFFFFFE0] =	vst v6  }
0xe9: {  	v9 =	vld [tilespmem:s17+$0xFFFFFFF0];
	[tilespmem:s9+$0xFFFFFFF0] =	vst v7  }
0xea: {  	s18 =	sshra.s32 s18, $0x2;
	v7 =	vld [tilespmem:s17+$0x10];
	[tilespmem:s9+$0x0] =	vst v5;
	s9 =	smov.u32 s17  }
0xeb: {  	v5 =	vld.idx.msk [tilespmem:v4+s18+$0x0 ss:$0x1], $0xffff  }
0xec: {  	v6 =	vld [tilespmem:s17+$0xFFFFFFE0]  }
0xed: {  	v10 =	vld [tilespmem:s17+$0x0]  }
.Ltmp6:
0xee: {  	(pc) =	sbr.rel @p0 .LBB2_15-.Ltmp6, $3  }
0xef: {  	_ =	sdelay $0x1  }
0xf0: {  	v8 =	vmul.f32 v7, v5;
	v6 =	vmul.f32 v6, v5  }
0xf1: {  	v7 =	vmul.f32 v9, v5;
	v5 =	vmul.f32 v10, v5  }
0xf2: {  	[tilespmem:s9+$0x10] =	vst v8  }
0xf3: {  	[tilespmem:s9+$0xFFFFFFE0] =	vst v6;
	s15 =	sadd.s32 $0x1, s15  }
0xf4: {  	[tilespmem:s9+$0xFFFFFFF0] =	vst v7;
	p0 =	sne.s32 s15, $0x5  }
.Ltmp7:
0xf5: {  	s8 =	sadd.s32 s6, s8;
	[tilespmem:s9+$0x0] =	vst v5;
	(pc) =	sbr.rel @p0 .LBB2_12-.Ltmp7, $4  }
0xf6: {  	[hbm4b:s8+s3] =	stream.linear.scatter [tilespmem:s25], [sflag:$0x4], $0x2000, $0x38;
	[tilespmem:$0x1E800] =	vst v63  }
0xf7: {  	_ =	swait.ge [sflag:s19], $0x2000  }
0xf8: {  	[sflag:s19] =	ssyncset.done $0x0  }
0xf9: {  	s14 =	sadd.s32 $0x800, s14;
	[sflag:s19] =	ssyncadd.s32 $0xFFFFE000  }
0xfa: {  	[bflag:$0x0] =	sbarrier.arrive $0xFFFF;
	s15 =	simm.s32 $0x0  }
.LBB2_18:
0xfb: {  	s8 =	simm.s32 $0x0  }
0xfc: {  	[tilespmem:s24], [sflag:$0x1] =	stream.indirect.gather [hbm4b:s6+s23], $0x40, s8, s23, $0xb8;
	[tilespmem:$0x1E800] =	vst v63  }
0xfd: {  	s18 =	simm.s32 $0x80  }
0xfe: {  	[tilespmem:s26], [sflag:$0x2] =	stream.indirect.gather [hbm4b:s6+s23], $0x40, s18, s23, $0xb8;
	[tilespmem:$0x1E800] =	vst v63  }
0xff: {  	_ =	swait.ge [sflag:s28], $0x2000  }
0x100: {  	[sflag:s28] =	ssyncset.done $0x0  }
0x101: {  	s20 =	simm.s32 $0x5000;
	[sflag:s28] =	ssyncadd.s32 $0xFFFFE000  }
0x102: {  	[spmem:s2] =	stream.indirect.scatter.add.f32 [tilespmem:s24], [sflag:$0x4], $0x40, s20, s23, $0xb8;
	[tilespmem:$0x1E800] =	vst v63  }
0x103: {  	_ =	swait.ge [sflag:s19], $0x2000  }
0x104: {  	[sflag:s19] =	ssyncset.done $0x0  }
0x105: {  	s21 =	simm.s32 $0x100;
	[sflag:s19] =	ssyncadd.s32 $0xFFFFE000  }
0x106: {  	[tilespmem:s24], [sflag:$0x1] =	stream.indirect.gather [hbm4b:s6+s23], $0x40, s21, s23, $0xb8;
	[tilespmem:$0x1E800] =	vst v63  }
0x107: {  	_ =	swait.ge [sflag:s29], $0x2000  }
0x108: {  	[sflag:s29] =	ssyncset.done $0x0  }
0x109: {  	s30 =	simm.s32 $0x5080;
	[sflag:s29] =	ssyncadd.s32 $0xFFFFE000  }
0x10a: {  	[spmem:s2] =	stream.indirect.scatter.add.f32 [tilespmem:s26], [sflag:$0x4], $0x40, s30, s23, $0xb8;
	[tilespmem:$0x1E800] =	vst v63  }
0x10b: {  	_ =	swait.ge [sflag:s19], $0x2000  }
0x10c: {  	s9 =	simm.s32 $0x800;
	s8 =	simm.s32 $0x100;
	[sflag:s19] =	ssyncset.done $0x0  }
.LBB2_19:
0x10d: {  	s11 =	sadd.s32 $0x80, s8  }
0x10e: {  	[sflag:s19] =	ssyncadd.s32 $0xFFFFE000;
	s14 =	smov.u32 s9;
	s16 =	sadd.s32 $0x400, s9  }
0x10f: {  	[tilespmem:s26], [sflag:$0x2] =	stream.indirect.gather [hbm4b:s6+s23], $0x40, s11, s23, $0xb8;
	[tilespmem:$0x1E800] =	vst v63  }
0x110: {  	p0 =	sne.s32 s9, $0x9800;
	_ =	swait.ge [sflag:s28], $0x2000  }
0x111: {  	[sflag:s28] =	ssyncset.done $0x0  }
0x112: {  	s9 =	sadd.s32 $0x5000, s8;
	[sflag:s28] =	ssyncadd.s32 $0xFFFFE000  }
0x113: {  	[spmem:s2] =	stream.indirect.scatter.add.f32 [tilespmem:s24], [sflag:$0x4], $0x40, s9, s23, $0xb8;
	[tilespmem:$0x1E800] =	vst v63  }
0x114: {  	_ =	swait.ge [sflag:s19], $0x2000  }
0x115: {  	[sflag:s19] =	ssyncset.done $0x0  }
0x116: {  	s9 =	sadd.s32 $0x100, s8;
	[sflag:s19] =	ssyncadd.s32 $0xFFFFE000  }
0x117: {  	[tilespmem:s24], [sflag:$0x1] =	stream.indirect.gather [hbm4b:s6+s23], $0x40, s9, s23, $0xb8;
	[tilespmem:$0x1E800] =	vst v63  }
0x118: {  	_ =	swait.ge [sflag:s29], $0x2000  }
.Ltmp8:
0x119: {  	[sflag:s29] =	ssyncset.done $0x0;
	(pc) =	sbr.rel @p0 .LBB2_19-.Ltmp8, $4  }
0x11a: {  	s8 =	sadd.s32 $0x5080, s8;
	[sflag:s29] =	ssyncadd.s32 $0xFFFFE000  }
0x11b: {  	[spmem:s2] =	stream.indirect.scatter.add.f32 [tilespmem:s26], [sflag:$0x4], $0x40, s8, s23, $0xb8;
	[tilespmem:$0x1E800] =	vst v63  }
0x11c: {  	_ =	swait.ge [sflag:s19], $0x2000  }
0x11d: {  	s9 =	smov.u32 s16;
	s8 =	sshra.s32 s14, $0x2;
	[sflag:s19] =	ssyncset.done $0x0  }
0x11e: {  	s9 =	sadd.s32 $0x80, s8;
	[sflag:s19] =	ssyncadd.s32 $0xFFFFE000  }
0x11f: {  	[tilespmem:s26], [sflag:$0x2] =	stream.indirect.gather [hbm4b:s6+s23], $0x40, s9, s23, $0xb8;
	[tilespmem:$0x1E800] =	vst v63  }
0x120: {  	_ =	swait.ge [sflag:s28], $0x2000  }
0x121: {  	[sflag:s28] =	ssyncset.done $0x0  }
0x122: {  	s18 =	sadd.s32 $0x5000, s8;
	[sflag:s28] =	ssyncadd.s32 $0xFFFFE000  }
0x123: {  	[spmem:s2] =	stream.indirect.scatter.add.f32 [tilespmem:s24], [sflag:$0x4], $0x40, s18, s23, $0xb8;
	[tilespmem:$0x1E800] =	vst v63  }
0x124: {  	_ =	swait.ge [sflag:s19], $0x2000  }
0x125: {  	[sflag:s19] =	ssyncset.done $0x0  }
0x126: {  	s20 =	sadd.s32 $0x100, s8;
	[sflag:s19] =	ssyncadd.s32 $0xFFFFE000  }
0x127: {  	[tilespmem:s24], [sflag:$0x1] =	stream.indirect.gather [hbm4b:s6+s23], $0x40, s20, s23, $0xb8;
	[tilespmem:$0x1E800] =	vst v63  }
0x128: {  	_ =	swait.ge [sflag:s29], $0x2000  }
0x129: {  	[sflag:s29] =	ssyncset.done $0x0  }
0x12a: {  	s21 =	sadd.s32 $0x5080, s8;
	[sflag:s29] =	ssyncadd.s32 $0xFFFFE000  }
0x12b: {  	[spmem:s2] =	stream.indirect.scatter.add.f32 [tilespmem:s26], [sflag:$0x4], $0x40, s21, s23, $0xb8;
	[tilespmem:$0x1E800] =	vst v63  }
0x12c: {  	_ =	swait.ge [sflag:s19], $0x2000  }
0x12d: {  	[sflag:s19] =	ssyncset.done $0x0  }
0x12e: {  	s30 =	simm.s32 $0x2780;
	[sflag:s19] =	ssyncadd.s32 $0xFFFFE000  }
0x12f: {  	[tilespmem:s26], [sflag:$0x2] =	stream.indirect.gather [hbm4b:s6+s23], $0x40, s30, s23, $0xb8;
	[tilespmem:$0x1E800] =	vst v63  }
0x130: {  	_ =	swait.ge [sflag:s28], $0x2000  }
0x131: {  	[sflag:s28] =	ssyncset.done $0x0  }
0x132: {  	[sflag:s28] =	ssyncadd.s32 $0xFFFFE000  }
0x133: {  	[spmem:s2] =	stream.indirect.scatter.add.f32 [tilespmem:s24], [sflag:$0x4], $0x40, s31, s23, $0xb8;
	[tilespmem:$0x1E800] =	vst v63  }
0x134: {  	_ =	swait.ge [sflag:s19], $0x2000  }
0x135: {  	[sflag:s19] =	ssyncset.done $0x0  }
0x136: {  	[sflag:s19] =	ssyncadd.s32 $0xFFFFE000  }
0x137: {  	_ =	swait.ge [sflag:s29], $0x2000  }
0x138: {  	[sflag:s29] =	ssyncset.done $0x0  }
0x139: {  	[sflag:s29] =	ssyncadd.s32 $0xFFFFE000  }
0x13a: {  	[spmem:s2] =	stream.indirect.scatter.add.f32 [tilespmem:s26], [sflag:$0x4], $0x40, s0, s23, $0xb8;
	[tilespmem:$0x1E800] =	vst v63  }
0x13b: {  	_ =	swait.ge [sflag:s19], $0x2000  }
0x13c: {  	s16 =	simm.s32 $0x0;
	[sflag:s19] =	ssyncset.done $0x0  }
0x13d: {  	s14 =	simm.s32 $0x12000;
	p0 =	seq.s32 s15, $0xF;
	[sflag:s19] =	ssyncadd.s32 $0xFFFFE000  }
0x13e: {  	s11 =	simm.s32 $0x0;
	s20 =	simm.s32 $0xF800;
	[bflag:$0x0] =	sbarrier.arrive $0xFFFF  }
.LBB2_21:
0x13f: {  	s8 =	sshll.u32 s11, $0x7  }
0x140: {  	s9 =	sadd.s32 s7, s8  }
0x141: {  	s8 =	sadd.s32 s5, s9  }
0x142: {  	s17 =	sshll.u32 s8, $0x3  }
0x143: {  	s9 =	sshll.u32 s9, $0x6;
	s8 =	sadd.s32 s6, s17  }
0x144: {  	[tilespmem:s26], [sflag:$0x2] =	stream.linear.gather [hbm4b:s8+s16], $0x2000, $0x38;
	[tilespmem:$0x1E800] =	vst v63  }
0x145: {  	s9 =	sand.u32 $0x3FFFFFC0, s9;
	s17 =	sadd.s32 s4, s17  }
0x146: {  	[tilespmem:s25], [sflag:$0x3] =	stream.linear.gather [hbm4b:s17+s16], $0x2000, $0x38;
	[tilespmem:$0x1E800] =	vst v63  }
0x147: {  	s9 =	sadd.s32 s9, s2  }
0x148: {  	[tilespmem:s24], [sflag:$0x4] =	stream.linear.gather [spmem:s9], $0x2000, $0x38;
	[tilespmem:$0x1E800] =	vst v63  }
0x149: {  	_ =	swait.ge [sflag:s19], $0x2000  }
0x14a: {  	[sflag:s19] =	ssyncset.done $0x0  }
0x14b: {  	[sflag:s19] =	ssyncadd.s32 $0xFFFFE000  }
0x14c: {  	_ =	swait.ge [sflag:s29], $0x2000  }
0x14d: {  	[sflag:s29] =	ssyncset.done $0x0  }
0x14e: {  	[sflag:s29] =	ssyncadd.s32 $0xFFFFE000  }
0x14f: {  	_ =	swait.ge [sflag:s1], $0x2000  }
0x150: {  	[sflag:s1] =	ssyncset.done $0x0  }
0x151: {  	s30 =	simm.s32 $0x0;
	[sflag:s1] =	ssyncadd.s32 $0xFFFFE000  }
0x152: {  	v8 =	vld [tilespmem:s30+$0xB830]  }
0x153: {  	v9 =	vld [tilespmem:s30+$0x9830]  }
0x154: {  	v5 =	vld [tilespmem:s30+$0x9800]  }
0x155: {  	v7 =	vld [tilespmem:s30+$0x9810]  }
0x156: {  	v10 =	vld [tilespmem:s30+$0x7830]  }
0x157: {  	v6 =	vld [tilespmem:s30+$0x7800]  }
0x158: {  	v11 =	vld [tilespmem:s20+$0x0]  }
0x159: {  	v13 =	vld [tilespmem:s30+$0x7810]  }
0x15a: {  	v4 =	vld [tilespmem:s14+$0x0]  }
0x15b: {  	v14 =	vld [tilespmem:s30+$0xB800]  }
0x15c: {  	v15 =	vld [tilespmem:s30+$0xB820]  }
0x15d: {  	v12 =	vld [tilespmem:s30+$0x9820];
	v6 =	vadd.f32 v5, v6;
	(erf) = vrcp.f32 v11  }
0x15e: {  	v5 =	vmul.f32 $1.000000010e-01, v11;
	v16 =	vadd.f32 v7, v13;
	v13 =	vld [tilespmem:s30+$0x7820]  }
0x15f: {  	v6 =	vmul.f32 v6, v4  }
0x160: {  	v7 =	vmul.f32 v14, v5;
	v11 =	vmul.f32 v8, v5;
	v14 =	vld [tilespmem:s30+$0xB810]  }
0x161: {  	s21 =	simm.s32 $0x100;
	s18 =	smov.u32 s14;
	s17 =	smov.u32 s20;
	v8 =	vadd.f32 v9, v10;
	v9 =	vmul.f32 v15, v5;
	v10 =	vmul.f32 v16, v4  }
.LBB2_22:
0x162: {  	p1 =	sne.s32 s21, $0x7F00;
	s17 =	sadd.s32 $0x10, s17;
	s18 =	sadd.s32 $0x10, s18  }
0x163: {  	s12 =	smov.u32 s21;
	s21 =	sadd.s32 $0x100, s21;
	v12 =	vadd.f32 v12, v13  }
0x164: {  	v13 =	vmul.f32 v8, v4  }
0x165: {  	v5 =	vmul.f32 v14, v5;
	v4 =	vmul.f32 v12, v4  }
0x166: {  	v6 =	vadd.f32 v7, v6;
	s12 =	sshra.s32 s12, $0x2;
	v7 =	vadd.f32 v11, v13;
	v8 =	vpop (erf)  }
0x167: {  	v11 =	vld [tilespmem:s12+$0xB830];
	v8 =	vpsel !p0, $0x3F800000, v8;
	v5 =	vadd.f32 v5, v10;
	v4 =	vadd.f32 v9, v4  }
0x168: {  	v9 =	vld [tilespmem:s12+$0x9830];
	v6 =	vmul.f32 v6, v8;
	v7 =	vmul.f32 v7, v8  }
0x169: {  	v10 =	vld [tilespmem:s12+$0x9800];
	v5 =	vmul.f32 v5, v8;
	v4 =	vmul.f32 v4, v8  }
0x16a: {  	v14 =	vld [tilespmem:s12+$0x9810];
	[tilespmem:s30+$0x7830] =	vst v7  }
0x16b: {  	v7 =	vld [tilespmem:s12+$0x7830];
	[tilespmem:s30+$0x7820] =	vst v4  }
0x16c: {  	v15 =	vld [tilespmem:s12+$0xB800];
	[tilespmem:s30+$0x7800] =	vst v6  }
0x16d: {  	v6 =	vld [tilespmem:s12+$0x7800];
	[tilespmem:s30+$0x7810] =	vst v5;
	s30 =	smov.u32 s12  }
0x16e: {  	v13 =	vld [tilespmem:s17+$0x0]  }
0x16f: {  	v4 =	vld [tilespmem:s18+$0x0]  }
0x170: {  	v16 =	vld [tilespmem:s30+$0x7810];
	v8 =	vadd.f32 v9, v7  }
0x171: {  	v9 =	vld [tilespmem:s30+$0xB820]  }
0x172: {  	v6 =	vadd.f32 v10, v6  }
.Ltmp9:
0x173: {  	v5 =	vmul.f32 $1.000000010e-01, v13;
	v12 =	vld [tilespmem:s30+$0x9820];
	(erf) = vrcp.f32 v13;
	(pc) =	sbr.rel @p1 .LBB2_22-.Ltmp9, $4  }
0x174: {  	v6 =	vmul.f32 v6, v4;
	v13 =	vld [tilespmem:s30+$0x7820]  }
0x175: {  	v7 =	vmul.f32 v15, v5;
	v10 =	vadd.f32 v14, v16;
	v11 =	vmul.f32 v11, v5  }
0x176: {  	v14 =	vld [tilespmem:s30+$0xB810];
	v9 =	vmul.f32 v9, v5  }
0x177: {  	v10 =	vmul.f32 v10, v4  }
0x178: {  	_ =	sdelay $0x1  }
0x179: {  	v8 =	vmul.f32 v8, v4;
	v12 =	vadd.f32 v12, v13;
	_ =	sdelay $0x1  }
0x17a: {  	v8 =	vadd.f32 v11, v8;
	v4 =	vmul.f32 v12, v4;
	v62 =	vpop (erf)  }
0x17b: {  	v6 =	vadd.f32 v7, v6;
	v5 =	vmul.f32 v14, v5;
	v11 =	vpsel !p0, $0x3F800000, v62  }
0x17c: {  	v4 =	vadd.f32 v9, v4;
	v63 =	vmul.f32 v8, v11  }
0x17d: {  	v5 =	vadd.f32 v5, v10;
	v6 =	vmul.f32 v6, v11  }
0x17e: {  	v4 =	vmul.f32 v4, v11;
	[tilespmem:s30+$0x7830] =	vst v63  }
0x17f: {  	v5 =	vmul.f32 v5, v11;
	[tilespmem:s30+$0x7800] =	vst v6  }
0x180: {  	[tilespmem:s30+$0x7820] =	vst v4  }
0x181: {  	[tilespmem:s30+$0x7810] =	vst v5  }
0x182: {  	[hbm4b:s8+s3] =	stream.linear.scatter [tilespmem:s24], [sflag:$0x4], $0x2000, $0x38;
	[tilespmem:$0x1E800] =	vst v63  }
0x183: {  	s11 =	sadd.s32 $0x1, s11;
	_ =	swait.ge [sflag:s19], $0x2000  }
0x184: {  	p1 =	sne.s32 s11, $0x5;
	[sflag:s19] =	ssyncset.done $0x0  }
.Ltmp10:
0x185: {  	[sflag:s19] =	ssyncadd.s32 $0xFFFFE000;
	(pc) =	sbr.rel @p1 .LBB2_21-.Ltmp10, $4  }
0x186: {  	[spmem:s9] =	stream.linear.scatter [tilespmem:s22], [sflag:$0x4], $0x2000, $0x38;
	[tilespmem:$0x1E800] =	vst v63  }
0x187: {  	_ =	swait.ge [sflag:s19], $0x2000  }
0x188: {  	[sflag:s19] =	ssyncset.done $0x0  }
0x189: {  	s20 =	sadd.s32 $0x800, s20;
	s14 =	sadd.s32 $0x800, s14;
	[sflag:s19] =	ssyncadd.s32 $0xFFFFE000  }
0x18a: {  	[bflag:$0x0] =	sbarrier.arrive $0xFFFF;
	s8 =	simm.s32 $0x2800  }
0x18b: {  	[tilespmem:s24], [sflag:$0x1] =	stream.indirect.gather [hbm4b:s6+s23], $0x40, s8, s23, $0xb8;
	[tilespmem:$0x1E800] =	vst v63  }
0x18c: {  	s18 =	simm.s32 $0x2880  }
0x18d: {  	[tilespmem:s26], [sflag:$0x2] =	stream.indirect.gather [hbm4b:s6+s23], $0x40, s18, s23, $0xb8;
	[tilespmem:$0x1E800] =	vst v63  }
0x18e: {  	_ =	swait.ge [sflag:s28], $0x2000  }
0x18f: {  	[sflag:s28] =	ssyncset.done $0x0  }
0x190: {  	s20 =	simm.s32 $0x5000;
	[sflag:s28] =	ssyncadd.s32 $0xFFFFE000  }
0x191: {  	[spmem:s2] =	stream.indirect.scatter.add.f32 [tilespmem:s24], [sflag:$0x4], $0x40, s20, s23, $0xb8;
	[tilespmem:$0x1E800] =	vst v63  }
0x192: {  	_ =	swait.ge [sflag:s19], $0x2000  }
0x193: {  	[sflag:s19] =	ssyncset.done $0x0  }
0x194: {  	s21 =	simm.s32 $0x2900;
	[sflag:s19] =	ssyncadd.s32 $0xFFFFE000  }
0x195: {  	[tilespmem:s24], [sflag:$0x1] =	stream.indirect.gather [hbm4b:s6+s23], $0x40, s21, s23, $0xb8;
	[tilespmem:$0x1E800] =	vst v63  }
0x196: {  	_ =	swait.ge [sflag:s29], $0x2000  }
0x197: {  	[sflag:s29] =	ssyncset.done $0x0  }
0x198: {  	s30 =	simm.s32 $0x5080;
	[sflag:s29] =	ssyncadd.s32 $0xFFFFE000  }
0x199: {  	[spmem:s2] =	stream.indirect.scatter.add.f32 [tilespmem:s26], [sflag:$0x4], $0x40, s30, s23, $0xb8;
	[tilespmem:$0x1E800] =	vst v63  }
0x19a: {  	_ =	swait.ge [sflag:s19], $0x2000  }
0x19b: {  	s9 =	simm.s32 $0x800;
	s8 =	simm.s32 $0x100;
	[sflag:s19] =	ssyncset.done $0x0  }
.LBB2_25:
0x19c: {  	s11 =	sadd.s32 $0x2880, s8  }
0x19d: {  	[sflag:s19] =	ssyncadd.s32 $0xFFFFE000;
	s12 =	smov.u32 s9;
	s14 =	sadd.s32 $0x400, s9  }
0x19e: {  	[tilespmem:s26], [sflag:$0x2] =	stream.indirect.gather [hbm4b:s6+s23], $0x40, s11, s23, $0xb8;
	[tilespmem:$0x1E800] =	vst v63  }
0x19f: {  	p1 =	sne.s32 s9, $0x9800;
	_ =	swait.ge [sflag:s28], $0x2000  }
0x1a0: {  	[sflag:s28] =	ssyncset.done $0x0  }
0x1a1: {  	s9 =	sadd.s32 $0x5000, s8;
	[sflag:s28] =	ssyncadd.s32 $0xFFFFE000  }
0x1a2: {  	[spmem:s2] =	stream.indirect.scatter.add.f32 [tilespmem:s24], [sflag:$0x4], $0x40, s9, s23, $0xb8;
	[tilespmem:$0x1E800] =	vst v63  }
0x1a3: {  	_ =	swait.ge [sflag:s19], $0x2000  }
0x1a4: {  	[sflag:s19] =	ssyncset.done $0x0  }
0x1a5: {  	s9 =	sadd.s32 $0x2900, s8;
	[sflag:s19] =	ssyncadd.s32 $0xFFFFE000  }
0x1a6: {  	[tilespmem:s24], [sflag:$0x1] =	stream.indirect.gather [hbm4b:s6+s23], $0x40, s9, s23, $0xb8;
	[tilespmem:$0x1E800] =	vst v63  }
0x1a7: {  	_ =	swait.ge [sflag:s29], $0x2000  }
.Ltmp11:
0x1a8: {  	[sflag:s29] =	ssyncset.done $0x0;
	(pc) =	sbr.rel @p1 .LBB2_25-.Ltmp11, $4  }
0x1a9: {  	s8 =	sadd.s32 $0x5080, s8;
	[sflag:s29] =	ssyncadd.s32 $0xFFFFE000  }
0x1aa: {  	[spmem:s2] =	stream.indirect.scatter.add.f32 [tilespmem:s26], [sflag:$0x4], $0x40, s8, s23, $0xb8;
	[tilespmem:$0x1E800] =	vst v63  }
0x1ab: {  	_ =	swait.ge [sflag:s19], $0x2000  }
0x1ac: {  	s9 =	smov.u32 s14;
	s8 =	sshra.s32 s12, $0x2;
	[sflag:s19] =	ssyncset.done $0x0  }
0x1ad: {  	s9 =	sadd.s32 $0x2880, s8;
	[sflag:s19] =	ssyncadd.s32 $0xFFFFE000  }
0x1ae: {  	[tilespmem:s26], [sflag:$0x2] =	stream.indirect.gather [hbm4b:s6+s23], $0x40, s9, s23, $0xb8;
	[tilespmem:$0x1E800] =	vst v63  }
0x1af: {  	_ =	swait.ge [sflag:s28], $0x2000  }
0x1b0: {  	[sflag:s28] =	ssyncset.done $0x0  }
0x1b1: {  	s18 =	sadd.s32 $0x5000, s8;
	[sflag:s28] =	ssyncadd.s32 $0xFFFFE000  }
0x1b2: {  	[spmem:s2] =	stream.indirect.scatter.add.f32 [tilespmem:s24], [sflag:$0x4], $0x40, s18, s23, $0xb8;
	[tilespmem:$0x1E800] =	vst v63  }
0x1b3: {  	_ =	swait.ge [sflag:s19], $0x2000  }
0x1b4: {  	[sflag:s19] =	ssyncset.done $0x0  }
0x1b5: {  	s20 =	sadd.s32 $0x2900, s8;
	[sflag:s19] =	ssyncadd.s32 $0xFFFFE000  }
0x1b6: {  	[tilespmem:s24], [sflag:$0x1] =	stream.indirect.gather [hbm4b:s6+s23], $0x40, s20, s23, $0xb8;
	[tilespmem:$0x1E800] =	vst v63  }
0x1b7: {  	_ =	swait.ge [sflag:s29], $0x2000  }
0x1b8: {  	[sflag:s29] =	ssyncset.done $0x0  }
0x1b9: {  	s21 =	sadd.s32 $0x5080, s8;
	[sflag:s29] =	ssyncadd.s32 $0xFFFFE000  }
0x1ba: {  	[spmem:s2] =	stream.indirect.scatter.add.f32 [tilespmem:s26], [sflag:$0x4], $0x40, s21, s23, $0xb8;
	[tilespmem:$0x1E800] =	vst v63  }
0x1bb: {  	_ =	swait.ge [sflag:s19], $0x2000  }
0x1bc: {  	[sflag:s19] =	ssyncset.done $0x0  }
0x1bd: {  	s30 =	simm.s32 $0x4F80;
	[sflag:s19] =	ssyncadd.s32 $0xFFFFE000  }
0x1be: {  	[tilespmem:s26], [sflag:$0x2] =	stream.indirect.gather [hbm4b:s6+s23], $0x40, s30, s23, $0xb8;
	[tilespmem:$0x1E800] =	vst v63  }
0x1bf: {  	_ =	swait.ge [sflag:s28], $0x2000  }
0x1c0: {  	[sflag:s28] =	ssyncset.done $0x0  }
0x1c1: {  	[sflag:s28] =	ssyncadd.s32 $0xFFFFE000  }
0x1c2: {  	[spmem:s2] =	stream.indirect.scatter.add.f32 [tilespmem:s24], [sflag:$0x4], $0x40, s31, s23, $0xb8;
	[tilespmem:$0x1E800] =	vst v63  }
0x1c3: {  	_ =	swait.ge [sflag:s19], $0x2000  }
0x1c4: {  	[sflag:s19] =	ssyncset.done $0x0  }
0x1c5: {  	[sflag:s19] =	ssyncadd.s32 $0xFFFFE000  }
0x1c6: {  	_ =	swait.ge [sflag:s29], $0x2000  }
0x1c7: {  	[sflag:s29] =	ssyncset.done $0x0  }
0x1c8: {  	[sflag:s29] =	ssyncadd.s32 $0xFFFFE000  }
0x1c9: {  	[spmem:s2] =	stream.indirect.scatter.add.f32 [tilespmem:s26], [sflag:$0x4], $0x40, s0, s23, $0xb8;
	[tilespmem:$0x1E800] =	vst v63  }
0x1ca: {  	_ =	swait.ge [sflag:s19], $0x2000  }
0x1cb: {  	[sflag:s19] =	ssyncset.done $0x0  }
0x1cc: {  	s16 =	simm.s32 $0x0;
	s17 =	simm.s32 $0xF800;
	[sflag:s19] =	ssyncadd.s32 $0xFFFFE000  }
0x1cd: {  	s11 =	simm.s32 $0x0;
	s18 =	simm.s32 $0x12000;
	[bflag:$0x0] =	sbarrier.arrive $0xFFFF  }
.LBB2_27:
0x1ce: {  	s8 =	sshll.u32 s11, $0x7  }
0x1cf: {  	s9 =	sadd.s32 s7, s8  }
0x1d0: {  	s8 =	sadd.s32 s10, s9  }
0x1d1: {  	s12 =	sshll.u32 s8, $0x3  }
0x1d2: {  	s9 =	sshll.u32 s9, $0x6;
	s8 =	sadd.s32 s6, s12  }
0x1d3: {  	[tilespmem:s26], [sflag:$0x2] =	stream.linear.gather [hbm4b:s8+s16], $0x2000, $0x38;
	[tilespmem:$0x1E800] =	vst v63  }
0x1d4: {  	s9 =	sand.u32 $0x3FFFFFC0, s9;
	s12 =	sadd.s32 s4, s12  }
0x1d5: {  	[tilespmem:s25], [sflag:$0x3] =	stream.linear.gather [hbm4b:s12+s16], $0x2000, $0x38;
	[tilespmem:$0x1E800] =	vst v63  }
0x1d6: {  	s9 =	sadd.s32 s9, s2  }
0x1d7: {  	[tilespmem:s24], [sflag:$0x4] =	stream.linear.gather [spmem:s9], $0x2000, $0x38;
	[tilespmem:$0x1E800] =	vst v63  }
0x1d8: {  	_ =	swait.ge [sflag:s19], $0x2000  }
0x1d9: {  	[sflag:s19] =	ssyncset.done $0x0  }
0x1da: {  	[sflag:s19] =	ssyncadd.s32 $0xFFFFE000  }
0x1db: {  	_ =	swait.ge [sflag:s29], $0x2000  }
0x1dc: {  	[sflag:s29] =	ssyncset.done $0x0  }
0x1dd: {  	[sflag:s29] =	ssyncadd.s32 $0xFFFFE000  }
0x1de: {  	_ =	swait.ge [sflag:s1], $0x2000  }
0x1df: {  	[sflag:s1] =	ssyncset.done $0x0  }
0x1e0: {  	s30 =	simm.s32 $0x0;
	[sflag:s1] =	ssyncadd.s32 $0xFFFFE000  }
0x1e1: {  	v8 =	vld [tilespmem:s30+$0xB830]  }
0x1e2: {  	v9 =	vld [tilespmem:s30+$0x9830]  }
0x1e3: {  	v5 =	vld [tilespmem:s30+$0x9800]  }
0x1e4: {  	v7 =	vld [tilespmem:s30+$0x9810]  }
0x1e5: {  	v10 =	vld [tilespmem:s30+$0x7830]  }
0x1e6: {  	v6 =	vld [tilespmem:s30+$0x7800]  }
0x1e7: {  	v11 =	vld [tilespmem:s17+$0x0]  }
0x1e8: {  	v13 =	vld [tilespmem:s30+$0x7810]  }
0x1e9: {  	v4 =	vld [tilespmem:s18+$0x0]  }
0x1ea: {  	v14 =	vld [tilespmem:s30+$0xB800]  }
0x1eb: {  	v15 =	vld [tilespmem:s30+$0xB820]  }
0x1ec: {  	v12 =	vld [tilespmem:s30+$0x9820];
	v6 =	vadd.f32 v5, v6;
	(erf) = vrcp.f32 v11  }
0x1ed: {  	v5 =	vmul.f32 $1.000000010e-01, v11;
	v16 =	vadd.f32 v7, v13;
	v13 =	vld [tilespmem:s30+$0x7820]  }
0x1ee: {  	v6 =	vmul.f32 v6, v4  }
0x1ef: {  	v7 =	vmul.f32 v14, v5;
	v11 =	vmul.f32 v8, v5;
	v14 =	vld [tilespmem:s30+$0xB810]  }
0x1f0: {  	s21 =	simm.s32 $0x100;
	s20 =	smov.u32 s17;
	s14 =	smov.u32 s18;
	v8 =	vadd.f32 v9, v10;
	v9 =	vmul.f32 v15, v5;
	v10 =	vmul.f32 v16, v4  }
.LBB2_28:
0x1f1: {  	p1 =	sne.s32 s21, $0x7F00;
	s20 =	sadd.s32 $0x10, s20;
	s14 =	sadd.s32 $0x10, s14  }
0x1f2: {  	s12 =	smov.u32 s21;
	s21 =	sadd.s32 $0x100, s21;
	v12 =	vadd.f32 v12, v13  }
0x1f3: {  	v13 =	vmul.f32 v8, v4  }
0x1f4: {  	v5 =	vmul.f32 v14, v5;
	v4 =	vmul.f32 v12, v4  }
0x1f5: {  	v6 =	vadd.f32 v7, v6;
	s12 =	sshra.s32 s12, $0x2;
	v7 =	vadd.f32 v11, v13;
	v8 =	vpop (erf)  }
0x1f6: {  	v11 =	vld [tilespmem:s12+$0xB830];
	v8 =	vpsel !p0, $0x3F800000, v8;
	v5 =	vadd.f32 v5, v10;
	v4 =	vadd.f32 v9, v4  }
0x1f7: {  	v9 =	vld [tilespmem:s12+$0x9830];
	v6 =	vmul.f32 v6, v8;
	v7 =	vmul.f32 v7, v8  }
0x1f8: {  	v10 =	vld [tilespmem:s12+$0x9800];
	v5 =	vmul.f32 v5, v8;
	v4 =	vmul.f32 v4, v8  }
0x1f9: {  	v14 =	vld [tilespmem:s12+$0x9810];
	[tilespmem:s30+$0x7830] =	vst v7  }
0x1fa: {  	v7 =	vld [tilespmem:s12+$0x7830];
	[tilespmem:s30+$0x7820] =	vst v4  }
0x1fb: {  	v15 =	vld [tilespmem:s12+$0xB800];
	[tilespmem:s30+$0x7800] =	vst v6  }
0x1fc: {  	v6 =	vld [tilespmem:s12+$0x7800];
	[tilespmem:s30+$0x7810] =	vst v5;
	s30 =	smov.u32 s12  }
0x1fd: {  	v13 =	vld [tilespmem:s20+$0x0]  }
0x1fe: {  	v4 =	vld [tilespmem:s14+$0x0]  }
0x1ff: {  	v16 =	vld [tilespmem:s30+$0x7810];
	v8 =	vadd.f32 v9, v7  }
0x200: {  	v9 =	vld [tilespmem:s30+$0xB820]  }
0x201: {  	v6 =	vadd.f32 v10, v6  }
.Ltmp12:
0x202: {  	v5 =	vmul.f32 $1.000000010e-01, v13;
	v12 =	vld [tilespmem:s30+$0x9820];
	(erf) = vrcp.f32 v13;
	(pc) =	sbr.rel @p1 .LBB2_28-.Ltmp12, $4  }
0x203: {  	v6 =	vmul.f32 v6, v4;
	v13 =	vld [tilespmem:s30+$0x7820]  }
0x204: {  	v7 =	vmul.f32 v15, v5;
	v10 =	vadd.f32 v14, v16;
	v11 =	vmul.f32 v11, v5  }
0x205: {  	v14 =	vld [tilespmem:s30+$0xB810];
	v9 =	vmul.f32 v9, v5  }
0x206: {  	v10 =	vmul.f32 v10, v4  }
0x207: {  	_ =	sdelay $0x1  }
0x208: {  	v8 =	vmul.f32 v8, v4;
	v12 =	vadd.f32 v12, v13;
	_ =	sdelay $0x1  }
0x209: {  	v8 =	vadd.f32 v11, v8;
	v4 =	vmul.f32 v12, v4;
	v62 =	vpop (erf)  }
0x20a: {  	v6 =	vadd.f32 v7, v6;
	v5 =	vmul.f32 v14, v5;
	v11 =	vpsel !p0, $0x3F800000, v62  }
0x20b: {  	v4 =	vadd.f32 v9, v4;
	v63 =	vmul.f32 v8, v11  }
0x20c: {  	v5 =	vadd.f32 v5, v10;
	v6 =	vmul.f32 v6, v11  }
0x20d: {  	v4 =	vmul.f32 v4, v11;
	[tilespmem:s30+$0x7830] =	vst v63  }
0x20e: {  	v5 =	vmul.f32 v5, v11;
	[tilespmem:s30+$0x7800] =	vst v6  }
0x20f: {  	[tilespmem:s30+$0x7820] =	vst v4  }
0x210: {  	[tilespmem:s30+$0x7810] =	vst v5  }
0x211: {  	[hbm4b:s8+s3] =	stream.linear.scatter [tilespmem:s24], [sflag:$0x4], $0x2000, $0x38;
	[tilespmem:$0x1E800] =	vst v63  }
0x212: {  	s11 =	sadd.s32 $0x1, s11;
	_ =	swait.ge [sflag:s19], $0x2000  }
0x213: {  	p1 =	sne.s32 s11, $0x5;
	[sflag:s19] =	ssyncset.done $0x0  }
.Ltmp13:
0x214: {  	[sflag:s19] =	ssyncadd.s32 $0xFFFFE000;
	(pc) =	sbr.rel @p1 .LBB2_27-.Ltmp13, $4  }
0x215: {  	[spmem:s9] =	stream.linear.scatter [tilespmem:s22], [sflag:$0x4], $0x2000, $0x38;
	[tilespmem:$0x1E800] =	vst v63  }
0x216: {  	_ =	swait.ge [sflag:s19], $0x2000  }
0x217: {  	[sflag:s19] =	ssyncset.done $0x0  }
0x218: {  	s17 =	sadd.s32 $0x800, s17;
	s18 =	sadd.s32 $0x800, s18;
	[sflag:s19] =	ssyncadd.s32 $0xFFFFE000  }
0x219: {  	s15 =	sadd.s32 $0x1, s15  }
0x21a: {  	p0 =	sne.s32 s15, $0x10  }
.Ltmp14:
0x21b: {  	_ = 	snop;
	(pc) =	sbr.rel @p0 .LBB2_18-.Ltmp14, $2  }
0x21c: {  	_ =	sdelay $0x1  }
0x21d: {  	[bflag:$0x0] =	sbarrier.arrive $0xFFFF;
	_ =	sdelay $0x1  }
0x21e: {  	s9 =	rddreg [dreg:$0xc]  }
0x21f: {  	s8 =	rddreg [dreg:$0x7];
	s9 =	sadd.s32 $0x1, s9  }
0x220: {  	p0 =	sne.s32 s9, s8  }
.Ltmp15:
0x221: {  	_ = 	snop;
	(pc) =	sbr.rel @p0 .LBB2_1-.Ltmp15, $2  }
0x222: {  	_ =	sdelay $0x2  }
0x223: {  	s12 =	rddreg [dreg:$0x6]  }
0x224: {  	_ =	sfence.sel $0x180000  }
0x225: {  	[bflag:$0x0] =	sbarrier.arrive $0xFFFF  }
0x226: {  	_ =	strace $0x90000047  }
0x227: {  	s0 =	stileid.u32;
	[bflag:$0x2] =	sbarrier.arrive $0xFFFF  }
0x228: {  	p0 =	sne.s32 s0, $0x0;
	s0 =	rddreg [dreg:$0x2]  }
0x229: {  	s0 =	sadd.s32 @!p0 $0x100000, s0  }
0x22a: {  	[sflag:s0] =	ssyncadd.tile.s32 @!p0 $0x1;
	_ =	shalt  }
.Lfunc_end2:
_tile_overlayer_lowered:
.L_overlay_start_2:
0x22b: {  	(tag) =	ssettag $0x2  }
0x22c: {  	s0 =	rddreg [dreg:$0x0];
	s2 =	stileid.u32  }
0x22d: {  	s1 =	rddreg [dreg:$0x1];
	p0 =	sne.s32 s2, $0x0  }
0x22e: {  	s3 =	rddreg [dreg:$0x2];
	[bflag:$0x3] =	sbarrier.arrive $0xFFFF;
	s2 =	simm.s32 @!p0 $0x1C04  }
0x22f: {  	[timem:s3], [sflag:s2] =	dma.local @!p0 [hbm:s0], s1  }
0x230: {  	s0 =	simm.s32 @!p0 $0x4  }
0x231: {  	_ =	swait.ge @!p0 [sflag:s0], s1  }
0x232: {  	s1 =	ssub.s32 @!p0 $0x0, s1;
	[sflag:s0] =	ssyncset.done @!p0 $0x0  }
0x233: {  	[sflag:s0] =	ssyncadd.s32 @!p0 s1  }
0x234: {  	[bflag:$0x3] =	sbarrier.arrive $0xFFFF  }
0x235: {  	_ =	shalt  }

</sc_bundles>
